<compile_context>
chip_gen: v7x
topology: tpu7x:2x2x1
jax: 0.10.2.dev20260603
libtpu: 0.0.44.dev20260713+nightly
codegen_flags: <defaults>
</compile_context>

<pallas_src>
import jax
import jax.numpy as jnp
from jax import lax
from jax.experimental import pallas as pl
from jax.experimental.pallas import tpu as pltpu
from jax.experimental.pallas import tpu_sc as plsc

B, L, D = 16, 2048, 1024
LANES = 16
HALF = D // 2
NVEC = HALF // LANES
CH = 64
BLK = 512
NSTEP = L // BLK
SEQ_PER_SC = B // 2


def _sc_body(xs_hbm, len_hbm, out_hbm, lbuf, buf0, buf1, obuf, sem0, sem1):
    c = lax.axis_index("c")
    s = lax.axis_index("s")
    b = c * SEQ_PER_SC + s // 2
    h = s % 2
    col0 = h * HALF

    pltpu.sync_copy(len_hbm, lbuf)
    lvec = lbuf[...]
    wk = s // 2
    l0 = lvec[0]
    l1 = lvec[SEQ_PER_SC]
    for j in range(1, SEQ_PER_SC):
        l0 = jnp.where(wk == j, lvec[j], l0)
        l1 = jnp.where(wk == j, lvec[SEQ_PER_SC + j], l1)
    l = jnp.where(c == 0, l0, l1)

    base = (l // BLK) * BLK
    n = l - base
    nch = (n + CH - 1) // CH

    def issue(i, buf, sem):
        pltpu.make_async_copy(
            xs_hbm.at[b, pl.ds(base + i * CH, CH), pl.ds(col0, HALF)],
            buf, sem,
        ).start()

    def wait(buf, sem):
        pltpu.make_async_copy(
            xs_hbm.at[b, pl.ds(0, CH), pl.ds(col0, HALF)], buf, sem
        ).wait()

    def accum(i, buf, accs):
        nv = jnp.clip(n - i * CH, 0, CH)

        def row_body(r, a):
            return tuple(
                a[v] + buf[r, pl.ds(v * LANES, LANES)] for v in range(NVEC)
            )

        return lax.fori_loop(0, nv, row_body, accs)

    @pl.when(0 < nch)
    def _():
        issue(0, buf0, sem0)

    @pl.when(1 < nch)
    def _():
        issue(1, buf1, sem1)

    def pair_body(i2, accs):
        ca = 2 * i2
        wait(buf0, sem0)
        accs = accum(ca, buf0, accs)

        @pl.when(ca + 2 < nch)
        def _():
            issue(ca + 2, buf0, sem0)

        @pl.when(ca + 1 < nch)
        def _():
            wait(buf1, sem1)

        accs = accum(ca + 1, buf1, accs)

        @pl.when(ca + 3 < nch)
        def _():
            issue(ca + 3, buf1, sem1)

        return accs

    accs = tuple(jnp.zeros((LANES,), jnp.float32) for _ in range(NVEC))
    accs = lax.fori_loop(0, (nch + 1) // 2, pair_body, accs)

    inv = 1.0 / jnp.full((LANES,), l).astype(jnp.float32)
    for v in range(NVEC):
        obuf[pl.ds(v * LANES, LANES)] = accs[v] * inv
    pltpu.sync_copy(obuf, out_hbm.at[b, pl.ds(col0, HALF)])


def _tc_body(len_ref, b_ref, i_ref, x_hbm, o_ref, k_ref):
    k_ref[0] = 0
    o_ref[...] = jnp.zeros_like(o_ref)
    nblk = len_ref[0] // BLK
    for j in range(1, B):
        nblk = nblk + len_ref[j] // BLK

    def inner(x_blk):
        k = k_ref[0]
        bb = b_ref[k]
        o_ref[pl.ds(bb, 1)] += jnp.sum(
            x_blk[0].reshape(BLK // 8, 8, D), axis=0
        )[None]
        k_ref[0] = k + 1

    @pl.when(nblk > 0)
    def _():
        pltpu.emit_pipeline(
            inner,
            grid=(nblk,),
            in_specs=[
                pl.BlockSpec((1, BLK, D), lambda k: (b_ref[k], i_ref[k], 0))
            ],
        )(x_hbm)


@jax.jit
def _mean_pool(xs, lens):
    sc_kern = pl.kernel(
        _sc_body,
        out_type=jax.ShapeDtypeStruct((B, D), jnp.float32),
        mesh=plsc.VectorSubcoreMesh(core_axis_name="c", subcore_axis_name="s"),
        scratch_types=[
            pltpu.VMEM((LANES,), jnp.int32),
            pltpu.VMEM((CH, HALF), jnp.float32),
            pltpu.VMEM((CH, HALF), jnp.float32),
            pltpu.VMEM((HALF,), jnp.float32),
            pltpu.SemaphoreType.DMA,
            pltpu.SemaphoreType.DMA,
        ],
    )
    sc_out = sc_kern(xs, lens)

    nfull = lens // BLK
    cum = jnp.cumsum(nfull)
    karr = jnp.arange(B * NSTEP, dtype=jnp.int32)
    b_arr = jnp.clip(jnp.searchsorted(cum, karr, side="right"),
                     0, B - 1).astype(jnp.int32)
    i_arr = jnp.clip(karr - (cum - nfull)[b_arr], 0, NSTEP - 1)

    tc_out = pl.pallas_call(
        _tc_body,
        grid_spec=pltpu.PrefetchScalarGridSpec(
            num_scalar_prefetch=3,
            grid=(1,),
            in_specs=[pl.BlockSpec(memory_space=pl.ANY)],
            out_specs=pl.BlockSpec((B, 8, D), lambda i, *_: (0, 0, 0)),
            scratch_shapes=[pltpu.SMEM((1,), jnp.int32)],
        ),
        out_shape=jax.ShapeDtypeStruct((B, 8, D), jnp.float32),
    )(lens, b_arr, i_arr, xs)

    inv = 1.0 / lens.astype(jnp.float32)
    return sc_out + jnp.sum(tc_out, axis=1) * inv[:, None]


def kernel(xs, xs_len):
    return _mean_pool(xs, xs_len.astype(jnp.int32))

# --- scband reference (transcript-rebuilt; emitter-appended) ---
"""Pipeline reference for scband-mean-embedding-12008728559640 (READ-ONLY COPY).

The authoritative reference and input builder live on the scoring server;
editing this copy changes nothing except your own understanding.
"""

import jax, jax.numpy as jnp
import numpy as np


def setup_inputs(seed: int = 0) -> dict:
    key = jax.random.key(seed)
    k1, k2 = jax.random.split(key)
    xs = jax.random.normal(k1, (16, 2048, 1024), dtype=jnp.float32)
    # lengths in [1, 2048) to avoid empty-sequence NaN means
    xs_len = jax.random.randint(k2, (16,), 1, 2048).astype(jnp.int64)
    return {"xs": xs, "xs_len": xs_len}


def reference(xs, xs_len):
    # Faithful vectorized translation of:
    #   torch.stack([x[:l].mean(dim=-2) for x, l in zip(xs, xs_len)])
    B, L, D = xs.shape
    mask = (jnp.arange(L)[None, :] < xs_len[:, None]).astype(xs.dtype)  # [B, L]
    summed = jnp.sum(xs * mask[:, :, None], axis=1)                     # [B, D]
    repr_ = summed / xs_len[:, None].astype(xs.dtype)                   # mean over valid tokens
    return repr_

if __name__ == "__main__":
    import jax
    _d = setup_inputs()
    print(jax.jit(kernel)(*tuple(_d.values())))

</pallas_src>

<mosaic_0001>
#map = affine_map<(d0, d1) -> (0, 0, 0)>
#map1 = affine_map<(d0, d1) -> (0)>
#map2 = affine_map<(d0, d1) -> (0, 0)>
module attributes {stable_mosaic.version = 14 : i64} {
  func.func @_sc_body(%arg0: i32, %arg1: i32, %arg2: memref<16x2048x1024xf32, #tpu.memory_space<hbm>>, %arg3: memref<16xi32, #tpu.memory_space<hbm>>, %arg4: memref<16x1024xf32, #tpu.memory_space<hbm>>, %arg5: memref<16xi32, #tpu.memory_space<vmem>>, %arg6: memref<64x512xf32, #tpu.memory_space<vmem>>, %arg7: memref<64x512xf32, #tpu.memory_space<vmem>>, %arg8: memref<512xf32, #tpu.memory_space<vmem>>, %arg9: memref<!tpu.dma_semaphore, #tpu.memory_space<semaphore_mem>>, %arg10: memref<!tpu.dma_semaphore, #tpu.memory_space<semaphore_mem>>) attributes {dimension_semantics = [#tpu.dimension_semantics<core_parallel>, #tpu.dimension_semantics<subcore_parallel>], iteration_bounds = array<i64: 2, 16>, scalar_prefetch = 0 : i64, scratch_operands = 6 : i64, tpu.core_type = #tpu.core_type<sc_vector_subcore>, window_params = [{transform_indices = #map}, {transform_indices = #map1}, {transform_indices = #map2}]} {
    %mul3A = arith.constant 8 : i32
    %mul3A_0 = arith.muli %arg0, %mul3A : i32
    %jit3A = arith.constant 2 : i32
    %div3A = arith.divsi %arg1, %jit3A : i32
    %sign3A = arith.constant 0 : i32
    %sign3A_1 = arith.cmpi sgt, %arg1, %sign3A : i32
    %sign3A_2 = arith.extui %sign3A_1 : i1 to i32
    %sign3A_3 = arith.constant 0 : i32
    %sign3A_4 = arith.cmpi slt, %arg1, %sign3A_3 : i32
    %sign3A_5 = arith.extui %sign3A_4 : i1 to i32
    %sign3A_6 = arith.subi %sign3A_2, %sign3A_5 : i32
    %sign3A_7 = arith.constant 0 : i32
    %sign3A_8 = arith.cmpi sgt, %jit3A, %sign3A_7 : i32
    %sign3A_9 = arith.extui %sign3A_8 : i1 to i32
    %sign3A_10 = arith.constant 0 : i32
    %sign3A_11 = arith.cmpi slt, %jit3A, %sign3A_10 : i32
    %sign3A_12 = arith.extui %sign3A_11 : i1 to i32
    %sign3A_13 = arith.subi %sign3A_9, %sign3A_12 : i32
    %ne3A = arith.cmpi ne, %sign3A_6, %sign3A_13 : i32
    %rem3A = arith.remsi %arg1, %jit3A : i32
    %ne3A_14 = arith.constant 0 : i32
    %ne3A_15 = arith.cmpi ne, %rem3A, %ne3A_14 : i32
    %and3A = arith.andi %ne3A, %ne3A_15 : i1
    %sub3A = arith.constant 1 : i32
    %sub3A_16 = arith.subi %div3A, %sub3A : i32
    %select_n3A = arith.select %and3A, %sub3A_16, %div3A : i32
    %add3A = arith.addi %mul3A_0, %select_n3A : i32
    %jit3A_17 = arith.constant 2 : i32
    %eq3A = arith.constant 0 : i32
    %eq3A_18 = arith.cmpi eq, %jit3A_17, %eq3A : i32
    %jit3A_19 = arith.constant 1 : i32
    %select_n3A_20 = arith.select %eq3A_18, %jit3A_19, %jit3A_17 : i32
    %rem3A_21 = arith.remsi %arg1, %select_n3A_20 : i32
    %ne3A_22 = arith.constant 0 : i32
    %ne3A_23 = arith.cmpi ne, %rem3A_21, %ne3A_22 : i32
    %lt3A = arith.constant 0 : i32
    %lt3A_24 = arith.cmpi slt, %rem3A_21, %lt3A : i32
    %lt3A_25 = arith.constant 0 : i32
    %lt3A_26 = arith.cmpi slt, %select_n3A_20, %lt3A_25 : i32
    %ne3A_27 = arith.xori %lt3A_24, %lt3A_26 : i1
    %and3A_28 = arith.andi %ne3A_27, %ne3A_23 : i1
    %add3A_29 = arith.addi %rem3A_21, %select_n3A_20 : i32
    %select_n3A_30 = arith.select %and3A_28, %add3A_29, %rem3A_21 : i32
    %mul3A_31 = arith.constant 512 : i32
    %mul3A_32 = arith.muli %select_n3A_30, %mul3A_31 : i32
    "tpu.region"() ({
      %run_scoped3A = tpu.sem_alloc : memref<!tpu.dma_semaphore, #tpu.memory_space<semaphore_mem>>
      tpu.enqueue_dma source(%arg3 : memref<16xi32, #tpu.memory_space<hbm>>) target(%arg5 : memref<16xi32, #tpu.memory_space<vmem>>) target_semaphore(%run_scoped3A : memref<!tpu.dma_semaphore, #tpu.memory_space<semaphore_mem>>)
      tpu.wait_dma2 semaphore(%run_scoped3A : memref<!tpu.dma_semaphore, #tpu.memory_space<semaphore_mem>>) src(%arg3 : memref<16xi32, #tpu.memory_space<hbm>>) dst(%arg5 : memref<16xi32, #tpu.memory_space<vmem>>)
      tpu.yield
    }) : () -> ()
    %get3A = arith.constant 0 : index
    %get3A_33 = tpu.vector_load %arg5[%get3A] {strides = array<i32>} : memref<16xi32, #tpu.memory_space<vmem>>, vector<16xi32>,
    %get3A_34 = vector.shape_cast %get3A_33 : vector<16xi32> to vector<16xi32>
    %jit3A_35 = arith.constant 2 : i32
    %div3A_36 = arith.divsi %arg1, %jit3A_35 : i32
    %sign3A_37 = arith.constant 0 : i32
    %sign3A_38 = arith.cmpi sgt, %arg1, %sign3A_37 : i32
    %sign3A_39 = arith.extui %sign3A_38 : i1 to i32
    %sign3A_40 = arith.constant 0 : i32
    %sign3A_41 = arith.cmpi slt, %arg1, %sign3A_40 : i32
    %sign3A_42 = arith.extui %sign3A_41 : i1 to i32
    %sign3A_43 = arith.subi %sign3A_39, %sign3A_42 : i32
    %sign3A_44 = arith.constant 0 : i32
    %sign3A_45 = arith.cmpi sgt, %jit3A_35, %sign3A_44 : i32
    %sign3A_46 = arith.extui %sign3A_45 : i1 to i32
    %sign3A_47 = arith.constant 0 : i32
    %sign3A_48 = arith.cmpi slt, %jit3A_35, %sign3A_47 : i32
    %sign3A_49 = arith.extui %sign3A_48 : i1 to i32
    %sign3A_50 = arith.subi %sign3A_46, %sign3A_49 : i32
    %ne3A_51 = arith.cmpi ne, %sign3A_43, %sign3A_50 : i32
    %rem3A_52 = arith.remsi %arg1, %jit3A_35 : i32
    %ne3A_53 = arith.constant 0 : i32
    %ne3A_54 = arith.cmpi ne, %rem3A_52, %ne3A_53 : i32
    %and3A_55 = arith.andi %ne3A_51, %ne3A_54 : i1
    %sub3A_56 = arith.constant 1 : i32
    %sub3A_57 = arith.subi %div3A_36, %sub3A_56 : i32
    %select_n3A_58 = arith.select %and3A_55, %sub3A_57, %div3A_36 : i32
    %slice3A = vector.extract_strided_slice %get3A_34 {offsets = [0], sizes = [1], strides = [1]} : vector<16xi32> to vector<1xi32>
    %squeeze3A = vector.extract %slice3A[0] : i32 from vector<1xi32>
    %slice3A_59 = vector.extract_strided_slice %get3A_34 {offsets = [8], sizes = [1], strides = [1]} : vector<16xi32> to vector<1xi32>
    %squeeze3A_60 = vector.extract %slice3A_59[0] : i32 from vector<1xi32>
    %eq3A_61 = arith.constant 1 : i32
    %eq3A_62 = arith.cmpi eq, %select_n3A_58, %eq3A_61 : i32
    %slice3A_63 = vector.extract_strided_slice %get3A_34 {offsets = [1], sizes = [1], strides = [1]} : vector<16xi32> to vector<1xi32>
    %squeeze3A_64 = vector.extract %slice3A_63[0] : i32 from vector<1xi32>
    %select_n3A_65 = arith.select %eq3A_62, %squeeze3A_64, %squeeze3A : i32
    %eq3A_66 = arith.constant 1 : i32
    %eq3A_67 = arith.cmpi eq, %select_n3A_58, %eq3A_66 : i32
    %slice3A_68 = vector.extract_strided_slice %get3A_34 {offsets = [9], sizes = [1], strides = [1]} : vector<16xi32> to vector<1xi32>
    %squeeze3A_69 = vector.extract %slice3A_68[0] : i32 from vector<1xi32>
    %select_n3A_70 = arith.select %eq3A_67, %squeeze3A_69, %squeeze3A_60 : i32
    %eq3A_71 = arith.constant 2 : i32
    %eq3A_72 = arith.cmpi eq, %select_n3A_58, %eq3A_71 : i32
    %slice3A_73 = vector.extract_strided_slice %get3A_34 {offsets = [2], sizes = [1], strides = [1]} : vector<16xi32> to vector<1xi32>
    %squeeze3A_74 = vector.extract %slice3A_73[0] : i32 from vector<1xi32>
    %select_n3A_75 = arith.select %eq3A_72, %squeeze3A_74, %select_n3A_65 : i32
    %eq3A_76 = arith.constant 2 : i32
    %eq3A_77 = arith.cmpi eq, %select_n3A_58, %eq3A_76 : i32
    %slice3A_78 = vector.extract_strided_slice %get3A_34 {offsets = [10], sizes = [1], strides = [1]} : vector<16xi32> to vector<1xi32>
    %squeeze3A_79 = vector.extract %slice3A_78[0] : i32 from vector<1xi32>
    %select_n3A_80 = arith.select %eq3A_77, %squeeze3A_79, %select_n3A_70 : i32
    %eq3A_81 = arith.constant 3 : i32
    %eq3A_82 = arith.cmpi eq, %select_n3A_58, %eq3A_81 : i32
    %slice3A_83 = vector.extract_strided_slice %get3A_34 {offsets = [3], sizes = [1], strides = [1]} : vector<16xi32> to vector<1xi32>
    %squeeze3A_84 = vector.extract %slice3A_83[0] : i32 from vector<1xi32>
    %select_n3A_85 = arith.select %eq3A_82, %squeeze3A_84, %select_n3A_75 : i32
    %eq3A_86 = arith.constant 3 : i32
    %eq3A_87 = arith.cmpi eq, %select_n3A_58, %eq3A_86 : i32
    %slice3A_88 = vector.extract_strided_slice %get3A_34 {offsets = [11], sizes = [1], strides = [1]} : vector<16xi32> to vector<1xi32>
    %squeeze3A_89 = vector.extract %slice3A_88[0] : i32 from vector<1xi32>
    %select_n3A_90 = arith.select %eq3A_87, %squeeze3A_89, %select_n3A_80 : i32
    %eq3A_91 = arith.constant 4 : i32
    %eq3A_92 = arith.cmpi eq, %select_n3A_58, %eq3A_91 : i32
    %slice3A_93 = vector.extract_strided_slice %get3A_34 {offsets = [4], sizes = [1], strides = [1]} : vector<16xi32> to vector<1xi32>
    %squeeze3A_94 = vector.extract %slice3A_93[0] : i32 from vector<1xi32>
    %select_n3A_95 = arith.select %eq3A_92, %squeeze3A_94, %select_n3A_85 : i32
    %eq3A_96 = arith.constant 4 : i32
    %eq3A_97 = arith.cmpi eq, %select_n3A_58, %eq3A_96 : i32
    %slice3A_98 = vector.extract_strided_slice %get3A_34 {offsets = [12], sizes = [1], strides = [1]} : vector<16xi32> to vector<1xi32>
    %squeeze3A_99 = vector.extract %slice3A_98[0] : i32 from vector<1xi32>
    %select_n3A_100 = arith.select %eq3A_97, %squeeze3A_99, %select_n3A_90 : i32
    %eq3A_101 = arith.constant 5 : i32
    %eq3A_102 = arith.cmpi eq, %select_n3A_58, %eq3A_101 : i32
    %slice3A_103 = vector.extract_strided_slice %get3A_34 {offsets = [5], sizes = [1], strides = [1]} : vector<16xi32> to vector<1xi32>
    %squeeze3A_104 = vector.extract %slice3A_103[0] : i32 from vector<1xi32>
    %select_n3A_105 = arith.select %eq3A_102, %squeeze3A_104, %select_n3A_95 : i32
    %eq3A_106 = arith.constant 5 : i32
    %eq3A_107 = arith.cmpi eq, %select_n3A_58, %eq3A_106 : i32
    %slice3A_108 = vector.extract_strided_slice %get3A_34 {offsets = [13], sizes = [1], strides = [1]} : vector<16xi32> to vector<1xi32>
    %squeeze3A_109 = vector.extract %slice3A_108[0] : i32 from vector<1xi32>
    %select_n3A_110 = arith.select %eq3A_107, %squeeze3A_109, %select_n3A_100 : i32
    %eq3A_111 = arith.constant 6 : i32
    %eq3A_112 = arith.cmpi eq, %select_n3A_58, %eq3A_111 : i32
    %slice3A_113 = vector.extract_strided_slice %get3A_34 {offsets = [6], sizes = [1], strides = [1]} : vector<16xi32> to vector<1xi32>
    %squeeze3A_114 = vector.extract %slice3A_113[0] : i32 from vector<1xi32>
    %select_n3A_115 = arith.select %eq3A_112, %squeeze3A_114, %select_n3A_105 : i32
    %eq3A_116 = arith.constant 6 : i32
    %eq3A_117 = arith.cmpi eq, %select_n3A_58, %eq3A_116 : i32
    %slice3A_118 = vector.extract_strided_slice %get3A_34 {offsets = [14], sizes = [1], strides = [1]} : vector<16xi32> to vector<1xi32>
    %squeeze3A_119 = vector.extract %slice3A_118[0] : i32 from vector<1xi32>
    %select_n3A_120 = arith.select %eq3A_117, %squeeze3A_119, %select_n3A_110 : i32
    %eq3A_121 = arith.constant 7 : i32
    %eq3A_122 = arith.cmpi eq, %select_n3A_58, %eq3A_121 : i32
    %slice3A_123 = vector.extract_strided_slice %get3A_34 {offsets = [7], sizes = [1], strides = [1]} : vector<16xi32> to vector<1xi32>
    %squeeze3A_124 = vector.extract %slice3A_123[0] : i32 from vector<1xi32>
    %select_n3A_125 = arith.select %eq3A_122, %squeeze3A_124, %select_n3A_115 : i32
    %eq3A_126 = arith.constant 7 : i32
    %eq3A_127 = arith.cmpi eq, %select_n3A_58, %eq3A_126 : i32
    %slice3A_128 = vector.extract_strided_slice %get3A_34 {offsets = [15], sizes = [1], strides = [1]} : vector<16xi32> to vector<1xi32>
    %squeeze3A_129 = vector.extract %slice3A_128[0] : i32 from vector<1xi32>
    %select_n3A_130 = arith.select %eq3A_127, %squeeze3A_129, %select_n3A_120 : i32
    %eq3A_131 = arith.constant 0 : i32
    %eq3A_132 = arith.cmpi eq, %arg0, %eq3A_131 : i32
    %select_n3A_133 = arith.select %eq3A_132, %select_n3A_125, %select_n3A_130 : i32
    %jit3A_134 = arith.constant 512 : i32
    %div3A_135 = arith.divsi %select_n3A_133, %jit3A_134 : i32
    %sign3A_136 = arith.constant 0 : i32
    %sign3A_137 = arith.cmpi sgt, %select_n3A_133, %sign3A_136 : i32
    %sign3A_138 = arith.extui %sign3A_137 : i1 to i32
    %sign3A_139 = arith.constant 0 : i32
    %sign3A_140 = arith.cmpi slt, %select_n3A_133, %sign3A_139 : i32
    %sign3A_141 = arith.extui %sign3A_140 : i1 to i32
    %sign3A_142 = arith.subi %sign3A_138, %sign3A_141 : i32
    %sign3A_143 = arith.constant 0 : i32
    %sign3A_144 = arith.cmpi sgt, %jit3A_134, %sign3A_143 : i32
    %sign3A_145 = arith.extui %sign3A_144 : i1 to i32
    %sign3A_146 = arith.constant 0 : i32
    %sign3A_147 = arith.cmpi slt, %jit3A_134, %sign3A_146 : i32
    %sign3A_148 = arith.extui %sign3A_147 : i1 to i32
    %sign3A_149 = arith.subi %sign3A_145, %sign3A_148 : i32
    %ne3A_150 = arith.cmpi ne, %sign3A_142, %sign3A_149 : i32
    %rem3A_151 = arith.remsi %select_n3A_133, %jit3A_134 : i32
    %ne3A_152 = arith.constant 0 : i32
    %ne3A_153 = arith.cmpi ne, %rem3A_151, %ne3A_152 : i32
    %and3A_154 = arith.andi %ne3A_150, %ne3A_153 : i1
    %sub3A_155 = arith.constant 1 : i32
    %sub3A_156 = arith.subi %div3A_135, %sub3A_155 : i32
    %select_n3A_157 = arith.select %and3A_154, %sub3A_156, %div3A_135 : i32
    %mul3A_158 = arith.constant 512 : i32
    %mul3A_159 = arith.muli %select_n3A_157, %mul3A_158 : i32
    %sub3A_160 = arith.subi %select_n3A_133, %mul3A_159 : i32
    %add3A_161 = arith.constant 64 : i32
    %add3A_162 = arith.addi %sub3A_160, %add3A_161 : i32
    %sub3A_163 = arith.constant 1 : i32
    %sub3A_164 = arith.subi %add3A_162, %sub3A_163 : i32
    %jit3A_165 = arith.constant 64 : i32
    %div3A_166 = arith.divsi %sub3A_164, %jit3A_165 : i32
    %sign3A_167 = arith.constant 0 : i32
    %sign3A_168 = arith.cmpi sgt, %sub3A_164, %sign3A_167 : i32
    %sign3A_169 = arith.extui %sign3A_168 : i1 to i32
    %sign3A_170 = arith.constant 0 : i32
    %sign3A_171 = arith.cmpi slt, %sub3A_164, %sign3A_170 : i32
    %sign3A_172 = arith.extui %sign3A_171 : i1 to i32
    %sign3A_173 = arith.subi %sign3A_169, %sign3A_172 : i32
    %sign3A_174 = arith.constant 0 : i32
    %sign3A_175 = arith.cmpi sgt, %jit3A_165, %sign3A_174 : i32
    %sign3A_176 = arith.extui %sign3A_175 : i1 to i32
    %sign3A_177 = arith.constant 0 : i32
    %sign3A_178 = arith.cmpi slt, %jit3A_165, %sign3A_177 : i32
    %sign3A_179 = arith.extui %sign3A_178 : i1 to i32
    %sign3A_180 = arith.subi %sign3A_176, %sign3A_179 : i32
    %ne3A_181 = arith.cmpi ne, %sign3A_173, %sign3A_180 : i32
    %rem3A_182 = arith.remsi %sub3A_164, %jit3A_165 : i32
    %ne3A_183 = arith.constant 0 : i32
    %ne3A_184 = arith.cmpi ne, %rem3A_182, %ne3A_183 : i32
    %and3A_185 = arith.andi %ne3A_181, %ne3A_184 : i1
    %sub3A_186 = arith.constant 1 : i32
    %sub3A_187 = arith.subi %div3A_166, %sub3A_186 : i32
    %select_n3A_188 = arith.select %and3A_185, %sub3A_187, %div3A_166 : i32
    %gt3A = arith.constant 0 : i32
    %gt3A_189 = arith.cmpi sgt, %select_n3A_188, %gt3A : i32
    %convert_element_type3A = arith.extui %gt3A_189 : i1 to i32
    %cond3A = arith.constant 0 : i32
    %cond3A_190 = arith.cmpi ne, %convert_element_type3A, %cond3A : i32
    scf.if %cond3A_190 {
      %add3A_459 = arith.constant 0 : i32
      %add3A_460 = arith.addi %mul3A_159, %add3A_459 : i32
      %dma_start3A = tpu.memref_slice %arg2[%add3A, %add3A_460, %mul3A_32] : memref<16x2048x1024xf32, #tpu.memory_space<hbm>> -> memref<1x64x512xf32, #tpu.memory_space<hbm>>
      %dma_start3A_461 = tpu.memref_squeeze %dma_start3A : memref<1x64x512xf32, #tpu.memory_space<hbm>> -> memref<64x512xf32, #tpu.memory_space<hbm>>
      %dma_start3A_462 = tpu.memref_slice %arg2[%add3A, %add3A_460, %mul3A_32] : memref<16x2048x1024xf32, #tpu.memory_space<hbm>> -> memref<1x64x512xf32, #tpu.memory_space<hbm>>
      %dma_start3A_463 = tpu.memref_squeeze %dma_start3A_462 : memref<1x64x512xf32, #tpu.memory_space<hbm>> -> memref<64x512xf32, #tpu.memory_space<hbm>>
      tpu.enqueue_dma source(%dma_start3A_463 : memref<64x512xf32, #tpu.memory_space<hbm>>) target(%arg6 : memref<64x512xf32, #tpu.memory_space<vmem>>) target_semaphore(%arg9 : memref<!tpu.dma_semaphore, #tpu.memory_space<semaphore_mem>>)
    } else {
    }
    %gt3A_191 = arith.constant 1 : i32
    %gt3A_192 = arith.cmpi sgt, %select_n3A_188, %gt3A_191 : i32
    %convert_element_type3A_193 = arith.extui %gt3A_192 : i1 to i32
    %cond3A_194 = arith.constant 0 : i32
    %cond3A_195 = arith.cmpi ne, %convert_element_type3A_193, %cond3A_194 : i32
    scf.if %cond3A_195 {
      %add3A_459 = arith.constant 64 : i32
      %add3A_460 = arith.addi %mul3A_159, %add3A_459 : i32
      %dma_start3A = tpu.memref_slice %arg2[%add3A, %add3A_460, %mul3A_32] : memref<16x2048x1024xf32, #tpu.memory_space<hbm>> -> memref<1x64x512xf32, #tpu.memory_space<hbm>>
      %dma_start3A_461 = tpu.memref_squeeze %dma_start3A : memref<1x64x512xf32, #tpu.memory_space<hbm>> -> memref<64x512xf32, #tpu.memory_space<hbm>>
      %dma_start3A_462 = tpu.memref_slice %arg2[%add3A, %add3A_460, %mul3A_32] : memref<16x2048x1024xf32, #tpu.memory_space<hbm>> -> memref<1x64x512xf32, #tpu.memory_space<hbm>>
      %dma_start3A_463 = tpu.memref_squeeze %dma_start3A_462 : memref<1x64x512xf32, #tpu.memory_space<hbm>> -> memref<64x512xf32, #tpu.memory_space<hbm>>
      tpu.enqueue_dma source(%dma_start3A_463 : memref<64x512xf32, #tpu.memory_space<hbm>>) target(%arg7 : memref<64x512xf32, #tpu.memory_space<vmem>>) target_semaphore(%arg10 : memref<!tpu.dma_semaphore, #tpu.memory_space<semaphore_mem>>)
    } else {
    }
    %broadcast_in_dim3A = arith.constant 0.000000e+00 : f32
    %broadcast_in_dim3A_196 = vector.broadcast %broadcast_in_dim3A : f32 to vector<16xf32>
    %broadcast_in_dim3A_197 = arith.constant 0.000000e+00 : f32
    %broadcast_in_dim3A_198 = vector.broadcast %broadcast_in_dim3A_197 : f32 to vector<16xf32>
    %broadcast_in_dim3A_199 = arith.constant 0.000000e+00 : f32
    %broadcast_in_dim3A_200 = vector.broadcast %broadcast_in_dim3A_199 : f32 to vector<16xf32>
    %broadcast_in_dim3A_201 = arith.constant 0.000000e+00 : f32
    %broadcast_in_dim3A_202 = vector.broadcast %broadcast_in_dim3A_201 : f32 to vector<16xf32>
    %broadcast_in_dim3A_203 = arith.constant 0.000000e+00 : f32
    %broadcast_in_dim3A_204 = vector.broadcast %broadcast_in_dim3A_203 : f32 to vector<16xf32>
    %broadcast_in_dim3A_205 = arith.constant 0.000000e+00 : f32
    %broadcast_in_dim3A_206 = vector.broadcast %broadcast_in_dim3A_205 : f32 to vector<16xf32>
    %broadcast_in_dim3A_207 = arith.constant 0.000000e+00 : f32
    %broadcast_in_dim3A_208 = vector.broadcast %broadcast_in_dim3A_207 : f32 to vector<16xf32>
    %broadcast_in_dim3A_209 = arith.constant 0.000000e+00 : f32
    %broadcast_in_dim3A_210 = vector.broadcast %broadcast_in_dim3A_209 : f32 to vector<16xf32>
    %broadcast_in_dim3A_211 = arith.constant 0.000000e+00 : f32
    %broadcast_in_dim3A_212 = vector.broadcast %broadcast_in_dim3A_211 : f32 to vector<16xf32>
    %broadcast_in_dim3A_213 = arith.constant 0.000000e+00 : f32
    %broadcast_in_dim3A_214 = vector.broadcast %broadcast_in_dim3A_213 : f32 to vector<16xf32>
    %broadcast_in_dim3A_215 = arith.constant 0.000000e+00 : f32
    %broadcast_in_dim3A_216 = vector.broadcast %broadcast_in_dim3A_215 : f32 to vector<16xf32>
    %broadcast_in_dim3A_217 = arith.constant 0.000000e+00 : f32
    %broadcast_in_dim3A_218 = vector.broadcast %broadcast_in_dim3A_217 : f32 to vector<16xf32>
    %broadcast_in_dim3A_219 = arith.constant 0.000000e+00 : f32
    %broadcast_in_dim3A_220 = vector.broadcast %broadcast_in_dim3A_219 : f32 to vector<16xf32>
    %broadcast_in_dim3A_221 = arith.constant 0.000000e+00 : f32
    %broadcast_in_dim3A_222 = vector.broadcast %broadcast_in_dim3A_221 : f32 to vector<16xf32>
    %broadcast_in_dim3A_223 = arith.constant 0.000000e+00 : f32
    %broadcast_in_dim3A_224 = vector.broadcast %broadcast_in_dim3A_223 : f32 to vector<16xf32>
    %broadcast_in_dim3A_225 = arith.constant 0.000000e+00 : f32
    %broadcast_in_dim3A_226 = vector.broadcast %broadcast_in_dim3A_225 : f32 to vector<16xf32>
    %broadcast_in_dim3A_227 = arith.constant 0.000000e+00 : f32
    %broadcast_in_dim3A_228 = vector.broadcast %broadcast_in_dim3A_227 : f32 to vector<16xf32>
    %broadcast_in_dim3A_229 = arith.constant 0.000000e+00 : f32
    %broadcast_in_dim3A_230 = vector.broadcast %broadcast_in_dim3A_229 : f32 to vector<16xf32>
    %broadcast_in_dim3A_231 = arith.constant 0.000000e+00 : f32
    %broadcast_in_dim3A_232 = vector.broadcast %broadcast_in_dim3A_231 : f32 to vector<16xf32>
    %broadcast_in_dim3A_233 = arith.constant 0.000000e+00 : f32
    %broadcast_in_dim3A_234 = vector.broadcast %broadcast_in_dim3A_233 : f32 to vector<16xf32>
    %broadcast_in_dim3A_235 = arith.constant 0.000000e+00 : f32
    %broadcast_in_dim3A_236 = vector.broadcast %broadcast_in_dim3A_235 : f32 to vector<16xf32>
    %broadcast_in_dim3A_237 = arith.constant 0.000000e+00 : f32
    %broadcast_in_dim3A_238 = vector.broadcast %broadcast_in_dim3A_237 : f32 to vector<16xf32>
    %broadcast_in_dim3A_239 = arith.constant 0.000000e+00 : f32
    %broadcast_in_dim3A_240 = vector.broadcast %broadcast_in_dim3A_239 : f32 to vector<16xf32>
    %broadcast_in_dim3A_241 = arith.constant 0.000000e+00 : f32
    %broadcast_in_dim3A_242 = vector.broadcast %broadcast_in_dim3A_241 : f32 to vector<16xf32>
    %broadcast_in_dim3A_243 = arith.constant 0.000000e+00 : f32
    %broadcast_in_dim3A_244 = vector.broadcast %broadcast_in_dim3A_243 : f32 to vector<16xf32>
    %broadcast_in_dim3A_245 = arith.constant 0.000000e+00 : f32
    %broadcast_in_dim3A_246 = vector.broadcast %broadcast_in_dim3A_245 : f32 to vector<16xf32>
    %broadcast_in_dim3A_247 = arith.constant 0.000000e+00 : f32
    %broadcast_in_dim3A_248 = vector.broadcast %broadcast_in_dim3A_247 : f32 to vector<16xf32>
    %broadcast_in_dim3A_249 = arith.constant 0.000000e+00 : f32
    %broadcast_in_dim3A_250 = vector.broadcast %broadcast_in_dim3A_249 : f32 to vector<16xf32>
    %broadcast_in_dim3A_251 = arith.constant 0.000000e+00 : f32
    %broadcast_in_dim3A_252 = vector.broadcast %broadcast_in_dim3A_251 : f32 to vector<16xf32>
    %broadcast_in_dim3A_253 = arith.constant 0.000000e+00 : f32
    %broadcast_in_dim3A_254 = vector.broadcast %broadcast_in_dim3A_253 : f32 to vector<16xf32>
    %broadcast_in_dim3A_255 = arith.constant 0.000000e+00 : f32
    %broadcast_in_dim3A_256 = vector.broadcast %broadcast_in_dim3A_255 : f32 to vector<16xf32>
    %broadcast_in_dim3A_257 = arith.constant 0.000000e+00 : f32
    %broadcast_in_dim3A_258 = vector.broadcast %broadcast_in_dim3A_257 : f32 to vector<16xf32>
    %add3A_259 = arith.constant 1 : i32
    %add3A_260 = arith.addi %select_n3A_188, %add3A_259 : i32
    %jit3A_261 = arith.constant 2 : i32
    %div3A_262 = arith.divsi %add3A_260, %jit3A_261 : i32
    %sign3A_263 = arith.constant 0 : i32
    %sign3A_264 = arith.cmpi sgt, %add3A_260, %sign3A_263 : i32
    %sign3A_265 = arith.extui %sign3A_264 : i1 to i32
    %sign3A_266 = arith.constant 0 : i32
    %sign3A_267 = arith.cmpi slt, %add3A_260, %sign3A_266 : i32
    %sign3A_268 = arith.extui %sign3A_267 : i1 to i32
    %sign3A_269 = arith.subi %sign3A_265, %sign3A_268 : i32
    %sign3A_270 = arith.constant 0 : i32
    %sign3A_271 = arith.cmpi sgt, %jit3A_261, %sign3A_270 : i32
    %sign3A_272 = arith.extui %sign3A_271 : i1 to i32
    %sign3A_273 = arith.constant 0 : i32
    %sign3A_274 = arith.cmpi slt, %jit3A_261, %sign3A_273 : i32
    %sign3A_275 = arith.extui %sign3A_274 : i1 to i32
    %sign3A_276 = arith.subi %sign3A_272, %sign3A_275 : i32
    %ne3A_277 = arith.cmpi ne, %sign3A_269, %sign3A_276 : i32
    %rem3A_278 = arith.remsi %add3A_260, %jit3A_261 : i32
    %ne3A_279 = arith.constant 0 : i32
    %ne3A_280 = arith.cmpi ne, %rem3A_278, %ne3A_279 : i32
    %and3A_281 = arith.andi %ne3A_277, %ne3A_280 : i1
    %sub3A_282 = arith.constant 1 : i32
    %sub3A_283 = arith.subi %div3A_262, %sub3A_282 : i32
    %select_n3A_284 = arith.select %and3A_281, %sub3A_283, %div3A_262 : i32
    %while3A = arith.constant 0 : i32
    %while3A_285 = arith.subi %select_n3A_284, %while3A : i32
    %while3A_286 = arith.addi %while3A, %while3A_285 : i32
    %while3A_287 = arith.constant 1 : i32
    %while3A_288 = arith.divsi %while3A_285, %while3A_287 : i32
    %while3A_289 = arith.muli %while3A_288, %while3A_287 : i32
    %while3A_290 = arith.addi %while3A, %while3A_289 : i32
    %while3A_291 = arith.constant 1 : i32
    %while3A_292:32 = scf.for %while3A_459 = %while3A to %while3A_290 step %while3A_291 iter_args(%while3A_460 = %broadcast_in_dim3A_196, %while3A_461 = %broadcast_in_dim3A_198, %while3A_462 = %broadcast_in_dim3A_200, %while3A_463 = %broadcast_in_dim3A_202, %while3A_464 = %broadcast_in_dim3A_204, %while3A_465 = %broadcast_in_dim3A_206, %while3A_466 = %broadcast_in_dim3A_208, %while3A_467 = %broadcast_in_dim3A_210, %while3A_468 = %broadcast_in_dim3A_212, %while3A_469 = %broadcast_in_dim3A_214, %while3A_470 = %broadcast_in_dim3A_216, %while3A_471 = %broadcast_in_dim3A_218, %while3A_472 = %broadcast_in_dim3A_220, %while3A_473 = %broadcast_in_dim3A_222, %while3A_474 = %broadcast_in_dim3A_224, %while3A_475 = %broadcast_in_dim3A_226, %while3A_476 = %broadcast_in_dim3A_228, %while3A_477 = %broadcast_in_dim3A_230, %while3A_478 = %broadcast_in_dim3A_232, %while3A_479 = %broadcast_in_dim3A_234, %while3A_480 = %broadcast_in_dim3A_236, %while3A_481 = %broadcast_in_dim3A_238, %while3A_482 = %broadcast_in_dim3A_240, %while3A_483 = %broadcast_in_dim3A_242, %while3A_484 = %broadcast_in_dim3A_244, %while3A_485 = %broadcast_in_dim3A_246, %while3A_486 = %broadcast_in_dim3A_248, %while3A_487 = %broadcast_in_dim3A_250, %while3A_488 = %broadcast_in_dim3A_252, %while3A_489 = %broadcast_in_dim3A_254, %while3A_490 = %broadcast_in_dim3A_256, %while3A_491 = %broadcast_in_dim3A_258) -> (vector<16xf32>, vector<16xf32>, vector<16xf32>, vector<16xf32>, vector<16xf32>, vector<16xf32>, vector<16xf32>, vector<16xf32>, vector<16xf32>, vector<16xf32>, vector<16xf32>, vector<16xf32>, vector<16xf32>, vector<16xf32>, vector<16xf32>, vector<16xf32>, vector<16xf32>, vector<16xf32>, vector<16xf32>, vector<16xf32>, vector<16xf32>, vector<16xf32>, vector<16xf32>, vector<16xf32>, vector<16xf32>, vector<16xf32>, vector<16xf32>, vector<16xf32>, vector<16xf32>, vector<16xf32>, vector<16xf32>, vector<16xf32>)  : i32 {
      %mul3A_492 = arith.constant 2 : i32
      %mul3A_493 = arith.muli %mul3A_492, %while3A_459 : i32
      %dma_wait3A = arith.constant 0 : i32
      %dma_wait3A_494 = tpu.memref_slice %arg2[%add3A, %dma_wait3A, %mul3A_32] : memref<16x2048x1024xf32, #tpu.memory_space<hbm>> -> memref<1x64x512xf32, #tpu.memory_space<hbm>>
      %dma_wait3A_495 = tpu.memref_squeeze %dma_wait3A_494 : memref<1x64x512xf32, #tpu.memory_space<hbm>> -> memref<64x512xf32, #tpu.memory_space<hbm>>
      %dma_wait3A_496 = arith.constant 0 : i32
      %dma_wait3A_497 = tpu.memref_slice %arg2[%add3A, %dma_wait3A_496, %mul3A_32] : memref<16x2048x1024xf32, #tpu.memory_space<hbm>> -> memref<1x64x512xf32, #tpu.memory_space<hbm>>
      %dma_wait3A_498 = tpu.memref_squeeze %dma_wait3A_497 : memref<1x64x512xf32, #tpu.memory_space<hbm>> -> memref<64x512xf32, #tpu.memory_space<hbm>>
      tpu.wait_dma2 semaphore(%arg9 : memref<!tpu.dma_semaphore, #tpu.memory_space<semaphore_mem>>) src(%dma_wait3A_498 : memref<64x512xf32, #tpu.memory_space<hbm>>) dst(%arg6 : memref<64x512xf32, #tpu.memory_space<vmem>>)
      %mul3A_499 = arith.constant 64 : i32
      %mul3A_500 = arith.muli %mul3A_493, %mul3A_499 : i32
      %sub3A_501 = arith.subi %sub3A_160, %mul3A_500 : i32
      %jit3A_502 = arith.constant 0 : i32
      %jit3A_503 = arith.constant 64 : i32
      %max3A = arith.maxsi %jit3A_502, %sub3A_501 : i32
      %min3A = arith.minsi %jit3A_503, %max3A : i32
      %while3A_504 = arith.constant 0 : i32
      %while3A_505 = arith.subi %min3A, %while3A_504 : i32
      %while3A_506 = arith.addi %while3A_504, %while3A_505 : i32
      %while3A_507 = arith.constant 1 : i32
      %while3A_508 = arith.divsi %while3A_505, %while3A_507 : i32
      %while3A_509 = arith.muli %while3A_508, %while3A_507 : i32
      %while3A_510 = arith.addi %while3A_504, %while3A_509 : i32
      %while3A_511 = arith.constant 1 : i32
      %while3A_512:32 = scf.for %while3A_553 = %while3A_504 to %while3A_510 step %while3A_511 iter_args(%while3A_554 = %while3A_460, %while3A_555 = %while3A_461, %while3A_556 = %while3A_462, %while3A_557 = %while3A_463, %while3A_558 = %while3A_464, %while3A_559 = %while3A_465, %while3A_560 = %while3A_466, %while3A_561 = %while3A_467, %while3A_562 = %while3A_468, %while3A_563 = %while3A_469, %while3A_564 = %while3A_470, %while3A_565 = %while3A_471, %while3A_566 = %while3A_472, %while3A_567 = %while3A_473, %while3A_568 = %while3A_474, %while3A_569 = %while3A_475, %while3A_570 = %while3A_476, %while3A_571 = %while3A_477, %while3A_572 = %while3A_478, %while3A_573 = %while3A_479, %while3A_574 = %while3A_480, %while3A_575 = %while3A_481, %while3A_576 = %while3A_482, %while3A_577 = %while3A_483, %while3A_578 = %while3A_484, %while3A_579 = %while3A_485, %while3A_580 = %while3A_486, %while3A_581 = %while3A_487, %while3A_582 = %while3A_488, %while3A_583 = %while3A_489, %while3A_584 = %while3A_490, %while3A_585 = %while3A_491) -> (vector<16xf32>, vector<16xf32>, vector<16xf32>, vector<16xf32>, vector<16xf32>, vector<16xf32>, vector<16xf32>, vector<16xf32>, vector<16xf32>, vector<16xf32>, vector<16xf32>, vector<16xf32>, vector<16xf32>, vector<16xf32>, vector<16xf32>, vector<16xf32>, vector<16xf32>, vector<16xf32>, vector<16xf32>, vector<16xf32>, vector<16xf32>, vector<16xf32>, vector<16xf32>, vector<16xf32>, vector<16xf32>, vector<16xf32>, vector<16xf32>, vector<16xf32>, vector<16xf32>, vector<16xf32>, vector<16xf32>, vector<16xf32>)  : i32 {
        %get3A_586 = arith.index_cast %while3A_553 : i32 to index
        %get3A_587 = arith.constant 0 : index
        %get3A_588 = tpu.vector_load %arg6[%get3A_586, %get3A_587] {strides = array<i32>} : memref<64x512xf32, #tpu.memory_space<vmem>>, vector<1x16xf32>,
        %get3A_589 = vector.shape_cast %get3A_588 : vector<1x16xf32> to vector<16xf32>
        %add3A_590 = arith.addf %while3A_554, %get3A_589 : vector<16xf32>
        %get3A_591 = arith.index_cast %while3A_553 : i32 to index
        %get3A_592 = arith.constant 16 : index
        %get3A_593 = tpu.vector_load %arg6[%get3A_591, %get3A_592] {strides = array<i32>} : memref<64x512xf32, #tpu.memory_space<vmem>>, vector<1x16xf32>,
        %get3A_594 = vector.shape_cast %get3A_593 : vector<1x16xf32> to vector<16xf32>
        %add3A_595 = arith.addf %while3A_555, %get3A_594 : vector<16xf32>
        %get3A_596 = arith.index_cast %while3A_553 : i32 to index
        %get3A_597 = arith.constant 32 : index
        %get3A_598 = tpu.vector_load %arg6[%get3A_596, %get3A_597] {strides = array<i32>} : memref<64x512xf32, #tpu.memory_space<vmem>>, vector<1x16xf32>,
        %get3A_599 = vector.shape_cast %get3A_598 : vector<1x16xf32> to vector<16xf32>
        %add3A_600 = arith.addf %while3A_556, %get3A_599 : vector<16xf32>
        %get3A_601 = arith.index_cast %while3A_553 : i32 to index
        %get3A_602 = arith.constant 48 : index
        %get3A_603 = tpu.vector_load %arg6[%get3A_601, %get3A_602] {strides = array<i32>} : memref<64x512xf32, #tpu.memory_space<vmem>>, vector<1x16xf32>,
        %get3A_604 = vector.shape_cast %get3A_603 : vector<1x16xf32> to vector<16xf32>
        %add3A_605 = arith.addf %while3A_557, %get3A_604 : vector<16xf32>
        %get3A_606 = arith.index_cast %while3A_553 : i32 to index
        %get3A_607 = arith.constant 64 : index
        %get3A_608 = tpu.vector_load %arg6[%get3A_606, %get3A_607] {strides = array<i32>} : memref<64x512xf32, #tpu.memory_space<vmem>>, vector<1x16xf32>,
        %get3A_609 = vector.shape_cast %get3A_608 : vector<1x16xf32> to vector<16xf32>
        %add3A_610 = arith.addf %while3A_558, %get3A_609 : vector<16xf32>
        %get3A_611 = arith.index_cast %while3A_553 : i32 to index
        %get3A_612 = arith.constant 80 : index
        %get3A_613 = tpu.vector_load %arg6[%get3A_611, %get3A_612] {strides = array<i32>} : memref<64x512xf32, #tpu.memory_space<vmem>>, vector<1x16xf32>,
        %get3A_614 = vector.shape_cast %get3A_613 : vector<1x16xf32> to vector<16xf32>
        %add3A_615 = arith.addf %while3A_559, %get3A_614 : vector<16xf32>
        %get3A_616 = arith.index_cast %while3A_553 : i32 to index
        %get3A_617 = arith.constant 96 : index
        %get3A_618 = tpu.vector_load %arg6[%get3A_616, %get3A_617] {strides = array<i32>} : memref<64x512xf32, #tpu.memory_space<vmem>>, vector<1x16xf32>,
        %get3A_619 = vector.shape_cast %get3A_618 : vector<1x16xf32> to vector<16xf32>
        %add3A_620 = arith.addf %while3A_560, %get3A_619 : vector<16xf32>
        %get3A_621 = arith.index_cast %while3A_553 : i32 to index
        %get3A_622 = arith.constant 112 : index
        %get3A_623 = tpu.vector_load %arg6[%get3A_621, %get3A_622] {strides = array<i32>} : memref<64x512xf32, #tpu.memory_space<vmem>>, vector<1x16xf32>,
        %get3A_624 = vector.shape_cast %get3A_623 : vector<1x16xf32> to vector<16xf32>
        %add3A_625 = arith.addf %while3A_561, %get3A_624 : vector<16xf32>
        %get3A_626 = arith.index_cast %while3A_553 : i32 to index
        %get3A_627 = arith.constant 128 : index
        %get3A_628 = tpu.vector_load %arg6[%get3A_626, %get3A_627] {strides = array<i32>} : memref<64x512xf32, #tpu.memory_space<vmem>>, vector<1x16xf32>,
        %get3A_629 = vector.shape_cast %get3A_628 : vector<1x16xf32> to vector<16xf32>
        %add3A_630 = arith.addf %while3A_562, %get3A_629 : vector<16xf32>
        %get3A_631 = arith.index_cast %while3A_553 : i32 to index
        %get3A_632 = arith.constant 144 : index
        %get3A_633 = tpu.vector_load %arg6[%get3A_631, %get3A_632] {strides = array<i32>} : memref<64x512xf32, #tpu.memory_space<vmem>>, vector<1x16xf32>,
        %get3A_634 = vector.shape_cast %get3A_633 : vector<1x16xf32> to vector<16xf32>
        %add3A_635 = arith.addf %while3A_563, %get3A_634 : vector<16xf32>
        %get3A_636 = arith.index_cast %while3A_553 : i32 to index
        %get3A_637 = arith.constant 160 : index
        %get3A_638 = tpu.vector_load %arg6[%get3A_636, %get3A_637] {strides = array<i32>} : memref<64x512xf32, #tpu.memory_space<vmem>>, vector<1x16xf32>,
        %get3A_639 = vector.shape_cast %get3A_638 : vector<1x16xf32> to vector<16xf32>
        %add3A_640 = arith.addf %while3A_564, %get3A_639 : vector<16xf32>
        %get3A_641 = arith.index_cast %while3A_553 : i32 to index
        %get3A_642 = arith.constant 176 : index
        %get3A_643 = tpu.vector_load %arg6[%get3A_641, %get3A_642] {strides = array<i32>} : memref<64x512xf32, #tpu.memory_space<vmem>>, vector<1x16xf32>,
        %get3A_644 = vector.shape_cast %get3A_643 : vector<1x16xf32> to vector<16xf32>
        %add3A_645 = arith.addf %while3A_565, %get3A_644 : vector<16xf32>
        %get3A_646 = arith.index_cast %while3A_553 : i32 to index
        %get3A_647 = arith.constant 192 : index
        %get3A_648 = tpu.vector_load %arg6[%get3A_646, %get3A_647] {strides = array<i32>} : memref<64x512xf32, #tpu.memory_space<vmem>>, vector<1x16xf32>,
        %get3A_649 = vector.shape_cast %get3A_648 : vector<1x16xf32> to vector<16xf32>
        %add3A_650 = arith.addf %while3A_566, %get3A_649 : vector<16xf32>
        %get3A_651 = arith.index_cast %while3A_553 : i32 to index
        %get3A_652 = arith.constant 208 : index
        %get3A_653 = tpu.vector_load %arg6[%get3A_651, %get3A_652] {strides = array<i32>} : memref<64x512xf32, #tpu.memory_space<vmem>>, vector<1x16xf32>,
        %get3A_654 = vector.shape_cast %get3A_653 : vector<1x16xf32> to vector<16xf32>
        %add3A_655 = arith.addf %while3A_567, %get3A_654 : vector<16xf32>
        %get3A_656 = arith.index_cast %while3A_553 : i32 to index
        %get3A_657 = arith.constant 224 : index
        %get3A_658 = tpu.vector_load %arg6[%get3A_656, %get3A_657] {strides = array<i32>} : memref<64x512xf32, #tpu.memory_space<vmem>>, vector<1x16xf32>,
        %get3A_659 = vector.shape_cast %get3A_658 : vector<1x16xf32> to vector<16xf32>
        %add3A_660 = arith.addf %while3A_568, %get3A_659 : vector<16xf32>
        %get3A_661 = arith.index_cast %while3A_553 : i32 to index
        %get3A_662 = arith.constant 240 : index
        %get3A_663 = tpu.vector_load %arg6[%get3A_661, %get3A_662] {strides = array<i32>} : memref<64x512xf32, #tpu.memory_space<vmem>>, vector<1x16xf32>,
        %get3A_664 = vector.shape_cast %get3A_663 : vector<1x16xf32> to vector<16xf32>
        %add3A_665 = arith.addf %while3A_569, %get3A_664 : vector<16xf32>
        %get3A_666 = arith.index_cast %while3A_553 : i32 to index
        %get3A_667 = arith.constant 256 : index
        %get3A_668 = tpu.vector_load %arg6[%get3A_666, %get3A_667] {strides = array<i32>} : memref<64x512xf32, #tpu.memory_space<vmem>>, vector<1x16xf32>,
        %get3A_669 = vector.shape_cast %get3A_668 : vector<1x16xf32> to vector<16xf32>
        %add3A_670 = arith.addf %while3A_570, %get3A_669 : vector<16xf32>
        %get3A_671 = arith.index_cast %while3A_553 : i32 to index
        %get3A_672 = arith.constant 272 : index
        %get3A_673 = tpu.vector_load %arg6[%get3A_671, %get3A_672] {strides = array<i32>} : memref<64x512xf32, #tpu.memory_space<vmem>>, vector<1x16xf32>,
        %get3A_674 = vector.shape_cast %get3A_673 : vector<1x16xf32> to vector<16xf32>
        %add3A_675 = arith.addf %while3A_571, %get3A_674 : vector<16xf32>
        %get3A_676 = arith.index_cast %while3A_553 : i32 to index
        %get3A_677 = arith.constant 288 : index
        %get3A_678 = tpu.vector_load %arg6[%get3A_676, %get3A_677] {strides = array<i32>} : memref<64x512xf32, #tpu.memory_space<vmem>>, vector<1x16xf32>,
        %get3A_679 = vector.shape_cast %get3A_678 : vector<1x16xf32> to vector<16xf32>
        %add3A_680 = arith.addf %while3A_572, %get3A_679 : vector<16xf32>
        %get3A_681 = arith.index_cast %while3A_553 : i32 to index
        %get3A_682 = arith.constant 304 : index
        %get3A_683 = tpu.vector_load %arg6[%get3A_681, %get3A_682] {strides = array<i32>} : memref<64x512xf32, #tpu.memory_space<vmem>>, vector<1x16xf32>,
        %get3A_684 = vector.shape_cast %get3A_683 : vector<1x16xf32> to vector<16xf32>
        %add3A_685 = arith.addf %while3A_573, %get3A_684 : vector<16xf32>
        %get3A_686 = arith.index_cast %while3A_553 : i32 to index
        %get3A_687 = arith.constant 320 : index
        %get3A_688 = tpu.vector_load %arg6[%get3A_686, %get3A_687] {strides = array<i32>} : memref<64x512xf32, #tpu.memory_space<vmem>>, vector<1x16xf32>,
        %get3A_689 = vector.shape_cast %get3A_688 : vector<1x16xf32> to vector<16xf32>
        %add3A_690 = arith.addf %while3A_574, %get3A_689 : vector<16xf32>
        %get3A_691 = arith.index_cast %while3A_553 : i32 to index
        %get3A_692 = arith.constant 336 : index
        %get3A_693 = tpu.vector_load %arg6[%get3A_691, %get3A_692] {strides = array<i32>} : memref<64x512xf32, #tpu.memory_space<vmem>>, vector<1x16xf32>,
        %get3A_694 = vector.shape_cast %get3A_693 : vector<1x16xf32> to vector<16xf32>
        %add3A_695 = arith.addf %while3A_575, %get3A_694 : vector<16xf32>
        %get3A_696 = arith.index_cast %while3A_553 : i32 to index
        %get3A_697 = arith.constant 352 : index
        %get3A_698 = tpu.vector_load %arg6[%get3A_696, %get3A_697] {strides = array<i32>} : memref<64x512xf32, #tpu.memory_space<vmem>>, vector<1x16xf32>,
        %get3A_699 = vector.shape_cast %get3A_698 : vector<1x16xf32> to vector<16xf32>
        %add3A_700 = arith.addf %while3A_576, %get3A_699 : vector<16xf32>
        %get3A_701 = arith.index_cast %while3A_553 : i32 to index
        %get3A_702 = arith.constant 368 : index
        %get3A_703 = tpu.vector_load %arg6[%get3A_701, %get3A_702] {strides = array<i32>} : memref<64x512xf32, #tpu.memory_space<vmem>>, vector<1x16xf32>,
        %get3A_704 = vector.shape_cast %get3A_703 : vector<1x16xf32> to vector<16xf32>
        %add3A_705 = arith.addf %while3A_577, %get3A_704 : vector<16xf32>
        %get3A_706 = arith.index_cast %while3A_553 : i32 to index
        %get3A_707 = arith.constant 384 : index
        %get3A_708 = tpu.vector_load %arg6[%get3A_706, %get3A_707] {strides = array<i32>} : memref<64x512xf32, #tpu.memory_space<vmem>>, vector<1x16xf32>,
        %get3A_709 = vector.shape_cast %get3A_708 : vector<1x16xf32> to vector<16xf32>
        %add3A_710 = arith.addf %while3A_578, %get3A_709 : vector<16xf32>
        %get3A_711 = arith.index_cast %while3A_553 : i32 to index
        %get3A_712 = arith.constant 400 : index
        %get3A_713 = tpu.vector_load %arg6[%get3A_711, %get3A_712] {strides = array<i32>} : memref<64x512xf32, #tpu.memory_space<vmem>>, vector<1x16xf32>,
        %get3A_714 = vector.shape_cast %get3A_713 : vector<1x16xf32> to vector<16xf32>
        %add3A_715 = arith.addf %while3A_579, %get3A_714 : vector<16xf32>
        %get3A_716 = arith.index_cast %while3A_553 : i32 to index
        %get3A_717 = arith.constant 416 : index
        %get3A_718 = tpu.vector_load %arg6[%get3A_716, %get3A_717] {strides = array<i32>} : memref<64x512xf32, #tpu.memory_space<vmem>>, vector<1x16xf32>,
        %get3A_719 = vector.shape_cast %get3A_718 : vector<1x16xf32> to vector<16xf32>
        %add3A_720 = arith.addf %while3A_580, %get3A_719 : vector<16xf32>
        %get3A_721 = arith.index_cast %while3A_553 : i32 to index
        %get3A_722 = arith.constant 432 : index
        %get3A_723 = tpu.vector_load %arg6[%get3A_721, %get3A_722] {strides = array<i32>} : memref<64x512xf32, #tpu.memory_space<vmem>>, vector<1x16xf32>,
        %get3A_724 = vector.shape_cast %get3A_723 : vector<1x16xf32> to vector<16xf32>
        %add3A_725 = arith.addf %while3A_581, %get3A_724 : vector<16xf32>
        %get3A_726 = arith.index_cast %while3A_553 : i32 to index
        %get3A_727 = arith.constant 448 : index
        %get3A_728 = tpu.vector_load %arg6[%get3A_726, %get3A_727] {strides = array<i32>} : memref<64x512xf32, #tpu.memory_space<vmem>>, vector<1x16xf32>,
        %get3A_729 = vector.shape_cast %get3A_728 : vector<1x16xf32> to vector<16xf32>
        %add3A_730 = arith.addf %while3A_582, %get3A_729 : vector<16xf32>
        %get3A_731 = arith.index_cast %while3A_553 : i32 to index
        %get3A_732 = arith.constant 464 : index
        %get3A_733 = tpu.vector_load %arg6[%get3A_731, %get3A_732] {strides = array<i32>} : memref<64x512xf32, #tpu.memory_space<vmem>>, vector<1x16xf32>,
        %get3A_734 = vector.shape_cast %get3A_733 : vector<1x16xf32> to vector<16xf32>
        %add3A_735 = arith.addf %while3A_583, %get3A_734 : vector<16xf32>
        %get3A_736 = arith.index_cast %while3A_553 : i32 to index
        %get3A_737 = arith.constant 480 : index
        %get3A_738 = tpu.vector_load %arg6[%get3A_736, %get3A_737] {strides = array<i32>} : memref<64x512xf32, #tpu.memory_space<vmem>>, vector<1x16xf32>,
        %get3A_739 = vector.shape_cast %get3A_738 : vector<1x16xf32> to vector<16xf32>
        %add3A_740 = arith.addf %while3A_584, %get3A_739 : vector<16xf32>
        %get3A_741 = arith.index_cast %while3A_553 : i32 to index
        %get3A_742 = arith.constant 496 : index
        %get3A_743 = tpu.vector_load %arg6[%get3A_741, %get3A_742] {strides = array<i32>} : memref<64x512xf32, #tpu.memory_space<vmem>>, vector<1x16xf32>,
        %get3A_744 = vector.shape_cast %get3A_743 : vector<1x16xf32> to vector<16xf32>
        %add3A_745 = arith.addf %while3A_585, %get3A_744 : vector<16xf32>
        scf.yield %add3A_590, %add3A_595, %add3A_600, %add3A_605, %add3A_610, %add3A_615, %add3A_620, %add3A_625, %add3A_630, %add3A_635, %add3A_640, %add3A_645, %add3A_650, %add3A_655, %add3A_660, %add3A_665, %add3A_670, %add3A_675, %add3A_680, %add3A_685, %add3A_690, %add3A_695, %add3A_700, %add3A_705, %add3A_710, %add3A_715, %add3A_720, %add3A_725, %add3A_730, %add3A_735, %add3A_740, %add3A_745 : vector<16xf32>, vector<16xf32>, vector<16xf32>, vector<16xf32>, vector<16xf32>, vector<16xf32>, vector<16xf32>, vector<16xf32>, vector<16xf32>, vector<16xf32>, vector<16xf32>, vector<16xf32>, vector<16xf32>, vector<16xf32>, vector<16xf32>, vector<16xf32>, vector<16xf32>, vector<16xf32>, vector<16xf32>, vector<16xf32>, vector<16xf32>, vector<16xf32>, vector<16xf32>, vector<16xf32>, vector<16xf32>, vector<16xf32>, vector<16xf32>, vector<16xf32>, vector<16xf32>, vector<16xf32>, vector<16xf32>, vector<16xf32>
      }
      %while3A_513 = arith.constant 1 : i32
      %while3A_514:32 = scf.for %while3A_553 = %while3A_510 to %while3A_506 step %while3A_513 iter_args(%while3A_554 = %while3A_512#0, %while3A_555 = %while3A_512#1, %while3A_556 = %while3A_512#2, %while3A_557 = %while3A_512#3, %while3A_558 = %while3A_512#4, %while3A_559 = %while3A_512#5, %while3A_560 = %while3A_512#6, %while3A_561 = %while3A_512#7, %while3A_562 = %while3A_512#8, %while3A_563 = %while3A_512#9, %while3A_564 = %while3A_512#10, %while3A_565 = %while3A_512#11, %while3A_566 = %while3A_512#12, %while3A_567 = %while3A_512#13, %while3A_568 = %while3A_512#14, %while3A_569 = %while3A_512#15, %while3A_570 = %while3A_512#16, %while3A_571 = %while3A_512#17, %while3A_572 = %while3A_512#18, %while3A_573 = %while3A_512#19, %while3A_574 = %while3A_512#20, %while3A_575 = %while3A_512#21, %while3A_576 = %while3A_512#22, %while3A_577 = %while3A_512#23, %while3A_578 = %while3A_512#24, %while3A_579 = %while3A_512#25, %while3A_580 = %while3A_512#26, %while3A_581 = %while3A_512#27, %while3A_582 = %while3A_512#28, %while3A_583 = %while3A_512#29, %while3A_584 = %while3A_512#30, %while3A_585 = %while3A_512#31) -> (vector<16xf32>, vector<16xf32>, vector<16xf32>, vector<16xf32>, vector<16xf32>, vector<16xf32>, vector<16xf32>, vector<16xf32>, vector<16xf32>, vector<16xf32>, vector<16xf32>, vector<16xf32>, vector<16xf32>, vector<16xf32>, vector<16xf32>, vector<16xf32>, vector<16xf32>, vector<16xf32>, vector<16xf32>, vector<16xf32>, vector<16xf32>, vector<16xf32>, vector<16xf32>, vector<16xf32>, vector<16xf32>, vector<16xf32>, vector<16xf32>, vector<16xf32>, vector<16xf32>, vector<16xf32>, vector<16xf32>, vector<16xf32>)  : i32 {
        %get3A_586 = arith.index_cast %while3A_553 : i32 to index
        %get3A_587 = arith.constant 0 : index
        %get3A_588 = tpu.vector_load %arg6[%get3A_586, %get3A_587] {strides = array<i32>} : memref<64x512xf32, #tpu.memory_space<vmem>>, vector<1x16xf32>,
        %get3A_589 = vector.shape_cast %get3A_588 : vector<1x16xf32> to vector<16xf32>
        %add3A_590 = arith.addf %while3A_554, %get3A_589 : vector<16xf32>
        %get3A_591 = arith.index_cast %while3A_553 : i32 to index
        %get3A_592 = arith.constant 16 : index
        %get3A_593 = tpu.vector_load %arg6[%get3A_591, %get3A_592] {strides = array<i32>} : memref<64x512xf32, #tpu.memory_space<vmem>>, vector<1x16xf32>,
        %get3A_594 = vector.shape_cast %get3A_593 : vector<1x16xf32> to vector<16xf32>
        %add3A_595 = arith.addf %while3A_555, %get3A_594 : vector<16xf32>
        %get3A_596 = arith.index_cast %while3A_553 : i32 to index
        %get3A_597 = arith.constant 32 : index
        %get3A_598 = tpu.vector_load %arg6[%get3A_596, %get3A_597] {strides = array<i32>} : memref<64x512xf32, #tpu.memory_space<vmem>>, vector<1x16xf32>,
        %get3A_599 = vector.shape_cast %get3A_598 : vector<1x16xf32> to vector<16xf32>
        %add3A_600 = arith.addf %while3A_556, %get3A_599 : vector<16xf32>
        %get3A_601 = arith.index_cast %while3A_553 : i32 to index
        %get3A_602 = arith.constant 48 : index
        %get3A_603 = tpu.vector_load %arg6[%get3A_601, %get3A_602] {strides = array<i32>} : memref<64x512xf32, #tpu.memory_space<vmem>>, vector<1x16xf32>,
        %get3A_604 = vector.shape_cast %get3A_603 : vector<1x16xf32> to vector<16xf32>
        %add3A_605 = arith.addf %while3A_557, %get3A_604 : vector<16xf32>
        %get3A_606 = arith.index_cast %while3A_553 : i32 to index
        %get3A_607 = arith.constant 64 : index
        %get3A_608 = tpu.vector_load %arg6[%get3A_606, %get3A_607] {strides = array<i32>} : memref<64x512xf32, #tpu.memory_space<vmem>>, vector<1x16xf32>,
        %get3A_609 = vector.shape_cast %get3A_608 : vector<1x16xf32> to vector<16xf32>
        %add3A_610 = arith.addf %while3A_558, %get3A_609 : vector<16xf32>
        %get3A_611 = arith.index_cast %while3A_553 : i32 to index
        %get3A_612 = arith.constant 80 : index
        %get3A_613 = tpu.vector_load %arg6[%get3A_611, %get3A_612] {strides = array<i32>} : memref<64x512xf32, #tpu.memory_space<vmem>>, vector<1x16xf32>,
        %get3A_614 = vector.shape_cast %get3A_613 : vector<1x16xf32> to vector<16xf32>
        %add3A_615 = arith.addf %while3A_559, %get3A_614 : vector<16xf32>
        %get3A_616 = arith.index_cast %while3A_553 : i32 to index
        %get3A_617 = arith.constant 96 : index
        %get3A_618 = tpu.vector_load %arg6[%get3A_616, %get3A_617] {strides = array<i32>} : memref<64x512xf32, #tpu.memory_space<vmem>>, vector<1x16xf32>,
        %get3A_619 = vector.shape_cast %get3A_618 : vector<1x16xf32> to vector<16xf32>
        %add3A_620 = arith.addf %while3A_560, %get3A_619 : vector<16xf32>
        %get3A_621 = arith.index_cast %while3A_553 : i32 to index
        %get3A_622 = arith.constant 112 : index
        %get3A_623 = tpu.vector_load %arg6[%get3A_621, %get3A_622] {strides = array<i32>} : memref<64x512xf32, #tpu.memory_space<vmem>>, vector<1x16xf32>,
        %get3A_624 = vector.shape_cast %get3A_623 : vector<1x16xf32> to vector<16xf32>
        %add3A_625 = arith.addf %while3A_561, %get3A_624 : vector<16xf32>
        %get3A_626 = arith.index_cast %while3A_553 : i32 to index
        %get3A_627 = arith.constant 128 : index
        %get3A_628 = tpu.vector_load %arg6[%get3A_626, %get3A_627] {strides = array<i32>} : memref<64x512xf32, #tpu.memory_space<vmem>>, vector<1x16xf32>,
        %get3A_629 = vector.shape_cast %get3A_628 : vector<1x16xf32> to vector<16xf32>
        %add3A_630 = arith.addf %while3A_562, %get3A_629 : vector<16xf32>
        %get3A_631 = arith.index_cast %while3A_553 : i32 to index
        %get3A_632 = arith.constant 144 : index
        %get3A_633 = tpu.vector_load %arg6[%get3A_631, %get3A_632] {strides = array<i32>} : memref<64x512xf32, #tpu.memory_space<vmem>>, vector<1x16xf32>,
        %get3A_634 = vector.shape_cast %get3A_633 : vector<1x16xf32> to vector<16xf32>
        %add3A_635 = arith.addf %while3A_563, %get3A_634 : vector<16xf32>
        %get3A_636 = arith.index_cast %while3A_553 : i32 to index
        %get3A_637 = arith.constant 160 : index
        %get3A_638 = tpu.vector_load %arg6[%get3A_636, %get3A_637] {strides = array<i32>} : memref<64x512xf32, #tpu.memory_space<vmem>>, vector<1x16xf32>,
        %get3A_639 = vector.shape_cast %get3A_638 : vector<1x16xf32> to vector<16xf32>
        %add3A_640 = arith.addf %while3A_564, %get3A_639 : vector<16xf32>
        %get3A_641 = arith.index_cast %while3A_553 : i32 to index
        %get3A_642 = arith.constant 176 : index
        %get3A_643 = tpu.vector_load %arg6[%get3A_641, %get3A_642] {strides = array<i32>} : memref<64x512xf32, #tpu.memory_space<vmem>>, vector<1x16xf32>,
        %get3A_644 = vector.shape_cast %get3A_643 : vector<1x16xf32> to vector<16xf32>
        %add3A_645 = arith.addf %while3A_565, %get3A_644 : vector<16xf32>
        %get3A_646 = arith.index_cast %while3A_553 : i32 to index
        %get3A_647 = arith.constant 192 : index
        %get3A_648 = tpu.vector_load %arg6[%get3A_646, %get3A_647] {strides = array<i32>} : memref<64x512xf32, #tpu.memory_space<vmem>>, vector<1x16xf32>,
        %get3A_649 = vector.shape_cast %get3A_648 : vector<1x16xf32> to vector<16xf32>
        %add3A_650 = arith.addf %while3A_566, %get3A_649 : vector<16xf32>
        %get3A_651 = arith.index_cast %while3A_553 : i32 to index
        %get3A_652 = arith.constant 208 : index
        %get3A_653 = tpu.vector_load %arg6[%get3A_651, %get3A_652] {strides = array<i32>} : memref<64x512xf32, #tpu.memory_space<vmem>>, vector<1x16xf32>,
        %get3A_654 = vector.shape_cast %get3A_653 : vector<1x16xf32> to vector<16xf32>
        %add3A_655 = arith.addf %while3A_567, %get3A_654 : vector<16xf32>
        %get3A_656 = arith.index_cast %while3A_553 : i32 to index
        %get3A_657 = arith.constant 224 : index
        %get3A_658 = tpu.vector_load %arg6[%get3A_656, %get3A_657] {strides = array<i32>} : memref<64x512xf32, #tpu.memory_space<vmem>>, vector<1x16xf32>,
        %get3A_659 = vector.shape_cast %get3A_658 : vector<1x16xf32> to vector<16xf32>
        %add3A_660 = arith.addf %while3A_568, %get3A_659 : vector<16xf32>
        %get3A_661 = arith.index_cast %while3A_553 : i32 to index
        %get3A_662 = arith.constant 240 : index
        %get3A_663 = tpu.vector_load %arg6[%get3A_661, %get3A_662] {strides = array<i32>} : memref<64x512xf32, #tpu.memory_space<vmem>>, vector<1x16xf32>,
        %get3A_664 = vector.shape_cast %get3A_663 : vector<1x16xf32> to vector<16xf32>
        %add3A_665 = arith.addf %while3A_569, %get3A_664 : vector<16xf32>
        %get3A_666 = arith.index_cast %while3A_553 : i32 to index
        %get3A_667 = arith.constant 256 : index
        %get3A_668 = tpu.vector_load %arg6[%get3A_666, %get3A_667] {strides = array<i32>} : memref<64x512xf32, #tpu.memory_space<vmem>>, vector<1x16xf32>,
        %get3A_669 = vector.shape_cast %get3A_668 : vector<1x16xf32> to vector<16xf32>
        %add3A_670 = arith.addf %while3A_570, %get3A_669 : vector<16xf32>
        %get3A_671 = arith.index_cast %while3A_553 : i32 to index
        %get3A_672 = arith.constant 272 : index
        %get3A_673 = tpu.vector_load %arg6[%get3A_671, %get3A_672] {strides = array<i32>} : memref<64x512xf32, #tpu.memory_space<vmem>>, vector<1x16xf32>,
        %get3A_674 = vector.shape_cast %get3A_673 : vector<1x16xf32> to vector<16xf32>
        %add3A_675 = arith.addf %while3A_571, %get3A_674 : vector<16xf32>
        %get3A_676 = arith.index_cast %while3A_553 : i32 to index
        %get3A_677 = arith.constant 288 : index
        %get3A_678 = tpu.vector_load %arg6[%get3A_676, %get3A_677] {strides = array<i32>} : memref<64x512xf32, #tpu.memory_space<vmem>>, vector<1x16xf32>,
        %get3A_679 = vector.shape_cast %get3A_678 : vector<1x16xf32> to vector<16xf32>
        %add3A_680 = arith.addf %while3A_572, %get3A_679 : vector<16xf32>
        %get3A_681 = arith.index_cast %while3A_553 : i32 to index
        %get3A_682 = arith.constant 304 : index
        %get3A_683 = tpu.vector_load %arg6[%get3A_681, %get3A_682] {strides = array<i32>} : memref<64x512xf32, #tpu.memory_space<vmem>>, vector<1x16xf32>,
        %get3A_684 = vector.shape_cast %get3A_683 : vector<1x16xf32> to vector<16xf32>
        %add3A_685 = arith.addf %while3A_573, %get3A_684 : vector<16xf32>
        %get3A_686 = arith.index_cast %while3A_553 : i32 to index
        %get3A_687 = arith.constant 320 : index
        %get3A_688 = tpu.vector_load %arg6[%get3A_686, %get3A_687] {strides = array<i32>} : memref<64x512xf32, #tpu.memory_space<vmem>>, vector<1x16xf32>,
        %get3A_689 = vector.shape_cast %get3A_688 : vector<1x16xf32> to vector<16xf32>
        %add3A_690 = arith.addf %while3A_574, %get3A_689 : vector<16xf32>
        %get3A_691 = arith.index_cast %while3A_553 : i32 to index
        %get3A_692 = arith.constant 336 : index
        %get3A_693 = tpu.vector_load %arg6[%get3A_691, %get3A_692] {strides = array<i32>} : memref<64x512xf32, #tpu.memory_space<vmem>>, vector<1x16xf32>,
        %get3A_694 = vector.shape_cast %get3A_693 : vector<1x16xf32> to vector<16xf32>
        %add3A_695 = arith.addf %while3A_575, %get3A_694 : vector<16xf32>
        %get3A_696 = arith.index_cast %while3A_553 : i32 to index
        %get3A_697 = arith.constant 352 : index
        %get3A_698 = tpu.vector_load %arg6[%get3A_696, %get3A_697] {strides = array<i32>} : memref<64x512xf32, #tpu.memory_space<vmem>>, vector<1x16xf32>,
        %get3A_699 = vector.shape_cast %get3A_698 : vector<1x16xf32> to vector<16xf32>
        %add3A_700 = arith.addf %while3A_576, %get3A_699 : vector<16xf32>
        %get3A_701 = arith.index_cast %while3A_553 : i32 to index
        %get3A_702 = arith.constant 368 : index
        %get3A_703 = tpu.vector_load %arg6[%get3A_701, %get3A_702] {strides = array<i32>} : memref<64x512xf32, #tpu.memory_space<vmem>>, vector<1x16xf32>,
        %get3A_704 = vector.shape_cast %get3A_703 : vector<1x16xf32> to vector<16xf32>
        %add3A_705 = arith.addf %while3A_577, %get3A_704 : vector<16xf32>
        %get3A_706 = arith.index_cast %while3A_553 : i32 to index
        %get3A_707 = arith.constant 384 : index
        %get3A_708 = tpu.vector_load %arg6[%get3A_706, %get3A_707] {strides = array<i32>} : memref<64x512xf32, #tpu.memory_space<vmem>>, vector<1x16xf32>,
        %get3A_709 = vector.shape_cast %get3A_708 : vector<1x16xf32> to vector<16xf32>
        %add3A_710 = arith.addf %while3A_578, %get3A_709 : vector<16xf32>
        %get3A_711 = arith.index_cast %while3A_553 : i32 to index
        %get3A_712 = arith.constant 400 : index
        %get3A_713 = tpu.vector_load %arg6[%get3A_711, %get3A_712] {strides = array<i32>} : memref<64x512xf32, #tpu.memory_space<vmem>>, vector<1x16xf32>,
        %get3A_714 = vector.shape_cast %get3A_713 : vector<1x16xf32> to vector<16xf32>
        %add3A_715 = arith.addf %while3A_579, %get3A_714 : vector<16xf32>
        %get3A_716 = arith.index_cast %while3A_553 : i32 to index
        %get3A_717 = arith.constant 416 : index
        %get3A_718 = tpu.vector_load %arg6[%get3A_716, %get3A_717] {strides = array<i32>} : memref<64x512xf32, #tpu.memory_space<vmem>>, vector<1x16xf32>,
        %get3A_719 = vector.shape_cast %get3A_718 : vector<1x16xf32> to vector<16xf32>
        %add3A_720 = arith.addf %while3A_580, %get3A_719 : vector<16xf32>
        %get3A_721 = arith.index_cast %while3A_553 : i32 to index
        %get3A_722 = arith.constant 432 : index
        %get3A_723 = tpu.vector_load %arg6[%get3A_721, %get3A_722] {strides = array<i32>} : memref<64x512xf32, #tpu.memory_space<vmem>>, vector<1x16xf32>,
        %get3A_724 = vector.shape_cast %get3A_723 : vector<1x16xf32> to vector<16xf32>
        %add3A_725 = arith.addf %while3A_581, %get3A_724 : vector<16xf32>
        %get3A_726 = arith.index_cast %while3A_553 : i32 to index
        %get3A_727 = arith.constant 448 : index
        %get3A_728 = tpu.vector_load %arg6[%get3A_726, %get3A_727] {strides = array<i32>} : memref<64x512xf32, #tpu.memory_space<vmem>>, vector<1x16xf32>,
        %get3A_729 = vector.shape_cast %get3A_728 : vector<1x16xf32> to vector<16xf32>
        %add3A_730 = arith.addf %while3A_582, %get3A_729 : vector<16xf32>
        %get3A_731 = arith.index_cast %while3A_553 : i32 to index
        %get3A_732 = arith.constant 464 : index
        %get3A_733 = tpu.vector_load %arg6[%get3A_731, %get3A_732] {strides = array<i32>} : memref<64x512xf32, #tpu.memory_space<vmem>>, vector<1x16xf32>,
        %get3A_734 = vector.shape_cast %get3A_733 : vector<1x16xf32> to vector<16xf32>
        %add3A_735 = arith.addf %while3A_583, %get3A_734 : vector<16xf32>
        %get3A_736 = arith.index_cast %while3A_553 : i32 to index
        %get3A_737 = arith.constant 480 : index
        %get3A_738 = tpu.vector_load %arg6[%get3A_736, %get3A_737] {strides = array<i32>} : memref<64x512xf32, #tpu.memory_space<vmem>>, vector<1x16xf32>,
        %get3A_739 = vector.shape_cast %get3A_738 : vector<1x16xf32> to vector<16xf32>
        %add3A_740 = arith.addf %while3A_584, %get3A_739 : vector<16xf32>
        %get3A_741 = arith.index_cast %while3A_553 : i32 to index
        %get3A_742 = arith.constant 496 : index
        %get3A_743 = tpu.vector_load %arg6[%get3A_741, %get3A_742] {strides = array<i32>} : memref<64x512xf32, #tpu.memory_space<vmem>>, vector<1x16xf32>,
        %get3A_744 = vector.shape_cast %get3A_743 : vector<1x16xf32> to vector<16xf32>
        %add3A_745 = arith.addf %while3A_585, %get3A_744 : vector<16xf32>
        scf.yield %add3A_590, %add3A_595, %add3A_600, %add3A_605, %add3A_610, %add3A_615, %add3A_620, %add3A_625, %add3A_630, %add3A_635, %add3A_640, %add3A_645, %add3A_650, %add3A_655, %add3A_660, %add3A_665, %add3A_670, %add3A_675, %add3A_680, %add3A_685, %add3A_690, %add3A_695, %add3A_700, %add3A_705, %add3A_710, %add3A_715, %add3A_720, %add3A_725, %add3A_730, %add3A_735, %add3A_740, %add3A_745 : vector<16xf32>, vector<16xf32>, vector<16xf32>, vector<16xf32>, vector<16xf32>, vector<16xf32>, vector<16xf32>, vector<16xf32>, vector<16xf32>, vector<16xf32>, vector<16xf32>, vector<16xf32>, vector<16xf32>, vector<16xf32>, vector<16xf32>, vector<16xf32>, vector<16xf32>, vector<16xf32>, vector<16xf32>, vector<16xf32>, vector<16xf32>, vector<16xf32>, vector<16xf32>, vector<16xf32>, vector<16xf32>, vector<16xf32>, vector<16xf32>, vector<16xf32>, vector<16xf32>, vector<16xf32>, vector<16xf32>, vector<16xf32>
      }
      %add3A_515 = arith.constant 2 : i32
      %add3A_516 = arith.addi %mul3A_493, %add3A_515 : i32
      %lt3A_517 = arith.cmpi slt, %add3A_516, %select_n3A_188 : i32
      %convert_element_type3A_518 = arith.extui %lt3A_517 : i1 to i32
      %cond3A_519 = arith.constant 0 : i32
      %cond3A_520 = arith.cmpi ne, %convert_element_type3A_518, %cond3A_519 : i32
      scf.if %cond3A_520 {
        %add3A_553 = arith.constant 2 : i32
        %add3A_554 = arith.addi %mul3A_493, %add3A_553 : i32
        %mul3A_555 = arith.constant 64 : i32
        %mul3A_556 = arith.muli %add3A_554, %mul3A_555 : i32
        %add3A_557 = arith.addi %mul3A_159, %mul3A_556 : i32
        %dma_start3A = tpu.memref_slice %arg2[%add3A, %add3A_557, %mul3A_32] : memref<16x2048x1024xf32, #tpu.memory_space<hbm>> -> memref<1x64x512xf32, #tpu.memory_space<hbm>>
        %dma_start3A_558 = tpu.memref_squeeze %dma_start3A : memref<1x64x512xf32, #tpu.memory_space<hbm>> -> memref<64x512xf32, #tpu.memory_space<hbm>>
        %dma_start3A_559 = tpu.memref_slice %arg2[%add3A, %add3A_557, %mul3A_32] : memref<16x2048x1024xf32, #tpu.memory_space<hbm>> -> memref<1x64x512xf32, #tpu.memory_space<hbm>>
        %dma_start3A_560 = tpu.memref_squeeze %dma_start3A_559 : memref<1x64x512xf32, #tpu.memory_space<hbm>> -> memref<64x512xf32, #tpu.memory_space<hbm>>
        tpu.enqueue_dma source(%dma_start3A_560 : memref<64x512xf32, #tpu.memory_space<hbm>>) target(%arg6 : memref<64x512xf32, #tpu.memory_space<vmem>>) target_semaphore(%arg9 : memref<!tpu.dma_semaphore, #tpu.memory_space<semaphore_mem>>)
      } else {
      }
      %add3A_521 = arith.constant 1 : i32
      %add3A_522 = arith.addi %mul3A_493, %add3A_521 : i32
      %lt3A_523 = arith.cmpi slt, %add3A_522, %select_n3A_188 : i32
      %convert_element_type3A_524 = arith.extui %lt3A_523 : i1 to i32
      %cond3A_525 = arith.constant 0 : i32
      %cond3A_526 = arith.cmpi ne, %convert_element_type3A_524, %cond3A_525 : i32
      scf.if %cond3A_526 {
        %dma_wait3A_553 = arith.constant 0 : i32
        %dma_wait3A_554 = tpu.memref_slice %arg2[%add3A, %dma_wait3A_553, %mul3A_32] : memref<16x2048x1024xf32, #tpu.memory_space<hbm>> -> memref<1x64x512xf32, #tpu.memory_space<hbm>>
        %dma_wait3A_555 = tpu.memref_squeeze %dma_wait3A_554 : memref<1x64x512xf32, #tpu.memory_space<hbm>> -> memref<64x512xf32, #tpu.memory_space<hbm>>
        %dma_wait3A_556 = arith.constant 0 : i32
        %dma_wait3A_557 = tpu.memref_slice %arg2[%add3A, %dma_wait3A_556, %mul3A_32] : memref<16x2048x1024xf32, #tpu.memory_space<hbm>> -> memref<1x64x512xf32, #tpu.memory_space<hbm>>
        %dma_wait3A_558 = tpu.memref_squeeze %dma_wait3A_557 : memref<1x64x512xf32, #tpu.memory_space<hbm>> -> memref<64x512xf32, #tpu.memory_space<hbm>>
        tpu.wait_dma2 semaphore(%arg10 : memref<!tpu.dma_semaphore, #tpu.memory_space<semaphore_mem>>) src(%dma_wait3A_558 : memref<64x512xf32, #tpu.memory_space<hbm>>) dst(%arg7 : memref<64x512xf32, #tpu.memory_space<vmem>>)
      } else {
      }
      %add3A_527 = arith.constant 1 : i32
      %add3A_528 = arith.addi %mul3A_493, %add3A_527 : i32
      %mul3A_529 = arith.constant 64 : i32
      %mul3A_530 = arith.muli %add3A_528, %mul3A_529 : i32
      %sub3A_531 = arith.subi %sub3A_160, %mul3A_530 : i32
      %jit3A_532 = arith.constant 0 : i32
      %jit3A_533 = arith.constant 64 : i32
      %max3A_534 = arith.maxsi %jit3A_532, %sub3A_531 : i32
      %min3A_535 = arith.minsi %jit3A_533, %max3A_534 : i32
      %while3A_536 = arith.constant 0 : i32
      %while3A_537 = arith.subi %min3A_535, %while3A_536 : i32
      %while3A_538 = arith.addi %while3A_536, %while3A_537 : i32
      %while3A_539 = arith.constant 1 : i32
      %while3A_540 = arith.divsi %while3A_537, %while3A_539 : i32
      %while3A_541 = arith.muli %while3A_540, %while3A_539 : i32
      %while3A_542 = arith.addi %while3A_536, %while3A_541 : i32
      %while3A_543 = arith.constant 1 : i32
      %while3A_544:32 = scf.for %while3A_553 = %while3A_536 to %while3A_542 step %while3A_543 iter_args(%while3A_554 = %while3A_514#0, %while3A_555 = %while3A_514#1, %while3A_556 = %while3A_514#2, %while3A_557 = %while3A_514#3, %while3A_558 = %while3A_514#4, %while3A_559 = %while3A_514#5, %while3A_560 = %while3A_514#6, %while3A_561 = %while3A_514#7, %while3A_562 = %while3A_514#8, %while3A_563 = %while3A_514#9, %while3A_564 = %while3A_514#10, %while3A_565 = %while3A_514#11, %while3A_566 = %while3A_514#12, %while3A_567 = %while3A_514#13, %while3A_568 = %while3A_514#14, %while3A_569 = %while3A_514#15, %while3A_570 = %while3A_514#16, %while3A_571 = %while3A_514#17, %while3A_572 = %while3A_514#18, %while3A_573 = %while3A_514#19, %while3A_574 = %while3A_514#20, %while3A_575 = %while3A_514#21, %while3A_576 = %while3A_514#22, %while3A_577 = %while3A_514#23, %while3A_578 = %while3A_514#24, %while3A_579 = %while3A_514#25, %while3A_580 = %while3A_514#26, %while3A_581 = %while3A_514#27, %while3A_582 = %while3A_514#28, %while3A_583 = %while3A_514#29, %while3A_584 = %while3A_514#30, %while3A_585 = %while3A_514#31) -> (vector<16xf32>, vector<16xf32>, vector<16xf32>, vector<16xf32>, vector<16xf32>, vector<16xf32>, vector<16xf32>, vector<16xf32>, vector<16xf32>, vector<16xf32>, vector<16xf32>, vector<16xf32>, vector<16xf32>, vector<16xf32>, vector<16xf32>, vector<16xf32>, vector<16xf32>, vector<16xf32>, vector<16xf32>, vector<16xf32>, vector<16xf32>, vector<16xf32>, vector<16xf32>, vector<16xf32>, vector<16xf32>, vector<16xf32>, vector<16xf32>, vector<16xf32>, vector<16xf32>, vector<16xf32>, vector<16xf32>, vector<16xf32>)  : i32 {
        %get3A_586 = arith.index_cast %while3A_553 : i32 to index
        %get3A_587 = arith.constant 0 : index
        %get3A_588 = tpu.vector_load %arg7[%get3A_586, %get3A_587] {strides = array<i32>} : memref<64x512xf32, #tpu.memory_space<vmem>>, vector<1x16xf32>,
        %get3A_589 = vector.shape_cast %get3A_588 : vector<1x16xf32> to vector<16xf32>
        %add3A_590 = arith.addf %while3A_554, %get3A_589 : vector<16xf32>
        %get3A_591 = arith.index_cast %while3A_553 : i32 to index
        %get3A_592 = arith.constant 16 : index
        %get3A_593 = tpu.vector_load %arg7[%get3A_591, %get3A_592] {strides = array<i32>} : memref<64x512xf32, #tpu.memory_space<vmem>>, vector<1x16xf32>,
        %get3A_594 = vector.shape_cast %get3A_593 : vector<1x16xf32> to vector<16xf32>
        %add3A_595 = arith.addf %while3A_555, %get3A_594 : vector<16xf32>
        %get3A_596 = arith.index_cast %while3A_553 : i32 to index
        %get3A_597 = arith.constant 32 : index
        %get3A_598 = tpu.vector_load %arg7[%get3A_596, %get3A_597] {strides = array<i32>} : memref<64x512xf32, #tpu.memory_space<vmem>>, vector<1x16xf32>,
        %get3A_599 = vector.shape_cast %get3A_598 : vector<1x16xf32> to vector<16xf32>
        %add3A_600 = arith.addf %while3A_556, %get3A_599 : vector<16xf32>
        %get3A_601 = arith.index_cast %while3A_553 : i32 to index
        %get3A_602 = arith.constant 48 : index
        %get3A_603 = tpu.vector_load %arg7[%get3A_601, %get3A_602] {strides = array<i32>} : memref<64x512xf32, #tpu.memory_space<vmem>>, vector<1x16xf32>,
        %get3A_604 = vector.shape_cast %get3A_603 : vector<1x16xf32> to vector<16xf32>
        %add3A_605 = arith.addf %while3A_557, %get3A_604 : vector<16xf32>
        %get3A_606 = arith.index_cast %while3A_553 : i32 to index
        %get3A_607 = arith.constant 64 : index
        %get3A_608 = tpu.vector_load %arg7[%get3A_606, %get3A_607] {strides = array<i32>} : memref<64x512xf32, #tpu.memory_space<vmem>>, vector<1x16xf32>,
        %get3A_609 = vector.shape_cast %get3A_608 : vector<1x16xf32> to vector<16xf32>
        %add3A_610 = arith.addf %while3A_558, %get3A_609 : vector<16xf32>
        %get3A_611 = arith.index_cast %while3A_553 : i32 to index
        %get3A_612 = arith.constant 80 : index
        %get3A_613 = tpu.vector_load %arg7[%get3A_611, %get3A_612] {strides = array<i32>} : memref<64x512xf32, #tpu.memory_space<vmem>>, vector<1x16xf32>,
        %get3A_614 = vector.shape_cast %get3A_613 : vector<1x16xf32> to vector<16xf32>
        %add3A_615 = arith.addf %while3A_559, %get3A_614 : vector<16xf32>
        %get3A_616 = arith.index_cast %while3A_553 : i32 to index
        %get3A_617 = arith.constant 96 : index
        %get3A_618 = tpu.vector_load %arg7[%get3A_616, %get3A_617] {strides = array<i32>} : memref<64x512xf32, #tpu.memory_space<vmem>>, vector<1x16xf32>,
        %get3A_619 = vector.shape_cast %get3A_618 : vector<1x16xf32> to vector<16xf32>
        %add3A_620 = arith.addf %while3A_560, %get3A_619 : vector<16xf32>
        %get3A_621 = arith.index_cast %while3A_553 : i32 to index
        %get3A_622 = arith.constant 112 : index
        %get3A_623 = tpu.vector_load %arg7[%get3A_621, %get3A_622] {strides = array<i32>} : memref<64x512xf32, #tpu.memory_space<vmem>>, vector<1x16xf32>,
        %get3A_624 = vector.shape_cast %get3A_623 : vector<1x16xf32> to vector<16xf32>
        %add3A_625 = arith.addf %while3A_561, %get3A_624 : vector<16xf32>
        %get3A_626 = arith.index_cast %while3A_553 : i32 to index
        %get3A_627 = arith.constant 128 : index
        %get3A_628 = tpu.vector_load %arg7[%get3A_626, %get3A_627] {strides = array<i32>} : memref<64x512xf32, #tpu.memory_space<vmem>>, vector<1x16xf32>,
        %get3A_629 = vector.shape_cast %get3A_628 : vector<1x16xf32> to vector<16xf32>
        %add3A_630 = arith.addf %while3A_562, %get3A_629 : vector<16xf32>
        %get3A_631 = arith.index_cast %while3A_553 : i32 to index
        %get3A_632 = arith.constant 144 : index
        %get3A_633 = tpu.vector_load %arg7[%get3A_631, %get3A_632] {strides = array<i32>} : memref<64x512xf32, #tpu.memory_space<vmem>>, vector<1x16xf32>,
        %get3A_634 = vector.shape_cast %get3A_633 : vector<1x16xf32> to vector<16xf32>
        %add3A_635 = arith.addf %while3A_563, %get3A_634 : vector<16xf32>
        %get3A_636 = arith.index_cast %while3A_553 : i32 to index
        %get3A_637 = arith.constant 160 : index
        %get3A_638 = tpu.vector_load %arg7[%get3A_636, %get3A_637] {strides = array<i32>} : memref<64x512xf32, #tpu.memory_space<vmem>>, vector<1x16xf32>,
        %get3A_639 = vector.shape_cast %get3A_638 : vector<1x16xf32> to vector<16xf32>
        %add3A_640 = arith.addf %while3A_564, %get3A_639 : vector<16xf32>
        %get3A_641 = arith.index_cast %while3A_553 : i32 to index
        %get3A_642 = arith.constant 176 : index
        %get3A_643 = tpu.vector_load %arg7[%get3A_641, %get3A_642] {strides = array<i32>} : memref<64x512xf32, #tpu.memory_space<vmem>>, vector<1x16xf32>,
        %get3A_644 = vector.shape_cast %get3A_643 : vector<1x16xf32> to vector<16xf32>
        %add3A_645 = arith.addf %while3A_565, %get3A_644 : vector<16xf32>
        %get3A_646 = arith.index_cast %while3A_553 : i32 to index
        %get3A_647 = arith.constant 192 : index
        %get3A_648 = tpu.vector_load %arg7[%get3A_646, %get3A_647] {strides = array<i32>} : memref<64x512xf32, #tpu.memory_space<vmem>>, vector<1x16xf32>,
        %get3A_649 = vector.shape_cast %get3A_648 : vector<1x16xf32> to vector<16xf32>
        %add3A_650 = arith.addf %while3A_566, %get3A_649 : vector<16xf32>
        %get3A_651 = arith.index_cast %while3A_553 : i32 to index
        %get3A_652 = arith.constant 208 : index
        %get3A_653 = tpu.vector_load %arg7[%get3A_651, %get3A_652] {strides = array<i32>} : memref<64x512xf32, #tpu.memory_space<vmem>>, vector<1x16xf32>,
        %get3A_654 = vector.shape_cast %get3A_653 : vector<1x16xf32> to vector<16xf32>
        %add3A_655 = arith.addf %while3A_567, %get3A_654 : vector<16xf32>
        %get3A_656 = arith.index_cast %while3A_553 : i32 to index
        %get3A_657 = arith.constant 224 : index
        %get3A_658 = tpu.vector_load %arg7[%get3A_656, %get3A_657] {strides = array<i32>} : memref<64x512xf32, #tpu.memory_space<vmem>>, vector<1x16xf32>,
        %get3A_659 = vector.shape_cast %get3A_658 : vector<1x16xf32> to vector<16xf32>
        %add3A_660 = arith.addf %while3A_568, %get3A_659 : vector<16xf32>
        %get3A_661 = arith.index_cast %while3A_553 : i32 to index
        %get3A_662 = arith.constant 240 : index
        %get3A_663 = tpu.vector_load %arg7[%get3A_661, %get3A_662] {strides = array<i32>} : memref<64x512xf32, #tpu.memory_space<vmem>>, vector<1x16xf32>,
        %get3A_664 = vector.shape_cast %get3A_663 : vector<1x16xf32> to vector<16xf32>
        %add3A_665 = arith.addf %while3A_569, %get3A_664 : vector<16xf32>
        %get3A_666 = arith.index_cast %while3A_553 : i32 to index
        %get3A_667 = arith.constant 256 : index
        %get3A_668 = tpu.vector_load %arg7[%get3A_666, %get3A_667] {strides = array<i32>} : memref<64x512xf32, #tpu.memory_space<vmem>>, vector<1x16xf32>,
        %get3A_669 = vector.shape_cast %get3A_668 : vector<1x16xf32> to vector<16xf32>
        %add3A_670 = arith.addf %while3A_570, %get3A_669 : vector<16xf32>
        %get3A_671 = arith.index_cast %while3A_553 : i32 to index
        %get3A_672 = arith.constant 272 : index
        %get3A_673 = tpu.vector_load %arg7[%get3A_671, %get3A_672] {strides = array<i32>} : memref<64x512xf32, #tpu.memory_space<vmem>>, vector<1x16xf32>,
        %get3A_674 = vector.shape_cast %get3A_673 : vector<1x16xf32> to vector<16xf32>
        %add3A_675 = arith.addf %while3A_571, %get3A_674 : vector<16xf32>
        %get3A_676 = arith.index_cast %while3A_553 : i32 to index
        %get3A_677 = arith.constant 288 : index
        %get3A_678 = tpu.vector_load %arg7[%get3A_676, %get3A_677] {strides = array<i32>} : memref<64x512xf32, #tpu.memory_space<vmem>>, vector<1x16xf32>,
        %get3A_679 = vector.shape_cast %get3A_678 : vector<1x16xf32> to vector<16xf32>
        %add3A_680 = arith.addf %while3A_572, %get3A_679 : vector<16xf32>
        %get3A_681 = arith.index_cast %while3A_553 : i32 to index
        %get3A_682 = arith.constant 304 : index
        %get3A_683 = tpu.vector_load %arg7[%get3A_681, %get3A_682] {strides = array<i32>} : memref<64x512xf32, #tpu.memory_space<vmem>>, vector<1x16xf32>,
        %get3A_684 = vector.shape_cast %get3A_683 : vector<1x16xf32> to vector<16xf32>
        %add3A_685 = arith.addf %while3A_573, %get3A_684 : vector<16xf32>
        %get3A_686 = arith.index_cast %while3A_553 : i32 to index
        %get3A_687 = arith.constant 320 : index
        %get3A_688 = tpu.vector_load %arg7[%get3A_686, %get3A_687] {strides = array<i32>} : memref<64x512xf32, #tpu.memory_space<vmem>>, vector<1x16xf32>,
        %get3A_689 = vector.shape_cast %get3A_688 : vector<1x16xf32> to vector<16xf32>
        %add3A_690 = arith.addf %while3A_574, %get3A_689 : vector<16xf32>
        %get3A_691 = arith.index_cast %while3A_553 : i32 to index
        %get3A_692 = arith.constant 336 : index
        %get3A_693 = tpu.vector_load %arg7[%get3A_691, %get3A_692] {strides = array<i32>} : memref<64x512xf32, #tpu.memory_space<vmem>>, vector<1x16xf32>,
        %get3A_694 = vector.shape_cast %get3A_693 : vector<1x16xf32> to vector<16xf32>
        %add3A_695 = arith.addf %while3A_575, %get3A_694 : vector<16xf32>
        %get3A_696 = arith.index_cast %while3A_553 : i32 to index
        %get3A_697 = arith.constant 352 : index
        %get3A_698 = tpu.vector_load %arg7[%get3A_696, %get3A_697] {strides = array<i32>} : memref<64x512xf32, #tpu.memory_space<vmem>>, vector<1x16xf32>,
        %get3A_699 = vector.shape_cast %get3A_698 : vector<1x16xf32> to vector<16xf32>
        %add3A_700 = arith.addf %while3A_576, %get3A_699 : vector<16xf32>
        %get3A_701 = arith.index_cast %while3A_553 : i32 to index
        %get3A_702 = arith.constant 368 : index
        %get3A_703 = tpu.vector_load %arg7[%get3A_701, %get3A_702] {strides = array<i32>} : memref<64x512xf32, #tpu.memory_space<vmem>>, vector<1x16xf32>,
        %get3A_704 = vector.shape_cast %get3A_703 : vector<1x16xf32> to vector<16xf32>
        %add3A_705 = arith.addf %while3A_577, %get3A_704 : vector<16xf32>
        %get3A_706 = arith.index_cast %while3A_553 : i32 to index
        %get3A_707 = arith.constant 384 : index
        %get3A_708 = tpu.vector_load %arg7[%get3A_706, %get3A_707] {strides = array<i32>} : memref<64x512xf32, #tpu.memory_space<vmem>>, vector<1x16xf32>,
        %get3A_709 = vector.shape_cast %get3A_708 : vector<1x16xf32> to vector<16xf32>
        %add3A_710 = arith.addf %while3A_578, %get3A_709 : vector<16xf32>
        %get3A_711 = arith.index_cast %while3A_553 : i32 to index
        %get3A_712 = arith.constant 400 : index
        %get3A_713 = tpu.vector_load %arg7[%get3A_711, %get3A_712] {strides = array<i32>} : memref<64x512xf32, #tpu.memory_space<vmem>>, vector<1x16xf32>,
        %get3A_714 = vector.shape_cast %get3A_713 : vector<1x16xf32> to vector<16xf32>
        %add3A_715 = arith.addf %while3A_579, %get3A_714 : vector<16xf32>
        %get3A_716 = arith.index_cast %while3A_553 : i32 to index
        %get3A_717 = arith.constant 416 : index
        %get3A_718 = tpu.vector_load %arg7[%get3A_716, %get3A_717] {strides = array<i32>} : memref<64x512xf32, #tpu.memory_space<vmem>>, vector<1x16xf32>,
        %get3A_719 = vector.shape_cast %get3A_718 : vector<1x16xf32> to vector<16xf32>
        %add3A_720 = arith.addf %while3A_580, %get3A_719 : vector<16xf32>
        %get3A_721 = arith.index_cast %while3A_553 : i32 to index
        %get3A_722 = arith.constant 432 : index
        %get3A_723 = tpu.vector_load %arg7[%get3A_721, %get3A_722] {strides = array<i32>} : memref<64x512xf32, #tpu.memory_space<vmem>>, vector<1x16xf32>,
        %get3A_724 = vector.shape_cast %get3A_723 : vector<1x16xf32> to vector<16xf32>
        %add3A_725 = arith.addf %while3A_581, %get3A_724 : vector<16xf32>
        %get3A_726 = arith.index_cast %while3A_553 : i32 to index
        %get3A_727 = arith.constant 448 : index
        %get3A_728 = tpu.vector_load %arg7[%get3A_726, %get3A_727] {strides = array<i32>} : memref<64x512xf32, #tpu.memory_space<vmem>>, vector<1x16xf32>,
        %get3A_729 = vector.shape_cast %get3A_728 : vector<1x16xf32> to vector<16xf32>
        %add3A_730 = arith.addf %while3A_582, %get3A_729 : vector<16xf32>
        %get3A_731 = arith.index_cast %while3A_553 : i32 to index
        %get3A_732 = arith.constant 464 : index
        %get3A_733 = tpu.vector_load %arg7[%get3A_731, %get3A_732] {strides = array<i32>} : memref<64x512xf32, #tpu.memory_space<vmem>>, vector<1x16xf32>,
        %get3A_734 = vector.shape_cast %get3A_733 : vector<1x16xf32> to vector<16xf32>
        %add3A_735 = arith.addf %while3A_583, %get3A_734 : vector<16xf32>
        %get3A_736 = arith.index_cast %while3A_553 : i32 to index
        %get3A_737 = arith.constant 480 : index
        %get3A_738 = tpu.vector_load %arg7[%get3A_736, %get3A_737] {strides = array<i32>} : memref<64x512xf32, #tpu.memory_space<vmem>>, vector<1x16xf32>,
        %get3A_739 = vector.shape_cast %get3A_738 : vector<1x16xf32> to vector<16xf32>
        %add3A_740 = arith.addf %while3A_584, %get3A_739 : vector<16xf32>
        %get3A_741 = arith.index_cast %while3A_553 : i32 to index
        %get3A_742 = arith.constant 496 : index
        %get3A_743 = tpu.vector_load %arg7[%get3A_741, %get3A_742] {strides = array<i32>} : memref<64x512xf32, #tpu.memory_space<vmem>>, vector<1x16xf32>,
        %get3A_744 = vector.shape_cast %get3A_743 : vector<1x16xf32> to vector<16xf32>
        %add3A_745 = arith.addf %while3A_585, %get3A_744 : vector<16xf32>
        scf.yield %add3A_590, %add3A_595, %add3A_600, %add3A_605, %add3A_610, %add3A_615, %add3A_620, %add3A_625, %add3A_630, %add3A_635, %add3A_640, %add3A_645, %add3A_650, %add3A_655, %add3A_660, %add3A_665, %add3A_670, %add3A_675, %add3A_680, %add3A_685, %add3A_690, %add3A_695, %add3A_700, %add3A_705, %add3A_710, %add3A_715, %add3A_720, %add3A_725, %add3A_730, %add3A_735, %add3A_740, %add3A_745 : vector<16xf32>, vector<16xf32>, vector<16xf32>, vector<16xf32>, vector<16xf32>, vector<16xf32>, vector<16xf32>, vector<16xf32>, vector<16xf32>, vector<16xf32>, vector<16xf32>, vector<16xf32>, vector<16xf32>, vector<16xf32>, vector<16xf32>, vector<16xf32>, vector<16xf32>, vector<16xf32>, vector<16xf32>, vector<16xf32>, vector<16xf32>, vector<16xf32>, vector<16xf32>, vector<16xf32>, vector<16xf32>, vector<16xf32>, vector<16xf32>, vector<16xf32>, vector<16xf32>, vector<16xf32>, vector<16xf32>, vector<16xf32>
      }
      %while3A_545 = arith.constant 1 : i32
      %while3A_546:32 = scf.for %while3A_553 = %while3A_542 to %while3A_538 step %while3A_545 iter_args(%while3A_554 = %while3A_544#0, %while3A_555 = %while3A_544#1, %while3A_556 = %while3A_544#2, %while3A_557 = %while3A_544#3, %while3A_558 = %while3A_544#4, %while3A_559 = %while3A_544#5, %while3A_560 = %while3A_544#6, %while3A_561 = %while3A_544#7, %while3A_562 = %while3A_544#8, %while3A_563 = %while3A_544#9, %while3A_564 = %while3A_544#10, %while3A_565 = %while3A_544#11, %while3A_566 = %while3A_544#12, %while3A_567 = %while3A_544#13, %while3A_568 = %while3A_544#14, %while3A_569 = %while3A_544#15, %while3A_570 = %while3A_544#16, %while3A_571 = %while3A_544#17, %while3A_572 = %while3A_544#18, %while3A_573 = %while3A_544#19, %while3A_574 = %while3A_544#20, %while3A_575 = %while3A_544#21, %while3A_576 = %while3A_544#22, %while3A_577 = %while3A_544#23, %while3A_578 = %while3A_544#24, %while3A_579 = %while3A_544#25, %while3A_580 = %while3A_544#26, %while3A_581 = %while3A_544#27, %while3A_582 = %while3A_544#28, %while3A_583 = %while3A_544#29, %while3A_584 = %while3A_544#30, %while3A_585 = %while3A_544#31) -> (vector<16xf32>, vector<16xf32>, vector<16xf32>, vector<16xf32>, vector<16xf32>, vector<16xf32>, vector<16xf32>, vector<16xf32>, vector<16xf32>, vector<16xf32>, vector<16xf32>, vector<16xf32>, vector<16xf32>, vector<16xf32>, vector<16xf32>, vector<16xf32>, vector<16xf32>, vector<16xf32>, vector<16xf32>, vector<16xf32>, vector<16xf32>, vector<16xf32>, vector<16xf32>, vector<16xf32>, vector<16xf32>, vector<16xf32>, vector<16xf32>, vector<16xf32>, vector<16xf32>, vector<16xf32>, vector<16xf32>, vector<16xf32>)  : i32 {
        %get3A_586 = arith.index_cast %while3A_553 : i32 to index
        %get3A_587 = arith.constant 0 : index
        %get3A_588 = tpu.vector_load %arg7[%get3A_586, %get3A_587] {strides = array<i32>} : memref<64x512xf32, #tpu.memory_space<vmem>>, vector<1x16xf32>,
        %get3A_589 = vector.shape_cast %get3A_588 : vector<1x16xf32> to vector<16xf32>
        %add3A_590 = arith.addf %while3A_554, %get3A_589 : vector<16xf32>
        %get3A_591 = arith.index_cast %while3A_553 : i32 to index
        %get3A_592 = arith.constant 16 : index
        %get3A_593 = tpu.vector_load %arg7[%get3A_591, %get3A_592] {strides = array<i32>} : memref<64x512xf32, #tpu.memory_space<vmem>>, vector<1x16xf32>,
        %get3A_594 = vector.shape_cast %get3A_593 : vector<1x16xf32> to vector<16xf32>
        %add3A_595 = arith.addf %while3A_555, %get3A_594 : vector<16xf32>
        %get3A_596 = arith.index_cast %while3A_553 : i32 to index
        %get3A_597 = arith.constant 32 : index
        %get3A_598 = tpu.vector_load %arg7[%get3A_596, %get3A_597] {strides = array<i32>} : memref<64x512xf32, #tpu.memory_space<vmem>>, vector<1x16xf32>,
        %get3A_599 = vector.shape_cast %get3A_598 : vector<1x16xf32> to vector<16xf32>
        %add3A_600 = arith.addf %while3A_556, %get3A_599 : vector<16xf32>
        %get3A_601 = arith.index_cast %while3A_553 : i32 to index
        %get3A_602 = arith.constant 48 : index
        %get3A_603 = tpu.vector_load %arg7[%get3A_601, %get3A_602] {strides = array<i32>} : memref<64x512xf32, #tpu.memory_space<vmem>>, vector<1x16xf32>,
        %get3A_604 = vector.shape_cast %get3A_603 : vector<1x16xf32> to vector<16xf32>
        %add3A_605 = arith.addf %while3A_557, %get3A_604 : vector<16xf32>
        %get3A_606 = arith.index_cast %while3A_553 : i32 to index
        %get3A_607 = arith.constant 64 : index
        %get3A_608 = tpu.vector_load %arg7[%get3A_606, %get3A_607] {strides = array<i32>} : memref<64x512xf32, #tpu.memory_space<vmem>>, vector<1x16xf32>,
        %get3A_609 = vector.shape_cast %get3A_608 : vector<1x16xf32> to vector<16xf32>
        %add3A_610 = arith.addf %while3A_558, %get3A_609 : vector<16xf32>
        %get3A_611 = arith.index_cast %while3A_553 : i32 to index
        %get3A_612 = arith.constant 80 : index
        %get3A_613 = tpu.vector_load %arg7[%get3A_611, %get3A_612] {strides = array<i32>} : memref<64x512xf32, #tpu.memory_space<vmem>>, vector<1x16xf32>,
        %get3A_614 = vector.shape_cast %get3A_613 : vector<1x16xf32> to vector<16xf32>
        %add3A_615 = arith.addf %while3A_559, %get3A_614 : vector<16xf32>
        %get3A_616 = arith.index_cast %while3A_553 : i32 to index
        %get3A_617 = arith.constant 96 : index
        %get3A_618 = tpu.vector_load %arg7[%get3A_616, %get3A_617] {strides = array<i32>} : memref<64x512xf32, #tpu.memory_space<vmem>>, vector<1x16xf32>,
        %get3A_619 = vector.shape_cast %get3A_618 : vector<1x16xf32> to vector<16xf32>
        %add3A_620 = arith.addf %while3A_560, %get3A_619 : vector<16xf32>
        %get3A_621 = arith.index_cast %while3A_553 : i32 to index
        %get3A_622 = arith.constant 112 : index
        %get3A_623 = tpu.vector_load %arg7[%get3A_621, %get3A_622] {strides = array<i32>} : memref<64x512xf32, #tpu.memory_space<vmem>>, vector<1x16xf32>,
        %get3A_624 = vector.shape_cast %get3A_623 : vector<1x16xf32> to vector<16xf32>
        %add3A_625 = arith.addf %while3A_561, %get3A_624 : vector<16xf32>
        %get3A_626 = arith.index_cast %while3A_553 : i32 to index
        %get3A_627 = arith.constant 128 : index
        %get3A_628 = tpu.vector_load %arg7[%get3A_626, %get3A_627] {strides = array<i32>} : memref<64x512xf32, #tpu.memory_space<vmem>>, vector<1x16xf32>,
        %get3A_629 = vector.shape_cast %get3A_628 : vector<1x16xf32> to vector<16xf32>
        %add3A_630 = arith.addf %while3A_562, %get3A_629 : vector<16xf32>
        %get3A_631 = arith.index_cast %while3A_553 : i32 to index
        %get3A_632 = arith.constant 144 : index
        %get3A_633 = tpu.vector_load %arg7[%get3A_631, %get3A_632] {strides = array<i32>} : memref<64x512xf32, #tpu.memory_space<vmem>>, vector<1x16xf32>,
        %get3A_634 = vector.shape_cast %get3A_633 : vector<1x16xf32> to vector<16xf32>
        %add3A_635 = arith.addf %while3A_563, %get3A_634 : vector<16xf32>
        %get3A_636 = arith.index_cast %while3A_553 : i32 to index
        %get3A_637 = arith.constant 160 : index
        %get3A_638 = tpu.vector_load %arg7[%get3A_636, %get3A_637] {strides = array<i32>} : memref<64x512xf32, #tpu.memory_space<vmem>>, vector<1x16xf32>,
        %get3A_639 = vector.shape_cast %get3A_638 : vector<1x16xf32> to vector<16xf32>
        %add3A_640 = arith.addf %while3A_564, %get3A_639 : vector<16xf32>
        %get3A_641 = arith.index_cast %while3A_553 : i32 to index
        %get3A_642 = arith.constant 176 : index
        %get3A_643 = tpu.vector_load %arg7[%get3A_641, %get3A_642] {strides = array<i32>} : memref<64x512xf32, #tpu.memory_space<vmem>>, vector<1x16xf32>,
        %get3A_644 = vector.shape_cast %get3A_643 : vector<1x16xf32> to vector<16xf32>
        %add3A_645 = arith.addf %while3A_565, %get3A_644 : vector<16xf32>
        %get3A_646 = arith.index_cast %while3A_553 : i32 to index
        %get3A_647 = arith.constant 192 : index
        %get3A_648 = tpu.vector_load %arg7[%get3A_646, %get3A_647] {strides = array<i32>} : memref<64x512xf32, #tpu.memory_space<vmem>>, vector<1x16xf32>,
        %get3A_649 = vector.shape_cast %get3A_648 : vector<1x16xf32> to vector<16xf32>
        %add3A_650 = arith.addf %while3A_566, %get3A_649 : vector<16xf32>
        %get3A_651 = arith.index_cast %while3A_553 : i32 to index
        %get3A_652 = arith.constant 208 : index
        %get3A_653 = tpu.vector_load %arg7[%get3A_651, %get3A_652] {strides = array<i32>} : memref<64x512xf32, #tpu.memory_space<vmem>>, vector<1x16xf32>,
        %get3A_654 = vector.shape_cast %get3A_653 : vector<1x16xf32> to vector<16xf32>
        %add3A_655 = arith.addf %while3A_567, %get3A_654 : vector<16xf32>
        %get3A_656 = arith.index_cast %while3A_553 : i32 to index
        %get3A_657 = arith.constant 224 : index
        %get3A_658 = tpu.vector_load %arg7[%get3A_656, %get3A_657] {strides = array<i32>} : memref<64x512xf32, #tpu.memory_space<vmem>>, vector<1x16xf32>,
        %get3A_659 = vector.shape_cast %get3A_658 : vector<1x16xf32> to vector<16xf32>
        %add3A_660 = arith.addf %while3A_568, %get3A_659 : vector<16xf32>
        %get3A_661 = arith.index_cast %while3A_553 : i32 to index
        %get3A_662 = arith.constant 240 : index
        %get3A_663 = tpu.vector_load %arg7[%get3A_661, %get3A_662] {strides = array<i32>} : memref<64x512xf32, #tpu.memory_space<vmem>>, vector<1x16xf32>,
        %get3A_664 = vector.shape_cast %get3A_663 : vector<1x16xf32> to vector<16xf32>
        %add3A_665 = arith.addf %while3A_569, %get3A_664 : vector<16xf32>
        %get3A_666 = arith.index_cast %while3A_553 : i32 to index
        %get3A_667 = arith.constant 256 : index
        %get3A_668 = tpu.vector_load %arg7[%get3A_666, %get3A_667] {strides = array<i32>} : memref<64x512xf32, #tpu.memory_space<vmem>>, vector<1x16xf32>,
        %get3A_669 = vector.shape_cast %get3A_668 : vector<1x16xf32> to vector<16xf32>
        %add3A_670 = arith.addf %while3A_570, %get3A_669 : vector<16xf32>
        %get3A_671 = arith.index_cast %while3A_553 : i32 to index
        %get3A_672 = arith.constant 272 : index
        %get3A_673 = tpu.vector_load %arg7[%get3A_671, %get3A_672] {strides = array<i32>} : memref<64x512xf32, #tpu.memory_space<vmem>>, vector<1x16xf32>,
        %get3A_674 = vector.shape_cast %get3A_673 : vector<1x16xf32> to vector<16xf32>
        %add3A_675 = arith.addf %while3A_571, %get3A_674 : vector<16xf32>
        %get3A_676 = arith.index_cast %while3A_553 : i32 to index
        %get3A_677 = arith.constant 288 : index
        %get3A_678 = tpu.vector_load %arg7[%get3A_676, %get3A_677] {strides = array<i32>} : memref<64x512xf32, #tpu.memory_space<vmem>>, vector<1x16xf32>,
        %get3A_679 = vector.shape_cast %get3A_678 : vector<1x16xf32> to vector<16xf32>
        %add3A_680 = arith.addf %while3A_572, %get3A_679 : vector<16xf32>
        %get3A_681 = arith.index_cast %while3A_553 : i32 to index
        %get3A_682 = arith.constant 304 : index
        %get3A_683 = tpu.vector_load %arg7[%get3A_681, %get3A_682] {strides = array<i32>} : memref<64x512xf32, #tpu.memory_space<vmem>>, vector<1x16xf32>,
        %get3A_684 = vector.shape_cast %get3A_683 : vector<1x16xf32> to vector<16xf32>
        %add3A_685 = arith.addf %while3A_573, %get3A_684 : vector<16xf32>
        %get3A_686 = arith.index_cast %while3A_553 : i32 to index
        %get3A_687 = arith.constant 320 : index
        %get3A_688 = tpu.vector_load %arg7[%get3A_686, %get3A_687] {strides = array<i32>} : memref<64x512xf32, #tpu.memory_space<vmem>>, vector<1x16xf32>,
        %get3A_689 = vector.shape_cast %get3A_688 : vector<1x16xf32> to vector<16xf32>
        %add3A_690 = arith.addf %while3A_574, %get3A_689 : vector<16xf32>
        %get3A_691 = arith.index_cast %while3A_553 : i32 to index
        %get3A_692 = arith.constant 336 : index
        %get3A_693 = tpu.vector_load %arg7[%get3A_691, %get3A_692] {strides = array<i32>} : memref<64x512xf32, #tpu.memory_space<vmem>>, vector<1x16xf32>,
        %get3A_694 = vector.shape_cast %get3A_693 : vector<1x16xf32> to vector<16xf32>
        %add3A_695 = arith.addf %while3A_575, %get3A_694 : vector<16xf32>
        %get3A_696 = arith.index_cast %while3A_553 : i32 to index
        %get3A_697 = arith.constant 352 : index
        %get3A_698 = tpu.vector_load %arg7[%get3A_696, %get3A_697] {strides = array<i32>} : memref<64x512xf32, #tpu.memory_space<vmem>>, vector<1x16xf32>,
        %get3A_699 = vector.shape_cast %get3A_698 : vector<1x16xf32> to vector<16xf32>
        %add3A_700 = arith.addf %while3A_576, %get3A_699 : vector<16xf32>
        %get3A_701 = arith.index_cast %while3A_553 : i32 to index
        %get3A_702 = arith.constant 368 : index
        %get3A_703 = tpu.vector_load %arg7[%get3A_701, %get3A_702] {strides = array<i32>} : memref<64x512xf32, #tpu.memory_space<vmem>>, vector<1x16xf32>,
        %get3A_704 = vector.shape_cast %get3A_703 : vector<1x16xf32> to vector<16xf32>
        %add3A_705 = arith.addf %while3A_577, %get3A_704 : vector<16xf32>
        %get3A_706 = arith.index_cast %while3A_553 : i32 to index
        %get3A_707 = arith.constant 384 : index
        %get3A_708 = tpu.vector_load %arg7[%get3A_706, %get3A_707] {strides = array<i32>} : memref<64x512xf32, #tpu.memory_space<vmem>>, vector<1x16xf32>,
        %get3A_709 = vector.shape_cast %get3A_708 : vector<1x16xf32> to vector<16xf32>
        %add3A_710 = arith.addf %while3A_578, %get3A_709 : vector<16xf32>
        %get3A_711 = arith.index_cast %while3A_553 : i32 to index
        %get3A_712 = arith.constant 400 : index
        %get3A_713 = tpu.vector_load %arg7[%get3A_711, %get3A_712] {strides = array<i32>} : memref<64x512xf32, #tpu.memory_space<vmem>>, vector<1x16xf32>,
        %get3A_714 = vector.shape_cast %get3A_713 : vector<1x16xf32> to vector<16xf32>
        %add3A_715 = arith.addf %while3A_579, %get3A_714 : vector<16xf32>
        %get3A_716 = arith.index_cast %while3A_553 : i32 to index
        %get3A_717 = arith.constant 416 : index
        %get3A_718 = tpu.vector_load %arg7[%get3A_716, %get3A_717] {strides = array<i32>} : memref<64x512xf32, #tpu.memory_space<vmem>>, vector<1x16xf32>,
        %get3A_719 = vector.shape_cast %get3A_718 : vector<1x16xf32> to vector<16xf32>
        %add3A_720 = arith.addf %while3A_580, %get3A_719 : vector<16xf32>
        %get3A_721 = arith.index_cast %while3A_553 : i32 to index
        %get3A_722 = arith.constant 432 : index
        %get3A_723 = tpu.vector_load %arg7[%get3A_721, %get3A_722] {strides = array<i32>} : memref<64x512xf32, #tpu.memory_space<vmem>>, vector<1x16xf32>,
        %get3A_724 = vector.shape_cast %get3A_723 : vector<1x16xf32> to vector<16xf32>
        %add3A_725 = arith.addf %while3A_581, %get3A_724 : vector<16xf32>
        %get3A_726 = arith.index_cast %while3A_553 : i32 to index
        %get3A_727 = arith.constant 448 : index
        %get3A_728 = tpu.vector_load %arg7[%get3A_726, %get3A_727] {strides = array<i32>} : memref<64x512xf32, #tpu.memory_space<vmem>>, vector<1x16xf32>,
        %get3A_729 = vector.shape_cast %get3A_728 : vector<1x16xf32> to vector<16xf32>
        %add3A_730 = arith.addf %while3A_582, %get3A_729 : vector<16xf32>
        %get3A_731 = arith.index_cast %while3A_553 : i32 to index
        %get3A_732 = arith.constant 464 : index
        %get3A_733 = tpu.vector_load %arg7[%get3A_731, %get3A_732] {strides = array<i32>} : memref<64x512xf32, #tpu.memory_space<vmem>>, vector<1x16xf32>,
        %get3A_734 = vector.shape_cast %get3A_733 : vector<1x16xf32> to vector<16xf32>
        %add3A_735 = arith.addf %while3A_583, %get3A_734 : vector<16xf32>
        %get3A_736 = arith.index_cast %while3A_553 : i32 to index
        %get3A_737 = arith.constant 480 : index
        %get3A_738 = tpu.vector_load %arg7[%get3A_736, %get3A_737] {strides = array<i32>} : memref<64x512xf32, #tpu.memory_space<vmem>>, vector<1x16xf32>,
        %get3A_739 = vector.shape_cast %get3A_738 : vector<1x16xf32> to vector<16xf32>
        %add3A_740 = arith.addf %while3A_584, %get3A_739 : vector<16xf32>
        %get3A_741 = arith.index_cast %while3A_553 : i32 to index
        %get3A_742 = arith.constant 496 : index
        %get3A_743 = tpu.vector_load %arg7[%get3A_741, %get3A_742] {strides = array<i32>} : memref<64x512xf32, #tpu.memory_space<vmem>>, vector<1x16xf32>,
        %get3A_744 = vector.shape_cast %get3A_743 : vector<1x16xf32> to vector<16xf32>
        %add3A_745 = arith.addf %while3A_585, %get3A_744 : vector<16xf32>
        scf.yield %add3A_590, %add3A_595, %add3A_600, %add3A_605, %add3A_610, %add3A_615, %add3A_620, %add3A_625, %add3A_630, %add3A_635, %add3A_640, %add3A_645, %add3A_650, %add3A_655, %add3A_660, %add3A_665, %add3A_670, %add3A_675, %add3A_680, %add3A_685, %add3A_690, %add3A_695, %add3A_700, %add3A_705, %add3A_710, %add3A_715, %add3A_720, %add3A_725, %add3A_730, %add3A_735, %add3A_740, %add3A_745 : vector<16xf32>, vector<16xf32>, vector<16xf32>, vector<16xf32>, vector<16xf32>, vector<16xf32>, vector<16xf32>, vector<16xf32>, vector<16xf32>, vector<16xf32>, vector<16xf32>, vector<16xf32>, vector<16xf32>, vector<16xf32>, vector<16xf32>, vector<16xf32>, vector<16xf32>, vector<16xf32>, vector<16xf32>, vector<16xf32>, vector<16xf32>, vector<16xf32>, vector<16xf32>, vector<16xf32>, vector<16xf32>, vector<16xf32>, vector<16xf32>, vector<16xf32>, vector<16xf32>, vector<16xf32>, vector<16xf32>, vector<16xf32>
      }
      %add3A_547 = arith.constant 3 : i32
      %add3A_548 = arith.addi %mul3A_493, %add3A_547 : i32
      %lt3A_549 = arith.cmpi slt, %add3A_548, %select_n3A_188 : i32
      %convert_element_type3A_550 = arith.extui %lt3A_549 : i1 to i32
      %cond3A_551 = arith.constant 0 : i32
      %cond3A_552 = arith.cmpi ne, %convert_element_type3A_550, %cond3A_551 : i32
      scf.if %cond3A_552 {
        %add3A_553 = arith.constant 3 : i32
        %add3A_554 = arith.addi %mul3A_493, %add3A_553 : i32
        %mul3A_555 = arith.constant 64 : i32
        %mul3A_556 = arith.muli %add3A_554, %mul3A_555 : i32
        %add3A_557 = arith.addi %mul3A_159, %mul3A_556 : i32
        %dma_start3A = tpu.memref_slice %arg2[%add3A, %add3A_557, %mul3A_32] : memref<16x2048x1024xf32, #tpu.memory_space<hbm>> -> memref<1x64x512xf32, #tpu.memory_space<hbm>>
        %dma_start3A_558 = tpu.memref_squeeze %dma_start3A : memref<1x64x512xf32, #tpu.memory_space<hbm>> -> memref<64x512xf32, #tpu.memory_space<hbm>>
        %dma_start3A_559 = tpu.memref_slice %arg2[%add3A, %add3A_557, %mul3A_32] : memref<16x2048x1024xf32, #tpu.memory_space<hbm>> -> memref<1x64x512xf32, #tpu.memory_space<hbm>>
        %dma_start3A_560 = tpu.memref_squeeze %dma_start3A_559 : memref<1x64x512xf32, #tpu.memory_space<hbm>> -> memref<64x512xf32, #tpu.memory_space<hbm>>
        tpu.enqueue_dma source(%dma_start3A_560 : memref<64x512xf32, #tpu.memory_space<hbm>>) target(%arg7 : memref<64x512xf32, #tpu.memory_space<vmem>>) target_semaphore(%arg10 : memref<!tpu.dma_semaphore, #tpu.memory_space<semaphore_mem>>)
      } else {
      }
      scf.yield %while3A_546#0, %while3A_546#1, %while3A_546#2, %while3A_546#3, %while3A_546#4, %while3A_546#5, %while3A_546#6, %while3A_546#7, %while3A_546#8, %while3A_546#9, %while3A_546#10, %while3A_546#11, %while3A_546#12, %while3A_546#13, %while3A_546#14, %while3A_546#15, %while3A_546#16, %while3A_546#17, %while3A_546#18, %while3A_546#19, %while3A_546#20, %while3A_546#21, %while3A_546#22, %while3A_546#23, %while3A_546#24, %while3A_546#25, %while3A_546#26, %while3A_546#27, %while3A_546#28, %while3A_546#29, %while3A_546#30, %while3A_546#31 : vector<16xf32>, vector<16xf32>, vector<16xf32>, vector<16xf32>, vector<16xf32>, vector<16xf32>, vector<16xf32>, vector<16xf32>, vector<16xf32>, vector<16xf32>, vector<16xf32>, vector<16xf32>, vector<16xf32>, vector<16xf32>, vector<16xf32>, vector<16xf32>, vector<16xf32>, vector<16xf32>, vector<16xf32>, vector<16xf32>, vector<16xf32>, vector<16xf32>, vector<16xf32>, vector<16xf32>, vector<16xf32>, vector<16xf32>, vector<16xf32>, vector<16xf32>, vector<16xf32>, vector<16xf32>, vector<16xf32>, vector<16xf32>
    }
    %while3A_293 = arith.constant 1 : i32
    %while3A_294:32 = scf.for %while3A_459 = %while3A_290 to %while3A_286 step %while3A_293 iter_args(%while3A_460 = %while3A_292#0, %while3A_461 = %while3A_292#1, %while3A_462 = %while3A_292#2, %while3A_463 = %while3A_292#3, %while3A_464 = %while3A_292#4, %while3A_465 = %while3A_292#5, %while3A_466 = %while3A_292#6, %while3A_467 = %while3A_292#7, %while3A_468 = %while3A_292#8, %while3A_469 = %while3A_292#9, %while3A_470 = %while3A_292#10, %while3A_471 = %while3A_292#11, %while3A_472 = %while3A_292#12, %while3A_473 = %while3A_292#13, %while3A_474 = %while3A_292#14, %while3A_475 = %while3A_292#15, %while3A_476 = %while3A_292#16, %while3A_477 = %while3A_292#17, %while3A_478 = %while3A_292#18, %while3A_479 = %while3A_292#19, %while3A_480 = %while3A_292#20, %while3A_481 = %while3A_292#21, %while3A_482 = %while3A_292#22, %while3A_483 = %while3A_292#23, %while3A_484 = %while3A_292#24, %while3A_485 = %while3A_292#25, %while3A_486 = %while3A_292#26, %while3A_487 = %while3A_292#27, %while3A_488 = %while3A_292#28, %while3A_489 = %while3A_292#29, %while3A_490 = %while3A_292#30, %while3A_491 = %while3A_292#31) -> (vector<16xf32>, vector<16xf32>, vector<16xf32>, vector<16xf32>, vector<16xf32>, vector<16xf32>, vector<16xf32>, vector<16xf32>, vector<16xf32>, vector<16xf32>, vector<16xf32>, vector<16xf32>, vector<16xf32>, vector<16xf32>, vector<16xf32>, vector<16xf32>, vector<16xf32>, vector<16xf32>, vector<16xf32>, vector<16xf32>, vector<16xf32>, vector<16xf32>, vector<16xf32>, vector<16xf32>, vector<16xf32>, vector<16xf32>, vector<16xf32>, vector<16xf32>, vector<16xf32>, vector<16xf32>, vector<16xf32>, vector<16xf32>)  : i32 {
      %mul3A_492 = arith.constant 2 : i32
      %mul3A_493 = arith.muli %mul3A_492, %while3A_459 : i32
      %dma_wait3A = arith.constant 0 : i32
      %dma_wait3A_494 = tpu.memref_slice %arg2[%add3A, %dma_wait3A, %mul3A_32] : memref<16x2048x1024xf32, #tpu.memory_space<hbm>> -> memref<1x64x512xf32, #tpu.memory_space<hbm>>
      %dma_wait3A_495 = tpu.memref_squeeze %dma_wait3A_494 : memref<1x64x512xf32, #tpu.memory_space<hbm>> -> memref<64x512xf32, #tpu.memory_space<hbm>>
      %dma_wait3A_496 = arith.constant 0 : i32
      %dma_wait3A_497 = tpu.memref_slice %arg2[%add3A, %dma_wait3A_496, %mul3A_32] : memref<16x2048x1024xf32, #tpu.memory_space<hbm>> -> memref<1x64x512xf32, #tpu.memory_space<hbm>>
      %dma_wait3A_498 = tpu.memref_squeeze %dma_wait3A_497 : memref<1x64x512xf32, #tpu.memory_space<hbm>> -> memref<64x512xf32, #tpu.memory_space<hbm>>
      tpu.wait_dma2 semaphore(%arg9 : memref<!tpu.dma_semaphore, #tpu.memory_space<semaphore_mem>>) src(%dma_wait3A_498 : memref<64x512xf32, #tpu.memory_space<hbm>>) dst(%arg6 : memref<64x512xf32, #tpu.memory_space<vmem>>)
      %mul3A_499 = arith.constant 64 : i32
      %mul3A_500 = arith.muli %mul3A_493, %mul3A_499 : i32
      %sub3A_501 = arith.subi %sub3A_160, %mul3A_500 : i32
      %jit3A_502 = arith.constant 0 : i32
      %jit3A_503 = arith.constant 64 : i32
      %max3A = arith.maxsi %jit3A_502, %sub3A_501 : i32
      %min3A = arith.minsi %jit3A_503, %max3A : i32
      %while3A_504 = arith.constant 0 : i32
      %while3A_505 = arith.subi %min3A, %while3A_504 : i32
      %while3A_506 = arith.addi %while3A_504, %while3A_505 : i32
      %while3A_507 = arith.constant 1 : i32
      %while3A_508 = arith.divsi %while3A_505, %while3A_507 : i32
      %while3A_509 = arith.muli %while3A_508, %while3A_507 : i32
      %while3A_510 = arith.addi %while3A_504, %while3A_509 : i32
      %while3A_511 = arith.constant 1 : i32
      %while3A_512:32 = scf.for %while3A_553 = %while3A_504 to %while3A_510 step %while3A_511 iter_args(%while3A_554 = %while3A_460, %while3A_555 = %while3A_461, %while3A_556 = %while3A_462, %while3A_557 = %while3A_463, %while3A_558 = %while3A_464, %while3A_559 = %while3A_465, %while3A_560 = %while3A_466, %while3A_561 = %while3A_467, %while3A_562 = %while3A_468, %while3A_563 = %while3A_469, %while3A_564 = %while3A_470, %while3A_565 = %while3A_471, %while3A_566 = %while3A_472, %while3A_567 = %while3A_473, %while3A_568 = %while3A_474, %while3A_569 = %while3A_475, %while3A_570 = %while3A_476, %while3A_571 = %while3A_477, %while3A_572 = %while3A_478, %while3A_573 = %while3A_479, %while3A_574 = %while3A_480, %while3A_575 = %while3A_481, %while3A_576 = %while3A_482, %while3A_577 = %while3A_483, %while3A_578 = %while3A_484, %while3A_579 = %while3A_485, %while3A_580 = %while3A_486, %while3A_581 = %while3A_487, %while3A_582 = %while3A_488, %while3A_583 = %while3A_489, %while3A_584 = %while3A_490, %while3A_585 = %while3A_491) -> (vector<16xf32>, vector<16xf32>, vector<16xf32>, vector<16xf32>, vector<16xf32>, vector<16xf32>, vector<16xf32>, vector<16xf32>, vector<16xf32>, vector<16xf32>, vector<16xf32>, vector<16xf32>, vector<16xf32>, vector<16xf32>, vector<16xf32>, vector<16xf32>, vector<16xf32>, vector<16xf32>, vector<16xf32>, vector<16xf32>, vector<16xf32>, vector<16xf32>, vector<16xf32>, vector<16xf32>, vector<16xf32>, vector<16xf32>, vector<16xf32>, vector<16xf32>, vector<16xf32>, vector<16xf32>, vector<16xf32>, vector<16xf32>)  : i32 {
        %get3A_586 = arith.index_cast %while3A_553 : i32 to index
        %get3A_587 = arith.constant 0 : index
        %get3A_588 = tpu.vector_load %arg6[%get3A_586, %get3A_587] {strides = array<i32>} : memref<64x512xf32, #tpu.memory_space<vmem>>, vector<1x16xf32>,
        %get3A_589 = vector.shape_cast %get3A_588 : vector<1x16xf32> to vector<16xf32>
        %add3A_590 = arith.addf %while3A_554, %get3A_589 : vector<16xf32>
        %get3A_591 = arith.index_cast %while3A_553 : i32 to index
        %get3A_592 = arith.constant 16 : index
        %get3A_593 = tpu.vector_load %arg6[%get3A_591, %get3A_592] {strides = array<i32>} : memref<64x512xf32, #tpu.memory_space<vmem>>, vector<1x16xf32>,
        %get3A_594 = vector.shape_cast %get3A_593 : vector<1x16xf32> to vector<16xf32>
        %add3A_595 = arith.addf %while3A_555, %get3A_594 : vector<16xf32>
        %get3A_596 = arith.index_cast %while3A_553 : i32 to index
        %get3A_597 = arith.constant 32 : index
        %get3A_598 = tpu.vector_load %arg6[%get3A_596, %get3A_597] {strides = array<i32>} : memref<64x512xf32, #tpu.memory_space<vmem>>, vector<1x16xf32>,
        %get3A_599 = vector.shape_cast %get3A_598 : vector<1x16xf32> to vector<16xf32>
        %add3A_600 = arith.addf %while3A_556, %get3A_599 : vector<16xf32>
        %get3A_601 = arith.index_cast %while3A_553 : i32 to index
        %get3A_602 = arith.constant 48 : index
        %get3A_603 = tpu.vector_load %arg6[%get3A_601, %get3A_602] {strides = array<i32>} : memref<64x512xf32, #tpu.memory_space<vmem>>, vector<1x16xf32>,
        %get3A_604 = vector.shape_cast %get3A_603 : vector<1x16xf32> to vector<16xf32>
        %add3A_605 = arith.addf %while3A_557, %get3A_604 : vector<16xf32>
        %get3A_606 = arith.index_cast %while3A_553 : i32 to index
        %get3A_607 = arith.constant 64 : index
        %get3A_608 = tpu.vector_load %arg6[%get3A_606, %get3A_607] {strides = array<i32>} : memref<64x512xf32, #tpu.memory_space<vmem>>, vector<1x16xf32>,
        %get3A_609 = vector.shape_cast %get3A_608 : vector<1x16xf32> to vector<16xf32>
        %add3A_610 = arith.addf %while3A_558, %get3A_609 : vector<16xf32>
        %get3A_611 = arith.index_cast %while3A_553 : i32 to index
        %get3A_612 = arith.constant 80 : index
        %get3A_613 = tpu.vector_load %arg6[%get3A_611, %get3A_612] {strides = array<i32>} : memref<64x512xf32, #tpu.memory_space<vmem>>, vector<1x16xf32>,
        %get3A_614 = vector.shape_cast %get3A_613 : vector<1x16xf32> to vector<16xf32>
        %add3A_615 = arith.addf %while3A_559, %get3A_614 : vector<16xf32>
        %get3A_616 = arith.index_cast %while3A_553 : i32 to index
        %get3A_617 = arith.constant 96 : index
        %get3A_618 = tpu.vector_load %arg6[%get3A_616, %get3A_617] {strides = array<i32>} : memref<64x512xf32, #tpu.memory_space<vmem>>, vector<1x16xf32>,
        %get3A_619 = vector.shape_cast %get3A_618 : vector<1x16xf32> to vector<16xf32>
        %add3A_620 = arith.addf %while3A_560, %get3A_619 : vector<16xf32>
        %get3A_621 = arith.index_cast %while3A_553 : i32 to index
        %get3A_622 = arith.constant 112 : index
        %get3A_623 = tpu.vector_load %arg6[%get3A_621, %get3A_622] {strides = array<i32>} : memref<64x512xf32, #tpu.memory_space<vmem>>, vector<1x16xf32>,
        %get3A_624 = vector.shape_cast %get3A_623 : vector<1x16xf32> to vector<16xf32>
        %add3A_625 = arith.addf %while3A_561, %get3A_624 : vector<16xf32>
        %get3A_626 = arith.index_cast %while3A_553 : i32 to index
        %get3A_627 = arith.constant 128 : index
        %get3A_628 = tpu.vector_load %arg6[%get3A_626, %get3A_627] {strides = array<i32>} : memref<64x512xf32, #tpu.memory_space<vmem>>, vector<1x16xf32>,
        %get3A_629 = vector.shape_cast %get3A_628 : vector<1x16xf32> to vector<16xf32>
        %add3A_630 = arith.addf %while3A_562, %get3A_629 : vector<16xf32>
        %get3A_631 = arith.index_cast %while3A_553 : i32 to index
        %get3A_632 = arith.constant 144 : index
        %get3A_633 = tpu.vector_load %arg6[%get3A_631, %get3A_632] {strides = array<i32>} : memref<64x512xf32, #tpu.memory_space<vmem>>, vector<1x16xf32>,
        %get3A_634 = vector.shape_cast %get3A_633 : vector<1x16xf32> to vector<16xf32>
        %add3A_635 = arith.addf %while3A_563, %get3A_634 : vector<16xf32>
        %get3A_636 = arith.index_cast %while3A_553 : i32 to index
        %get3A_637 = arith.constant 160 : index
        %get3A_638 = tpu.vector_load %arg6[%get3A_636, %get3A_637] {strides = array<i32>} : memref<64x512xf32, #tpu.memory_space<vmem>>, vector<1x16xf32>,
        %get3A_639 = vector.shape_cast %get3A_638 : vector<1x16xf32> to vector<16xf32>
        %add3A_640 = arith.addf %while3A_564, %get3A_639 : vector<16xf32>
        %get3A_641 = arith.index_cast %while3A_553 : i32 to index
        %get3A_642 = arith.constant 176 : index
        %get3A_643 = tpu.vector_load %arg6[%get3A_641, %get3A_642] {strides = array<i32>} : memref<64x512xf32, #tpu.memory_space<vmem>>, vector<1x16xf32>,
        %get3A_644 = vector.shape_cast %get3A_643 : vector<1x16xf32> to vector<16xf32>
        %add3A_645 = arith.addf %while3A_565, %get3A_644 : vector<16xf32>
        %get3A_646 = arith.index_cast %while3A_553 : i32 to index
        %get3A_647 = arith.constant 192 : index
        %get3A_648 = tpu.vector_load %arg6[%get3A_646, %get3A_647] {strides = array<i32>} : memref<64x512xf32, #tpu.memory_space<vmem>>, vector<1x16xf32>,
        %get3A_649 = vector.shape_cast %get3A_648 : vector<1x16xf32> to vector<16xf32>
        %add3A_650 = arith.addf %while3A_566, %get3A_649 : vector<16xf32>
        %get3A_651 = arith.index_cast %while3A_553 : i32 to index
        %get3A_652 = arith.constant 208 : index
        %get3A_653 = tpu.vector_load %arg6[%get3A_651, %get3A_652] {strides = array<i32>} : memref<64x512xf32, #tpu.memory_space<vmem>>, vector<1x16xf32>,
        %get3A_654 = vector.shape_cast %get3A_653 : vector<1x16xf32> to vector<16xf32>
        %add3A_655 = arith.addf %while3A_567, %get3A_654 : vector<16xf32>
        %get3A_656 = arith.index_cast %while3A_553 : i32 to index
        %get3A_657 = arith.constant 224 : index
        %get3A_658 = tpu.vector_load %arg6[%get3A_656, %get3A_657] {strides = array<i32>} : memref<64x512xf32, #tpu.memory_space<vmem>>, vector<1x16xf32>,
        %get3A_659 = vector.shape_cast %get3A_658 : vector<1x16xf32> to vector<16xf32>
        %add3A_660 = arith.addf %while3A_568, %get3A_659 : vector<16xf32>
        %get3A_661 = arith.index_cast %while3A_553 : i32 to index
        %get3A_662 = arith.constant 240 : index
        %get3A_663 = tpu.vector_load %arg6[%get3A_661, %get3A_662] {strides = array<i32>} : memref<64x512xf32, #tpu.memory_space<vmem>>, vector<1x16xf32>,
        %get3A_664 = vector.shape_cast %get3A_663 : vector<1x16xf32> to vector<16xf32>
        %add3A_665 = arith.addf %while3A_569, %get3A_664 : vector<16xf32>
        %get3A_666 = arith.index_cast %while3A_553 : i32 to index
        %get3A_667 = arith.constant 256 : index
        %get3A_668 = tpu.vector_load %arg6[%get3A_666, %get3A_667] {strides = array<i32>} : memref<64x512xf32, #tpu.memory_space<vmem>>, vector<1x16xf32>,
        %get3A_669 = vector.shape_cast %get3A_668 : vector<1x16xf32> to vector<16xf32>
        %add3A_670 = arith.addf %while3A_570, %get3A_669 : vector<16xf32>
        %get3A_671 = arith.index_cast %while3A_553 : i32 to index
        %get3A_672 = arith.constant 272 : index
        %get3A_673 = tpu.vector_load %arg6[%get3A_671, %get3A_672] {strides = array<i32>} : memref<64x512xf32, #tpu.memory_space<vmem>>, vector<1x16xf32>,
        %get3A_674 = vector.shape_cast %get3A_673 : vector<1x16xf32> to vector<16xf32>
        %add3A_675 = arith.addf %while3A_571, %get3A_674 : vector<16xf32>
        %get3A_676 = arith.index_cast %while3A_553 : i32 to index
        %get3A_677 = arith.constant 288 : index
        %get3A_678 = tpu.vector_load %arg6[%get3A_676, %get3A_677] {strides = array<i32>} : memref<64x512xf32, #tpu.memory_space<vmem>>, vector<1x16xf32>,
        %get3A_679 = vector.shape_cast %get3A_678 : vector<1x16xf32> to vector<16xf32>
        %add3A_680 = arith.addf %while3A_572, %get3A_679 : vector<16xf32>
        %get3A_681 = arith.index_cast %while3A_553 : i32 to index
        %get3A_682 = arith.constant 304 : index
        %get3A_683 = tpu.vector_load %arg6[%get3A_681, %get3A_682] {strides = array<i32>} : memref<64x512xf32, #tpu.memory_space<vmem>>, vector<1x16xf32>,
        %get3A_684 = vector.shape_cast %get3A_683 : vector<1x16xf32> to vector<16xf32>
        %add3A_685 = arith.addf %while3A_573, %get3A_684 : vector<16xf32>
        %get3A_686 = arith.index_cast %while3A_553 : i32 to index
        %get3A_687 = arith.constant 320 : index
        %get3A_688 = tpu.vector_load %arg6[%get3A_686, %get3A_687] {strides = array<i32>} : memref<64x512xf32, #tpu.memory_space<vmem>>, vector<1x16xf32>,
        %get3A_689 = vector.shape_cast %get3A_688 : vector<1x16xf32> to vector<16xf32>
        %add3A_690 = arith.addf %while3A_574, %get3A_689 : vector<16xf32>
        %get3A_691 = arith.index_cast %while3A_553 : i32 to index
        %get3A_692 = arith.constant 336 : index
        %get3A_693 = tpu.vector_load %arg6[%get3A_691, %get3A_692] {strides = array<i32>} : memref<64x512xf32, #tpu.memory_space<vmem>>, vector<1x16xf32>,
        %get3A_694 = vector.shape_cast %get3A_693 : vector<1x16xf32> to vector<16xf32>
        %add3A_695 = arith.addf %while3A_575, %get3A_694 : vector<16xf32>
        %get3A_696 = arith.index_cast %while3A_553 : i32 to index
        %get3A_697 = arith.constant 352 : index
        %get3A_698 = tpu.vector_load %arg6[%get3A_696, %get3A_697] {strides = array<i32>} : memref<64x512xf32, #tpu.memory_space<vmem>>, vector<1x16xf32>,
        %get3A_699 = vector.shape_cast %get3A_698 : vector<1x16xf32> to vector<16xf32>
        %add3A_700 = arith.addf %while3A_576, %get3A_699 : vector<16xf32>
        %get3A_701 = arith.index_cast %while3A_553 : i32 to index
        %get3A_702 = arith.constant 368 : index
        %get3A_703 = tpu.vector_load %arg6[%get3A_701, %get3A_702] {strides = array<i32>} : memref<64x512xf32, #tpu.memory_space<vmem>>, vector<1x16xf32>,
        %get3A_704 = vector.shape_cast %get3A_703 : vector<1x16xf32> to vector<16xf32>
        %add3A_705 = arith.addf %while3A_577, %get3A_704 : vector<16xf32>
        %get3A_706 = arith.index_cast %while3A_553 : i32 to index
        %get3A_707 = arith.constant 384 : index
        %get3A_708 = tpu.vector_load %arg6[%get3A_706, %get3A_707] {strides = array<i32>} : memref<64x512xf32, #tpu.memory_space<vmem>>, vector<1x16xf32>,
        %get3A_709 = vector.shape_cast %get3A_708 : vector<1x16xf32> to vector<16xf32>
        %add3A_710 = arith.addf %while3A_578, %get3A_709 : vector<16xf32>
        %get3A_711 = arith.index_cast %while3A_553 : i32 to index
        %get3A_712 = arith.constant 400 : index
        %get3A_713 = tpu.vector_load %arg6[%get3A_711, %get3A_712] {strides = array<i32>} : memref<64x512xf32, #tpu.memory_space<vmem>>, vector<1x16xf32>,
        %get3A_714 = vector.shape_cast %get3A_713 : vector<1x16xf32> to vector<16xf32>
        %add3A_715 = arith.addf %while3A_579, %get3A_714 : vector<16xf32>
        %get3A_716 = arith.index_cast %while3A_553 : i32 to index
        %get3A_717 = arith.constant 416 : index
        %get3A_718 = tpu.vector_load %arg6[%get3A_716, %get3A_717] {strides = array<i32>} : memref<64x512xf32, #tpu.memory_space<vmem>>, vector<1x16xf32>,
        %get3A_719 = vector.shape_cast %get3A_718 : vector<1x16xf32> to vector<16xf32>
        %add3A_720 = arith.addf %while3A_580, %get3A_719 : vector<16xf32>
        %get3A_721 = arith.index_cast %while3A_553 : i32 to index
        %get3A_722 = arith.constant 432 : index
        %get3A_723 = tpu.vector_load %arg6[%get3A_721, %get3A_722] {strides = array<i32>} : memref<64x512xf32, #tpu.memory_space<vmem>>, vector<1x16xf32>,
        %get3A_724 = vector.shape_cast %get3A_723 : vector<1x16xf32> to vector<16xf32>
        %add3A_725 = arith.addf %while3A_581, %get3A_724 : vector<16xf32>
        %get3A_726 = arith.index_cast %while3A_553 : i32 to index
        %get3A_727 = arith.constant 448 : index
        %get3A_728 = tpu.vector_load %arg6[%get3A_726, %get3A_727] {strides = array<i32>} : memref<64x512xf32, #tpu.memory_space<vmem>>, vector<1x16xf32>,
        %get3A_729 = vector.shape_cast %get3A_728 : vector<1x16xf32> to vector<16xf32>
        %add3A_730 = arith.addf %while3A_582, %get3A_729 : vector<16xf32>
        %get3A_731 = arith.index_cast %while3A_553 : i32 to index
        %get3A_732 = arith.constant 464 : index
        %get3A_733 = tpu.vector_load %arg6[%get3A_731, %get3A_732] {strides = array<i32>} : memref<64x512xf32, #tpu.memory_space<vmem>>, vector<1x16xf32>,
        %get3A_734 = vector.shape_cast %get3A_733 : vector<1x16xf32> to vector<16xf32>
        %add3A_735 = arith.addf %while3A_583, %get3A_734 : vector<16xf32>
        %get3A_736 = arith.index_cast %while3A_553 : i32 to index
        %get3A_737 = arith.constant 480 : index
        %get3A_738 = tpu.vector_load %arg6[%get3A_736, %get3A_737] {strides = array<i32>} : memref<64x512xf32, #tpu.memory_space<vmem>>, vector<1x16xf32>,
        %get3A_739 = vector.shape_cast %get3A_738 : vector<1x16xf32> to vector<16xf32>
        %add3A_740 = arith.addf %while3A_584, %get3A_739 : vector<16xf32>
        %get3A_741 = arith.index_cast %while3A_553 : i32 to index
        %get3A_742 = arith.constant 496 : index
        %get3A_743 = tpu.vector_load %arg6[%get3A_741, %get3A_742] {strides = array<i32>} : memref<64x512xf32, #tpu.memory_space<vmem>>, vector<1x16xf32>,
        %get3A_744 = vector.shape_cast %get3A_743 : vector<1x16xf32> to vector<16xf32>
        %add3A_745 = arith.addf %while3A_585, %get3A_744 : vector<16xf32>
        scf.yield %add3A_590, %add3A_595, %add3A_600, %add3A_605, %add3A_610, %add3A_615, %add3A_620, %add3A_625, %add3A_630, %add3A_635, %add3A_640, %add3A_645, %add3A_650, %add3A_655, %add3A_660, %add3A_665, %add3A_670, %add3A_675, %add3A_680, %add3A_685, %add3A_690, %add3A_695, %add3A_700, %add3A_705, %add3A_710, %add3A_715, %add3A_720, %add3A_725, %add3A_730, %add3A_735, %add3A_740, %add3A_745 : vector<16xf32>, vector<16xf32>, vector<16xf32>, vector<16xf32>, vector<16xf32>, vector<16xf32>, vector<16xf32>, vector<16xf32>, vector<16xf32>, vector<16xf32>, vector<16xf32>, vector<16xf32>, vector<16xf32>, vector<16xf32>, vector<16xf32>, vector<16xf32>, vector<16xf32>, vector<16xf32>, vector<16xf32>, vector<16xf32>, vector<16xf32>, vector<16xf32>, vector<16xf32>, vector<16xf32>, vector<16xf32>, vector<16xf32>, vector<16xf32>, vector<16xf32>, vector<16xf32>, vector<16xf32>, vector<16xf32>, vector<16xf32>
      }
      %while3A_513 = arith.constant 1 : i32
      %while3A_514:32 = scf.for %while3A_553 = %while3A_510 to %while3A_506 step %while3A_513 iter_args(%while3A_554 = %while3A_512#0, %while3A_555 = %while3A_512#1, %while3A_556 = %while3A_512#2, %while3A_557 = %while3A_512#3, %while3A_558 = %while3A_512#4, %while3A_559 = %while3A_512#5, %while3A_560 = %while3A_512#6, %while3A_561 = %while3A_512#7, %while3A_562 = %while3A_512#8, %while3A_563 = %while3A_512#9, %while3A_564 = %while3A_512#10, %while3A_565 = %while3A_512#11, %while3A_566 = %while3A_512#12, %while3A_567 = %while3A_512#13, %while3A_568 = %while3A_512#14, %while3A_569 = %while3A_512#15, %while3A_570 = %while3A_512#16, %while3A_571 = %while3A_512#17, %while3A_572 = %while3A_512#18, %while3A_573 = %while3A_512#19, %while3A_574 = %while3A_512#20, %while3A_575 = %while3A_512#21, %while3A_576 = %while3A_512#22, %while3A_577 = %while3A_512#23, %while3A_578 = %while3A_512#24, %while3A_579 = %while3A_512#25, %while3A_580 = %while3A_512#26, %while3A_581 = %while3A_512#27, %while3A_582 = %while3A_512#28, %while3A_583 = %while3A_512#29, %while3A_584 = %while3A_512#30, %while3A_585 = %while3A_512#31) -> (vector<16xf32>, vector<16xf32>, vector<16xf32>, vector<16xf32>, vector<16xf32>, vector<16xf32>, vector<16xf32>, vector<16xf32>, vector<16xf32>, vector<16xf32>, vector<16xf32>, vector<16xf32>, vector<16xf32>, vector<16xf32>, vector<16xf32>, vector<16xf32>, vector<16xf32>, vector<16xf32>, vector<16xf32>, vector<16xf32>, vector<16xf32>, vector<16xf32>, vector<16xf32>, vector<16xf32>, vector<16xf32>, vector<16xf32>, vector<16xf32>, vector<16xf32>, vector<16xf32>, vector<16xf32>, vector<16xf32>, vector<16xf32>)  : i32 {
        %get3A_586 = arith.index_cast %while3A_553 : i32 to index
        %get3A_587 = arith.constant 0 : index
        %get3A_588 = tpu.vector_load %arg6[%get3A_586, %get3A_587] {strides = array<i32>} : memref<64x512xf32, #tpu.memory_space<vmem>>, vector<1x16xf32>,
        %get3A_589 = vector.shape_cast %get3A_588 : vector<1x16xf32> to vector<16xf32>
        %add3A_590 = arith.addf %while3A_554, %get3A_589 : vector<16xf32>
        %get3A_591 = arith.index_cast %while3A_553 : i32 to index
        %get3A_592 = arith.constant 16 : index
        %get3A_593 = tpu.vector_load %arg6[%get3A_591, %get3A_592] {strides = array<i32>} : memref<64x512xf32, #tpu.memory_space<vmem>>, vector<1x16xf32>,
        %get3A_594 = vector.shape_cast %get3A_593 : vector<1x16xf32> to vector<16xf32>
        %add3A_595 = arith.addf %while3A_555, %get3A_594 : vector<16xf32>
        %get3A_596 = arith.index_cast %while3A_553 : i32 to index
        %get3A_597 = arith.constant 32 : index
        %get3A_598 = tpu.vector_load %arg6[%get3A_596, %get3A_597] {strides = array<i32>} : memref<64x512xf32, #tpu.memory_space<vmem>>, vector<1x16xf32>,
        %get3A_599 = vector.shape_cast %get3A_598 : vector<1x16xf32> to vector<16xf32>
        %add3A_600 = arith.addf %while3A_556, %get3A_599 : vector<16xf32>
        %get3A_601 = arith.index_cast %while3A_553 : i32 to index
        %get3A_602 = arith.constant 48 : index
        %get3A_603 = tpu.vector_load %arg6[%get3A_601, %get3A_602] {strides = array<i32>} : memref<64x512xf32, #tpu.memory_space<vmem>>, vector<1x16xf32>,
        %get3A_604 = vector.shape_cast %get3A_603 : vector<1x16xf32> to vector<16xf32>
        %add3A_605 = arith.addf %while3A_557, %get3A_604 : vector<16xf32>
        %get3A_606 = arith.index_cast %while3A_553 : i32 to index
        %get3A_607 = arith.constant 64 : index
        %get3A_608 = tpu.vector_load %arg6[%get3A_606, %get3A_607] {strides = array<i32>} : memref<64x512xf32, #tpu.memory_space<vmem>>, vector<1x16xf32>,
        %get3A_609 = vector.shape_cast %get3A_608 : vector<1x16xf32> to vector<16xf32>
        %add3A_610 = arith.addf %while3A_558, %get3A_609 : vector<16xf32>
        %get3A_611 = arith.index_cast %while3A_553 : i32 to index
        %get3A_612 = arith.constant 80 : index
        %get3A_613 = tpu.vector_load %arg6[%get3A_611, %get3A_612] {strides = array<i32>} : memref<64x512xf32, #tpu.memory_space<vmem>>, vector<1x16xf32>,
        %get3A_614 = vector.shape_cast %get3A_613 : vector<1x16xf32> to vector<16xf32>
        %add3A_615 = arith.addf %while3A_559, %get3A_614 : vector<16xf32>
        %get3A_616 = arith.index_cast %while3A_553 : i32 to index
        %get3A_617 = arith.constant 96 : index
        %get3A_618 = tpu.vector_load %arg6[%get3A_616, %get3A_617] {strides = array<i32>} : memref<64x512xf32, #tpu.memory_space<vmem>>, vector<1x16xf32>,
        %get3A_619 = vector.shape_cast %get3A_618 : vector<1x16xf32> to vector<16xf32>
        %add3A_620 = arith.addf %while3A_560, %get3A_619 : vector<16xf32>
        %get3A_621 = arith.index_cast %while3A_553 : i32 to index
        %get3A_622 = arith.constant 112 : index
        %get3A_623 = tpu.vector_load %arg6[%get3A_621, %get3A_622] {strides = array<i32>} : memref<64x512xf32, #tpu.memory_space<vmem>>, vector<1x16xf32>,
        %get3A_624 = vector.shape_cast %get3A_623 : vector<1x16xf32> to vector<16xf32>
        %add3A_625 = arith.addf %while3A_561, %get3A_624 : vector<16xf32>
        %get3A_626 = arith.index_cast %while3A_553 : i32 to index
        %get3A_627 = arith.constant 128 : index
        %get3A_628 = tpu.vector_load %arg6[%get3A_626, %get3A_627] {strides = array<i32>} : memref<64x512xf32, #tpu.memory_space<vmem>>, vector<1x16xf32>,
        %get3A_629 = vector.shape_cast %get3A_628 : vector<1x16xf32> to vector<16xf32>
        %add3A_630 = arith.addf %while3A_562, %get3A_629 : vector<16xf32>
        %get3A_631 = arith.index_cast %while3A_553 : i32 to index
        %get3A_632 = arith.constant 144 : index
        %get3A_633 = tpu.vector_load %arg6[%get3A_631, %get3A_632] {strides = array<i32>} : memref<64x512xf32, #tpu.memory_space<vmem>>, vector<1x16xf32>,
        %get3A_634 = vector.shape_cast %get3A_633 : vector<1x16xf32> to vector<16xf32>
        %add3A_635 = arith.addf %while3A_563, %get3A_634 : vector<16xf32>
        %get3A_636 = arith.index_cast %while3A_553 : i32 to index
        %get3A_637 = arith.constant 160 : index
        %get3A_638 = tpu.vector_load %arg6[%get3A_636, %get3A_637] {strides = array<i32>} : memref<64x512xf32, #tpu.memory_space<vmem>>, vector<1x16xf32>,
        %get3A_639 = vector.shape_cast %get3A_638 : vector<1x16xf32> to vector<16xf32>
        %add3A_640 = arith.addf %while3A_564, %get3A_639 : vector<16xf32>
        %get3A_641 = arith.index_cast %while3A_553 : i32 to index
        %get3A_642 = arith.constant 176 : index
        %get3A_643 = tpu.vector_load %arg6[%get3A_641, %get3A_642] {strides = array<i32>} : memref<64x512xf32, #tpu.memory_space<vmem>>, vector<1x16xf32>,
        %get3A_644 = vector.shape_cast %get3A_643 : vector<1x16xf32> to vector<16xf32>
        %add3A_645 = arith.addf %while3A_565, %get3A_644 : vector<16xf32>
        %get3A_646 = arith.index_cast %while3A_553 : i32 to index
        %get3A_647 = arith.constant 192 : index
        %get3A_648 = tpu.vector_load %arg6[%get3A_646, %get3A_647] {strides = array<i32>} : memref<64x512xf32, #tpu.memory_space<vmem>>, vector<1x16xf32>,
        %get3A_649 = vector.shape_cast %get3A_648 : vector<1x16xf32> to vector<16xf32>
        %add3A_650 = arith.addf %while3A_566, %get3A_649 : vector<16xf32>
        %get3A_651 = arith.index_cast %while3A_553 : i32 to index
        %get3A_652 = arith.constant 208 : index
        %get3A_653 = tpu.vector_load %arg6[%get3A_651, %get3A_652] {strides = array<i32>} : memref<64x512xf32, #tpu.memory_space<vmem>>, vector<1x16xf32>,
        %get3A_654 = vector.shape_cast %get3A_653 : vector<1x16xf32> to vector<16xf32>
        %add3A_655 = arith.addf %while3A_567, %get3A_654 : vector<16xf32>
        %get3A_656 = arith.index_cast %while3A_553 : i32 to index
        %get3A_657 = arith.constant 224 : index
        %get3A_658 = tpu.vector_load %arg6[%get3A_656, %get3A_657] {strides = array<i32>} : memref<64x512xf32, #tpu.memory_space<vmem>>, vector<1x16xf32>,
        %get3A_659 = vector.shape_cast %get3A_658 : vector<1x16xf32> to vector<16xf32>
        %add3A_660 = arith.addf %while3A_568, %get3A_659 : vector<16xf32>
        %get3A_661 = arith.index_cast %while3A_553 : i32 to index
        %get3A_662 = arith.constant 240 : index
        %get3A_663 = tpu.vector_load %arg6[%get3A_661, %get3A_662] {strides = array<i32>} : memref<64x512xf32, #tpu.memory_space<vmem>>, vector<1x16xf32>,
        %get3A_664 = vector.shape_cast %get3A_663 : vector<1x16xf32> to vector<16xf32>
        %add3A_665 = arith.addf %while3A_569, %get3A_664 : vector<16xf32>
        %get3A_666 = arith.index_cast %while3A_553 : i32 to index
        %get3A_667 = arith.constant 256 : index
        %get3A_668 = tpu.vector_load %arg6[%get3A_666, %get3A_667] {strides = array<i32>} : memref<64x512xf32, #tpu.memory_space<vmem>>, vector<1x16xf32>,
        %get3A_669 = vector.shape_cast %get3A_668 : vector<1x16xf32> to vector<16xf32>
        %add3A_670 = arith.addf %while3A_570, %get3A_669 : vector<16xf32>
        %get3A_671 = arith.index_cast %while3A_553 : i32 to index
        %get3A_672 = arith.constant 272 : index
        %get3A_673 = tpu.vector_load %arg6[%get3A_671, %get3A_672] {strides = array<i32>} : memref<64x512xf32, #tpu.memory_space<vmem>>, vector<1x16xf32>,
        %get3A_674 = vector.shape_cast %get3A_673 : vector<1x16xf32> to vector<16xf32>
        %add3A_675 = arith.addf %while3A_571, %get3A_674 : vector<16xf32>
        %get3A_676 = arith.index_cast %while3A_553 : i32 to index
        %get3A_677 = arith.constant 288 : index
        %get3A_678 = tpu.vector_load %arg6[%get3A_676, %get3A_677] {strides = array<i32>} : memref<64x512xf32, #tpu.memory_space<vmem>>, vector<1x16xf32>,
        %get3A_679 = vector.shape_cast %get3A_678 : vector<1x16xf32> to vector<16xf32>
        %add3A_680 = arith.addf %while3A_572, %get3A_679 : vector<16xf32>
        %get3A_681 = arith.index_cast %while3A_553 : i32 to index
        %get3A_682 = arith.constant 304 : index
        %get3A_683 = tpu.vector_load %arg6[%get3A_681, %get3A_682] {strides = array<i32>} : memref<64x512xf32, #tpu.memory_space<vmem>>, vector<1x16xf32>,
        %get3A_684 = vector.shape_cast %get3A_683 : vector<1x16xf32> to vector<16xf32>
        %add3A_685 = arith.addf %while3A_573, %get3A_684 : vector<16xf32>
        %get3A_686 = arith.index_cast %while3A_553 : i32 to index
        %get3A_687 = arith.constant 320 : index
        %get3A_688 = tpu.vector_load %arg6[%get3A_686, %get3A_687] {strides = array<i32>} : memref<64x512xf32, #tpu.memory_space<vmem>>, vector<1x16xf32>,
        %get3A_689 = vector.shape_cast %get3A_688 : vector<1x16xf32> to vector<16xf32>
        %add3A_690 = arith.addf %while3A_574, %get3A_689 : vector<16xf32>
        %get3A_691 = arith.index_cast %while3A_553 : i32 to index
        %get3A_692 = arith.constant 336 : index
        %get3A_693 = tpu.vector_load %arg6[%get3A_691, %get3A_692] {strides = array<i32>} : memref<64x512xf32, #tpu.memory_space<vmem>>, vector<1x16xf32>,
        %get3A_694 = vector.shape_cast %get3A_693 : vector<1x16xf32> to vector<16xf32>
        %add3A_695 = arith.addf %while3A_575, %get3A_694 : vector<16xf32>
        %get3A_696 = arith.index_cast %while3A_553 : i32 to index
        %get3A_697 = arith.constant 352 : index
        %get3A_698 = tpu.vector_load %arg6[%get3A_696, %get3A_697] {strides = array<i32>} : memref<64x512xf32, #tpu.memory_space<vmem>>, vector<1x16xf32>,
        %get3A_699 = vector.shape_cast %get3A_698 : vector<1x16xf32> to vector<16xf32>
        %add3A_700 = arith.addf %while3A_576, %get3A_699 : vector<16xf32>
        %get3A_701 = arith.index_cast %while3A_553 : i32 to index
        %get3A_702 = arith.constant 368 : index
        %get3A_703 = tpu.vector_load %arg6[%get3A_701, %get3A_702] {strides = array<i32>} : memref<64x512xf32, #tpu.memory_space<vmem>>, vector<1x16xf32>,
        %get3A_704 = vector.shape_cast %get3A_703 : vector<1x16xf32> to vector<16xf32>
        %add3A_705 = arith.addf %while3A_577, %get3A_704 : vector<16xf32>
        %get3A_706 = arith.index_cast %while3A_553 : i32 to index
        %get3A_707 = arith.constant 384 : index
        %get3A_708 = tpu.vector_load %arg6[%get3A_706, %get3A_707] {strides = array<i32>} : memref<64x512xf32, #tpu.memory_space<vmem>>, vector<1x16xf32>,
        %get3A_709 = vector.shape_cast %get3A_708 : vector<1x16xf32> to vector<16xf32>
        %add3A_710 = arith.addf %while3A_578, %get3A_709 : vector<16xf32>
        %get3A_711 = arith.index_cast %while3A_553 : i32 to index
        %get3A_712 = arith.constant 400 : index
        %get3A_713 = tpu.vector_load %arg6[%get3A_711, %get3A_712] {strides = array<i32>} : memref<64x512xf32, #tpu.memory_space<vmem>>, vector<1x16xf32>,
        %get3A_714 = vector.shape_cast %get3A_713 : vector<1x16xf32> to vector<16xf32>
        %add3A_715 = arith.addf %while3A_579, %get3A_714 : vector<16xf32>
        %get3A_716 = arith.index_cast %while3A_553 : i32 to index
        %get3A_717 = arith.constant 416 : index
        %get3A_718 = tpu.vector_load %arg6[%get3A_716, %get3A_717] {strides = array<i32>} : memref<64x512xf32, #tpu.memory_space<vmem>>, vector<1x16xf32>,
        %get3A_719 = vector.shape_cast %get3A_718 : vector<1x16xf32> to vector<16xf32>
        %add3A_720 = arith.addf %while3A_580, %get3A_719 : vector<16xf32>
        %get3A_721 = arith.index_cast %while3A_553 : i32 to index
        %get3A_722 = arith.constant 432 : index
        %get3A_723 = tpu.vector_load %arg6[%get3A_721, %get3A_722] {strides = array<i32>} : memref<64x512xf32, #tpu.memory_space<vmem>>, vector<1x16xf32>,
        %get3A_724 = vector.shape_cast %get3A_723 : vector<1x16xf32> to vector<16xf32>
        %add3A_725 = arith.addf %while3A_581, %get3A_724 : vector<16xf32>
        %get3A_726 = arith.index_cast %while3A_553 : i32 to index
        %get3A_727 = arith.constant 448 : index
        %get3A_728 = tpu.vector_load %arg6[%get3A_726, %get3A_727] {strides = array<i32>} : memref<64x512xf32, #tpu.memory_space<vmem>>, vector<1x16xf32>,
        %get3A_729 = vector.shape_cast %get3A_728 : vector<1x16xf32> to vector<16xf32>
        %add3A_730 = arith.addf %while3A_582, %get3A_729 : vector<16xf32>
        %get3A_731 = arith.index_cast %while3A_553 : i32 to index
        %get3A_732 = arith.constant 464 : index
        %get3A_733 = tpu.vector_load %arg6[%get3A_731, %get3A_732] {strides = array<i32>} : memref<64x512xf32, #tpu.memory_space<vmem>>, vector<1x16xf32>,
        %get3A_734 = vector.shape_cast %get3A_733 : vector<1x16xf32> to vector<16xf32>
        %add3A_735 = arith.addf %while3A_583, %get3A_734 : vector<16xf32>
        %get3A_736 = arith.index_cast %while3A_553 : i32 to index
        %get3A_737 = arith.constant 480 : index
        %get3A_738 = tpu.vector_load %arg6[%get3A_736, %get3A_737] {strides = array<i32>} : memref<64x512xf32, #tpu.memory_space<vmem>>, vector<1x16xf32>,
        %get3A_739 = vector.shape_cast %get3A_738 : vector<1x16xf32> to vector<16xf32>
        %add3A_740 = arith.addf %while3A_584, %get3A_739 : vector<16xf32>
        %get3A_741 = arith.index_cast %while3A_553 : i32 to index
        %get3A_742 = arith.constant 496 : index
        %get3A_743 = tpu.vector_load %arg6[%get3A_741, %get3A_742] {strides = array<i32>} : memref<64x512xf32, #tpu.memory_space<vmem>>, vector<1x16xf32>,
        %get3A_744 = vector.shape_cast %get3A_743 : vector<1x16xf32> to vector<16xf32>
        %add3A_745 = arith.addf %while3A_585, %get3A_744 : vector<16xf32>
        scf.yield %add3A_590, %add3A_595, %add3A_600, %add3A_605, %add3A_610, %add3A_615, %add3A_620, %add3A_625, %add3A_630, %add3A_635, %add3A_640, %add3A_645, %add3A_650, %add3A_655, %add3A_660, %add3A_665, %add3A_670, %add3A_675, %add3A_680, %add3A_685, %add3A_690, %add3A_695, %add3A_700, %add3A_705, %add3A_710, %add3A_715, %add3A_720, %add3A_725, %add3A_730, %add3A_735, %add3A_740, %add3A_745 : vector<16xf32>, vector<16xf32>, vector<16xf32>, vector<16xf32>, vector<16xf32>, vector<16xf32>, vector<16xf32>, vector<16xf32>, vector<16xf32>, vector<16xf32>, vector<16xf32>, vector<16xf32>, vector<16xf32>, vector<16xf32>, vector<16xf32>, vector<16xf32>, vector<16xf32>, vector<16xf32>, vector<16xf32>, vector<16xf32>, vector<16xf32>, vector<16xf32>, vector<16xf32>, vector<16xf32>, vector<16xf32>, vector<16xf32>, vector<16xf32>, vector<16xf32>, vector<16xf32>, vector<16xf32>, vector<16xf32>, vector<16xf32>
      }
      %add3A_515 = arith.constant 2 : i32
      %add3A_516 = arith.addi %mul3A_493, %add3A_515 : i32
      %lt3A_517 = arith.cmpi slt, %add3A_516, %select_n3A_188 : i32
      %convert_element_type3A_518 = arith.extui %lt3A_517 : i1 to i32
      %cond3A_519 = arith.constant 0 : i32
      %cond3A_520 = arith.cmpi ne, %convert_element_type3A_518, %cond3A_519 : i32
      scf.if %cond3A_520 {
        %add3A_553 = arith.constant 2 : i32
        %add3A_554 = arith.addi %mul3A_493, %add3A_553 : i32
        %mul3A_555 = arith.constant 64 : i32
        %mul3A_556 = arith.muli %add3A_554, %mul3A_555 : i32
        %add3A_557 = arith.addi %mul3A_159, %mul3A_556 : i32
        %dma_start3A = tpu.memref_slice %arg2[%add3A, %add3A_557, %mul3A_32] : memref<16x2048x1024xf32, #tpu.memory_space<hbm>> -> memref<1x64x512xf32, #tpu.memory_space<hbm>>
        %dma_start3A_558 = tpu.memref_squeeze %dma_start3A : memref<1x64x512xf32, #tpu.memory_space<hbm>> -> memref<64x512xf32, #tpu.memory_space<hbm>>
        %dma_start3A_559 = tpu.memref_slice %arg2[%add3A, %add3A_557, %mul3A_32] : memref<16x2048x1024xf32, #tpu.memory_space<hbm>> -> memref<1x64x512xf32, #tpu.memory_space<hbm>>
        %dma_start3A_560 = tpu.memref_squeeze %dma_start3A_559 : memref<1x64x512xf32, #tpu.memory_space<hbm>> -> memref<64x512xf32, #tpu.memory_space<hbm>>
        tpu.enqueue_dma source(%dma_start3A_560 : memref<64x512xf32, #tpu.memory_space<hbm>>) target(%arg6 : memref<64x512xf32, #tpu.memory_space<vmem>>) target_semaphore(%arg9 : memref<!tpu.dma_semaphore, #tpu.memory_space<semaphore_mem>>)
      } else {
      }
      %add3A_521 = arith.constant 1 : i32
      %add3A_522 = arith.addi %mul3A_493, %add3A_521 : i32
      %lt3A_523 = arith.cmpi slt, %add3A_522, %select_n3A_188 : i32
      %convert_element_type3A_524 = arith.extui %lt3A_523 : i1 to i32
      %cond3A_525 = arith.constant 0 : i32
      %cond3A_526 = arith.cmpi ne, %convert_element_type3A_524, %cond3A_525 : i32
      scf.if %cond3A_526 {
        %dma_wait3A_553 = arith.constant 0 : i32
        %dma_wait3A_554 = tpu.memref_slice %arg2[%add3A, %dma_wait3A_553, %mul3A_32] : memref<16x2048x1024xf32, #tpu.memory_space<hbm>> -> memref<1x64x512xf32, #tpu.memory_space<hbm>>
        %dma_wait3A_555 = tpu.memref_squeeze %dma_wait3A_554 : memref<1x64x512xf32, #tpu.memory_space<hbm>> -> memref<64x512xf32, #tpu.memory_space<hbm>>
        %dma_wait3A_556 = arith.constant 0 : i32
        %dma_wait3A_557 = tpu.memref_slice %arg2[%add3A, %dma_wait3A_556, %mul3A_32] : memref<16x2048x1024xf32, #tpu.memory_space<hbm>> -> memref<1x64x512xf32, #tpu.memory_space<hbm>>
        %dma_wait3A_558 = tpu.memref_squeeze %dma_wait3A_557 : memref<1x64x512xf32, #tpu.memory_space<hbm>> -> memref<64x512xf32, #tpu.memory_space<hbm>>
        tpu.wait_dma2 semaphore(%arg10 : memref<!tpu.dma_semaphore, #tpu.memory_space<semaphore_mem>>) src(%dma_wait3A_558 : memref<64x512xf32, #tpu.memory_space<hbm>>) dst(%arg7 : memref<64x512xf32, #tpu.memory_space<vmem>>)
      } else {
      }
      %add3A_527 = arith.constant 1 : i32
      %add3A_528 = arith.addi %mul3A_493, %add3A_527 : i32
      %mul3A_529 = arith.constant 64 : i32
      %mul3A_530 = arith.muli %add3A_528, %mul3A_529 : i32
      %sub3A_531 = arith.subi %sub3A_160, %mul3A_530 : i32
      %jit3A_532 = arith.constant 0 : i32
      %jit3A_533 = arith.constant 64 : i32
      %max3A_534 = arith.maxsi %jit3A_532, %sub3A_531 : i32
      %min3A_535 = arith.minsi %jit3A_533, %max3A_534 : i32
      %while3A_536 = arith.constant 0 : i32
      %while3A_537 = arith.subi %min3A_535, %while3A_536 : i32
      %while3A_538 = arith.addi %while3A_536, %while3A_537 : i32
      %while3A_539 = arith.constant 1 : i32
      %while3A_540 = arith.divsi %while3A_537, %while3A_539 : i32
      %while3A_541 = arith.muli %while3A_540, %while3A_539 : i32
      %while3A_542 = arith.addi %while3A_536, %while3A_541 : i32
      %while3A_543 = arith.constant 1 : i32
      %while3A_544:32 = scf.for %while3A_553 = %while3A_536 to %while3A_542 step %while3A_543 iter_args(%while3A_554 = %while3A_514#0, %while3A_555 = %while3A_514#1, %while3A_556 = %while3A_514#2, %while3A_557 = %while3A_514#3, %while3A_558 = %while3A_514#4, %while3A_559 = %while3A_514#5, %while3A_560 = %while3A_514#6, %while3A_561 = %while3A_514#7, %while3A_562 = %while3A_514#8, %while3A_563 = %while3A_514#9, %while3A_564 = %while3A_514#10, %while3A_565 = %while3A_514#11, %while3A_566 = %while3A_514#12, %while3A_567 = %while3A_514#13, %while3A_568 = %while3A_514#14, %while3A_569 = %while3A_514#15, %while3A_570 = %while3A_514#16, %while3A_571 = %while3A_514#17, %while3A_572 = %while3A_514#18, %while3A_573 = %while3A_514#19, %while3A_574 = %while3A_514#20, %while3A_575 = %while3A_514#21, %while3A_576 = %while3A_514#22, %while3A_577 = %while3A_514#23, %while3A_578 = %while3A_514#24, %while3A_579 = %while3A_514#25, %while3A_580 = %while3A_514#26, %while3A_581 = %while3A_514#27, %while3A_582 = %while3A_514#28, %while3A_583 = %while3A_514#29, %while3A_584 = %while3A_514#30, %while3A_585 = %while3A_514#31) -> (vector<16xf32>, vector<16xf32>, vector<16xf32>, vector<16xf32>, vector<16xf32>, vector<16xf32>, vector<16xf32>, vector<16xf32>, vector<16xf32>, vector<16xf32>, vector<16xf32>, vector<16xf32>, vector<16xf32>, vector<16xf32>, vector<16xf32>, vector<16xf32>, vector<16xf32>, vector<16xf32>, vector<16xf32>, vector<16xf32>, vector<16xf32>, vector<16xf32>, vector<16xf32>, vector<16xf32>, vector<16xf32>, vector<16xf32>, vector<16xf32>, vector<16xf32>, vector<16xf32>, vector<16xf32>, vector<16xf32>, vector<16xf32>)  : i32 {
        %get3A_586 = arith.index_cast %while3A_553 : i32 to index
        %get3A_587 = arith.constant 0 : index
        %get3A_588 = tpu.vector_load %arg7[%get3A_586, %get3A_587] {strides = array<i32>} : memref<64x512xf32, #tpu.memory_space<vmem>>, vector<1x16xf32>,
        %get3A_589 = vector.shape_cast %get3A_588 : vector<1x16xf32> to vector<16xf32>
        %add3A_590 = arith.addf %while3A_554, %get3A_589 : vector<16xf32>
        %get3A_591 = arith.index_cast %while3A_553 : i32 to index
        %get3A_592 = arith.constant 16 : index
        %get3A_593 = tpu.vector_load %arg7[%get3A_591, %get3A_592] {strides = array<i32>} : memref<64x512xf32, #tpu.memory_space<vmem>>, vector<1x16xf32>,
        %get3A_594 = vector.shape_cast %get3A_593 : vector<1x16xf32> to vector<16xf32>
        %add3A_595 = arith.addf %while3A_555, %get3A_594 : vector<16xf32>
        %get3A_596 = arith.index_cast %while3A_553 : i32 to index
        %get3A_597 = arith.constant 32 : index
        %get3A_598 = tpu.vector_load %arg7[%get3A_596, %get3A_597] {strides = array<i32>} : memref<64x512xf32, #tpu.memory_space<vmem>>, vector<1x16xf32>,
        %get3A_599 = vector.shape_cast %get3A_598 : vector<1x16xf32> to vector<16xf32>
        %add3A_600 = arith.addf %while3A_556, %get3A_599 : vector<16xf32>
        %get3A_601 = arith.index_cast %while3A_553 : i32 to index
        %get3A_602 = arith.constant 48 : index
        %get3A_603 = tpu.vector_load %arg7[%get3A_601, %get3A_602] {strides = array<i32>} : memref<64x512xf32, #tpu.memory_space<vmem>>, vector<1x16xf32>,
        %get3A_604 = vector.shape_cast %get3A_603 : vector<1x16xf32> to vector<16xf32>
        %add3A_605 = arith.addf %while3A_557, %get3A_604 : vector<16xf32>
        %get3A_606 = arith.index_cast %while3A_553 : i32 to index
        %get3A_607 = arith.constant 64 : index
        %get3A_608 = tpu.vector_load %arg7[%get3A_606, %get3A_607] {strides = array<i32>} : memref<64x512xf32, #tpu.memory_space<vmem>>, vector<1x16xf32>,
        %get3A_609 = vector.shape_cast %get3A_608 : vector<1x16xf32> to vector<16xf32>
        %add3A_610 = arith.addf %while3A_558, %get3A_609 : vector<16xf32>
        %get3A_611 = arith.index_cast %while3A_553 : i32 to index
        %get3A_612 = arith.constant 80 : index
        %get3A_613 = tpu.vector_load %arg7[%get3A_611, %get3A_612] {strides = array<i32>} : memref<64x512xf32, #tpu.memory_space<vmem>>, vector<1x16xf32>,
        %get3A_614 = vector.shape_cast %get3A_613 : vector<1x16xf32> to vector<16xf32>
        %add3A_615 = arith.addf %while3A_559, %get3A_614 : vector<16xf32>
        %get3A_616 = arith.index_cast %while3A_553 : i32 to index
        %get3A_617 = arith.constant 96 : index
        %get3A_618 = tpu.vector_load %arg7[%get3A_616, %get3A_617] {strides = array<i32>} : memref<64x512xf32, #tpu.memory_space<vmem>>, vector<1x16xf32>,
        %get3A_619 = vector.shape_cast %get3A_618 : vector<1x16xf32> to vector<16xf32>
        %add3A_620 = arith.addf %while3A_560, %get3A_619 : vector<16xf32>
        %get3A_621 = arith.index_cast %while3A_553 : i32 to index
        %get3A_622 = arith.constant 112 : index
        %get3A_623 = tpu.vector_load %arg7[%get3A_621, %get3A_622] {strides = array<i32>} : memref<64x512xf32, #tpu.memory_space<vmem>>, vector<1x16xf32>,
        %get3A_624 = vector.shape_cast %get3A_623 : vector<1x16xf32> to vector<16xf32>
        %add3A_625 = arith.addf %while3A_561, %get3A_624 : vector<16xf32>
        %get3A_626 = arith.index_cast %while3A_553 : i32 to index
        %get3A_627 = arith.constant 128 : index
        %get3A_628 = tpu.vector_load %arg7[%get3A_626, %get3A_627] {strides = array<i32>} : memref<64x512xf32, #tpu.memory_space<vmem>>, vector<1x16xf32>,
        %get3A_629 = vector.shape_cast %get3A_628 : vector<1x16xf32> to vector<16xf32>
        %add3A_630 = arith.addf %while3A_562, %get3A_629 : vector<16xf32>
        %get3A_631 = arith.index_cast %while3A_553 : i32 to index
        %get3A_632 = arith.constant 144 : index
        %get3A_633 = tpu.vector_load %arg7[%get3A_631, %get3A_632] {strides = array<i32>} : memref<64x512xf32, #tpu.memory_space<vmem>>, vector<1x16xf32>,
        %get3A_634 = vector.shape_cast %get3A_633 : vector<1x16xf32> to vector<16xf32>
        %add3A_635 = arith.addf %while3A_563, %get3A_634 : vector<16xf32>
        %get3A_636 = arith.index_cast %while3A_553 : i32 to index
        %get3A_637 = arith.constant 160 : index
        %get3A_638 = tpu.vector_load %arg7[%get3A_636, %get3A_637] {strides = array<i32>} : memref<64x512xf32, #tpu.memory_space<vmem>>, vector<1x16xf32>,
        %get3A_639 = vector.shape_cast %get3A_638 : vector<1x16xf32> to vector<16xf32>
        %add3A_640 = arith.addf %while3A_564, %get3A_639 : vector<16xf32>
        %get3A_641 = arith.index_cast %while3A_553 : i32 to index
        %get3A_642 = arith.constant 176 : index
        %get3A_643 = tpu.vector_load %arg7[%get3A_641, %get3A_642] {strides = array<i32>} : memref<64x512xf32, #tpu.memory_space<vmem>>, vector<1x16xf32>,
        %get3A_644 = vector.shape_cast %get3A_643 : vector<1x16xf32> to vector<16xf32>
        %add3A_645 = arith.addf %while3A_565, %get3A_644 : vector<16xf32>
        %get3A_646 = arith.index_cast %while3A_553 : i32 to index
        %get3A_647 = arith.constant 192 : index
        %get3A_648 = tpu.vector_load %arg7[%get3A_646, %get3A_647] {strides = array<i32>} : memref<64x512xf32, #tpu.memory_space<vmem>>, vector<1x16xf32>,
        %get3A_649 = vector.shape_cast %get3A_648 : vector<1x16xf32> to vector<16xf32>
        %add3A_650 = arith.addf %while3A_566, %get3A_649 : vector<16xf32>
        %get3A_651 = arith.index_cast %while3A_553 : i32 to index
        %get3A_652 = arith.constant 208 : index
        %get3A_653 = tpu.vector_load %arg7[%get3A_651, %get3A_652] {strides = array<i32>} : memref<64x512xf32, #tpu.memory_space<vmem>>, vector<1x16xf32>,
        %get3A_654 = vector.shape_cast %get3A_653 : vector<1x16xf32> to vector<16xf32>
        %add3A_655 = arith.addf %while3A_567, %get3A_654 : vector<16xf32>
        %get3A_656 = arith.index_cast %while3A_553 : i32 to index
        %get3A_657 = arith.constant 224 : index
        %get3A_658 = tpu.vector_load %arg7[%get3A_656, %get3A_657] {strides = array<i32>} : memref<64x512xf32, #tpu.memory_space<vmem>>, vector<1x16xf32>,
        %get3A_659 = vector.shape_cast %get3A_658 : vector<1x16xf32> to vector<16xf32>
        %add3A_660 = arith.addf %while3A_568, %get3A_659 : vector<16xf32>
        %get3A_661 = arith.index_cast %while3A_553 : i32 to index
        %get3A_662 = arith.constant 240 : index
        %get3A_663 = tpu.vector_load %arg7[%get3A_661, %get3A_662] {strides = array<i32>} : memref<64x512xf32, #tpu.memory_space<vmem>>, vector<1x16xf32>,
        %get3A_664 = vector.shape_cast %get3A_663 : vector<1x16xf32> to vector<16xf32>
        %add3A_665 = arith.addf %while3A_569, %get3A_664 : vector<16xf32>
        %get3A_666 = arith.index_cast %while3A_553 : i32 to index
        %get3A_667 = arith.constant 256 : index
        %get3A_668 = tpu.vector_load %arg7[%get3A_666, %get3A_667] {strides = array<i32>} : memref<64x512xf32, #tpu.memory_space<vmem>>, vector<1x16xf32>,
        %get3A_669 = vector.shape_cast %get3A_668 : vector<1x16xf32> to vector<16xf32>
        %add3A_670 = arith.addf %while3A_570, %get3A_669 : vector<16xf32>
        %get3A_671 = arith.index_cast %while3A_553 : i32 to index
        %get3A_672 = arith.constant 272 : index
        %get3A_673 = tpu.vector_load %arg7[%get3A_671, %get3A_672] {strides = array<i32>} : memref<64x512xf32, #tpu.memory_space<vmem>>, vector<1x16xf32>,
        %get3A_674 = vector.shape_cast %get3A_673 : vector<1x16xf32> to vector<16xf32>
        %add3A_675 = arith.addf %while3A_571, %get3A_674 : vector<16xf32>
        %get3A_676 = arith.index_cast %while3A_553 : i32 to index
        %get3A_677 = arith.constant 288 : index
        %get3A_678 = tpu.vector_load %arg7[%get3A_676, %get3A_677] {strides = array<i32>} : memref<64x512xf32, #tpu.memory_space<vmem>>, vector<1x16xf32>,
        %get3A_679 = vector.shape_cast %get3A_678 : vector<1x16xf32> to vector<16xf32>
        %add3A_680 = arith.addf %while3A_572, %get3A_679 : vector<16xf32>
        %get3A_681 = arith.index_cast %while3A_553 : i32 to index
        %get3A_682 = arith.constant 304 : index
        %get3A_683 = tpu.vector_load %arg7[%get3A_681, %get3A_682] {strides = array<i32>} : memref<64x512xf32, #tpu.memory_space<vmem>>, vector<1x16xf32>,
        %get3A_684 = vector.shape_cast %get3A_683 : vector<1x16xf32> to vector<16xf32>
        %add3A_685 = arith.addf %while3A_573, %get3A_684 : vector<16xf32>
        %get3A_686 = arith.index_cast %while3A_553 : i32 to index
        %get3A_687 = arith.constant 320 : index
        %get3A_688 = tpu.vector_load %arg7[%get3A_686, %get3A_687] {strides = array<i32>} : memref<64x512xf32, #tpu.memory_space<vmem>>, vector<1x16xf32>,
        %get3A_689 = vector.shape_cast %get3A_688 : vector<1x16xf32> to vector<16xf32>
        %add3A_690 = arith.addf %while3A_574, %get3A_689 : vector<16xf32>
        %get3A_691 = arith.index_cast %while3A_553 : i32 to index
        %get3A_692 = arith.constant 336 : index
        %get3A_693 = tpu.vector_load %arg7[%get3A_691, %get3A_692] {strides = array<i32>} : memref<64x512xf32, #tpu.memory_space<vmem>>, vector<1x16xf32>,
        %get3A_694 = vector.shape_cast %get3A_693 : vector<1x16xf32> to vector<16xf32>
        %add3A_695 = arith.addf %while3A_575, %get3A_694 : vector<16xf32>
        %get3A_696 = arith.index_cast %while3A_553 : i32 to index
        %get3A_697 = arith.constant 352 : index
        %get3A_698 = tpu.vector_load %arg7[%get3A_696, %get3A_697] {strides = array<i32>} : memref<64x512xf32, #tpu.memory_space<vmem>>, vector<1x16xf32>,
        %get3A_699 = vector.shape_cast %get3A_698 : vector<1x16xf32> to vector<16xf32>
        %add3A_700 = arith.addf %while3A_576, %get3A_699 : vector<16xf32>
        %get3A_701 = arith.index_cast %while3A_553 : i32 to index
        %get3A_702 = arith.constant 368 : index
        %get3A_703 = tpu.vector_load %arg7[%get3A_701, %get3A_702] {strides = array<i32>} : memref<64x512xf32, #tpu.memory_space<vmem>>, vector<1x16xf32>,
        %get3A_704 = vector.shape_cast %get3A_703 : vector<1x16xf32> to vector<16xf32>
        %add3A_705 = arith.addf %while3A_577, %get3A_704 : vector<16xf32>
        %get3A_706 = arith.index_cast %while3A_553 : i32 to index
        %get3A_707 = arith.constant 384 : index
        %get3A_708 = tpu.vector_load %arg7[%get3A_706, %get3A_707] {strides = array<i32>} : memref<64x512xf32, #tpu.memory_space<vmem>>, vector<1x16xf32>,
        %get3A_709 = vector.shape_cast %get3A_708 : vector<1x16xf32> to vector<16xf32>
        %add3A_710 = arith.addf %while3A_578, %get3A_709 : vector<16xf32>
        %get3A_711 = arith.index_cast %while3A_553 : i32 to index
        %get3A_712 = arith.constant 400 : index
        %get3A_713 = tpu.vector_load %arg7[%get3A_711, %get3A_712] {strides = array<i32>} : memref<64x512xf32, #tpu.memory_space<vmem>>, vector<1x16xf32>,
        %get3A_714 = vector.shape_cast %get3A_713 : vector<1x16xf32> to vector<16xf32>
        %add3A_715 = arith.addf %while3A_579, %get3A_714 : vector<16xf32>
        %get3A_716 = arith.index_cast %while3A_553 : i32 to index
        %get3A_717 = arith.constant 416 : index
        %get3A_718 = tpu.vector_load %arg7[%get3A_716, %get3A_717] {strides = array<i32>} : memref<64x512xf32, #tpu.memory_space<vmem>>, vector<1x16xf32>,
        %get3A_719 = vector.shape_cast %get3A_718 : vector<1x16xf32> to vector<16xf32>
        %add3A_720 = arith.addf %while3A_580, %get3A_719 : vector<16xf32>
        %get3A_721 = arith.index_cast %while3A_553 : i32 to index
        %get3A_722 = arith.constant 432 : index
        %get3A_723 = tpu.vector_load %arg7[%get3A_721, %get3A_722] {strides = array<i32>} : memref<64x512xf32, #tpu.memory_space<vmem>>, vector<1x16xf32>,
        %get3A_724 = vector.shape_cast %get3A_723 : vector<1x16xf32> to vector<16xf32>
        %add3A_725 = arith.addf %while3A_581, %get3A_724 : vector<16xf32>
        %get3A_726 = arith.index_cast %while3A_553 : i32 to index
        %get3A_727 = arith.constant 448 : index
        %get3A_728 = tpu.vector_load %arg7[%get3A_726, %get3A_727] {strides = array<i32>} : memref<64x512xf32, #tpu.memory_space<vmem>>, vector<1x16xf32>,
        %get3A_729 = vector.shape_cast %get3A_728 : vector<1x16xf32> to vector<16xf32>
        %add3A_730 = arith.addf %while3A_582, %get3A_729 : vector<16xf32>
        %get3A_731 = arith.index_cast %while3A_553 : i32 to index
        %get3A_732 = arith.constant 464 : index
        %get3A_733 = tpu.vector_load %arg7[%get3A_731, %get3A_732] {strides = array<i32>} : memref<64x512xf32, #tpu.memory_space<vmem>>, vector<1x16xf32>,
        %get3A_734 = vector.shape_cast %get3A_733 : vector<1x16xf32> to vector<16xf32>
        %add3A_735 = arith.addf %while3A_583, %get3A_734 : vector<16xf32>
        %get3A_736 = arith.index_cast %while3A_553 : i32 to index
        %get3A_737 = arith.constant 480 : index
        %get3A_738 = tpu.vector_load %arg7[%get3A_736, %get3A_737] {strides = array<i32>} : memref<64x512xf32, #tpu.memory_space<vmem>>, vector<1x16xf32>,
        %get3A_739 = vector.shape_cast %get3A_738 : vector<1x16xf32> to vector<16xf32>
        %add3A_740 = arith.addf %while3A_584, %get3A_739 : vector<16xf32>
        %get3A_741 = arith.index_cast %while3A_553 : i32 to index
        %get3A_742 = arith.constant 496 : index
        %get3A_743 = tpu.vector_load %arg7[%get3A_741, %get3A_742] {strides = array<i32>} : memref<64x512xf32, #tpu.memory_space<vmem>>, vector<1x16xf32>,
        %get3A_744 = vector.shape_cast %get3A_743 : vector<1x16xf32> to vector<16xf32>
        %add3A_745 = arith.addf %while3A_585, %get3A_744 : vector<16xf32>
        scf.yield %add3A_590, %add3A_595, %add3A_600, %add3A_605, %add3A_610, %add3A_615, %add3A_620, %add3A_625, %add3A_630, %add3A_635, %add3A_640, %add3A_645, %add3A_650, %add3A_655, %add3A_660, %add3A_665, %add3A_670, %add3A_675, %add3A_680, %add3A_685, %add3A_690, %add3A_695, %add3A_700, %add3A_705, %add3A_710, %add3A_715, %add3A_720, %add3A_725, %add3A_730, %add3A_735, %add3A_740, %add3A_745 : vector<16xf32>, vector<16xf32>, vector<16xf32>, vector<16xf32>, vector<16xf32>, vector<16xf32>, vector<16xf32>, vector<16xf32>, vector<16xf32>, vector<16xf32>, vector<16xf32>, vector<16xf32>, vector<16xf32>, vector<16xf32>, vector<16xf32>, vector<16xf32>, vector<16xf32>, vector<16xf32>, vector<16xf32>, vector<16xf32>, vector<16xf32>, vector<16xf32>, vector<16xf32>, vector<16xf32>, vector<16xf32>, vector<16xf32>, vector<16xf32>, vector<16xf32>, vector<16xf32>, vector<16xf32>, vector<16xf32>, vector<16xf32>
      }
      %while3A_545 = arith.constant 1 : i32
      %while3A_546:32 = scf.for %while3A_553 = %while3A_542 to %while3A_538 step %while3A_545 iter_args(%while3A_554 = %while3A_544#0, %while3A_555 = %while3A_544#1, %while3A_556 = %while3A_544#2, %while3A_557 = %while3A_544#3, %while3A_558 = %while3A_544#4, %while3A_559 = %while3A_544#5, %while3A_560 = %while3A_544#6, %while3A_561 = %while3A_544#7, %while3A_562 = %while3A_544#8, %while3A_563 = %while3A_544#9, %while3A_564 = %while3A_544#10, %while3A_565 = %while3A_544#11, %while3A_566 = %while3A_544#12, %while3A_567 = %while3A_544#13, %while3A_568 = %while3A_544#14, %while3A_569 = %while3A_544#15, %while3A_570 = %while3A_544#16, %while3A_571 = %while3A_544#17, %while3A_572 = %while3A_544#18, %while3A_573 = %while3A_544#19, %while3A_574 = %while3A_544#20, %while3A_575 = %while3A_544#21, %while3A_576 = %while3A_544#22, %while3A_577 = %while3A_544#23, %while3A_578 = %while3A_544#24, %while3A_579 = %while3A_544#25, %while3A_580 = %while3A_544#26, %while3A_581 = %while3A_544#27, %while3A_582 = %while3A_544#28, %while3A_583 = %while3A_544#29, %while3A_584 = %while3A_544#30, %while3A_585 = %while3A_544#31) -> (vector<16xf32>, vector<16xf32>, vector<16xf32>, vector<16xf32>, vector<16xf32>, vector<16xf32>, vector<16xf32>, vector<16xf32>, vector<16xf32>, vector<16xf32>, vector<16xf32>, vector<16xf32>, vector<16xf32>, vector<16xf32>, vector<16xf32>, vector<16xf32>, vector<16xf32>, vector<16xf32>, vector<16xf32>, vector<16xf32>, vector<16xf32>, vector<16xf32>, vector<16xf32>, vector<16xf32>, vector<16xf32>, vector<16xf32>, vector<16xf32>, vector<16xf32>, vector<16xf32>, vector<16xf32>, vector<16xf32>, vector<16xf32>)  : i32 {
        %get3A_586 = arith.index_cast %while3A_553 : i32 to index
        %get3A_587 = arith.constant 0 : index
        %get3A_588 = tpu.vector_load %arg7[%get3A_586, %get3A_587] {strides = array<i32>} : memref<64x512xf32, #tpu.memory_space<vmem>>, vector<1x16xf32>,
        %get3A_589 = vector.shape_cast %get3A_588 : vector<1x16xf32> to vector<16xf32>
        %add3A_590 = arith.addf %while3A_554, %get3A_589 : vector<16xf32>
        %get3A_591 = arith.index_cast %while3A_553 : i32 to index
        %get3A_592 = arith.constant 16 : index
        %get3A_593 = tpu.vector_load %arg7[%get3A_591, %get3A_592] {strides = array<i32>} : memref<64x512xf32, #tpu.memory_space<vmem>>, vector<1x16xf32>,
        %get3A_594 = vector.shape_cast %get3A_593 : vector<1x16xf32> to vector<16xf32>
        %add3A_595 = arith.addf %while3A_555, %get3A_594 : vector<16xf32>
        %get3A_596 = arith.index_cast %while3A_553 : i32 to index
        %get3A_597 = arith.constant 32 : index
        %get3A_598 = tpu.vector_load %arg7[%get3A_596, %get3A_597] {strides = array<i32>} : memref<64x512xf32, #tpu.memory_space<vmem>>, vector<1x16xf32>,
        %get3A_599 = vector.shape_cast %get3A_598 : vector<1x16xf32> to vector<16xf32>
        %add3A_600 = arith.addf %while3A_556, %get3A_599 : vector<16xf32>
        %get3A_601 = arith.index_cast %while3A_553 : i32 to index
        %get3A_602 = arith.constant 48 : index
        %get3A_603 = tpu.vector_load %arg7[%get3A_601, %get3A_602] {strides = array<i32>} : memref<64x512xf32, #tpu.memory_space<vmem>>, vector<1x16xf32>,
        %get3A_604 = vector.shape_cast %get3A_603 : vector<1x16xf32> to vector<16xf32>
        %add3A_605 = arith.addf %while3A_557, %get3A_604 : vector<16xf32>
        %get3A_606 = arith.index_cast %while3A_553 : i32 to index
        %get3A_607 = arith.constant 64 : index
        %get3A_608 = tpu.vector_load %arg7[%get3A_606, %get3A_607] {strides = array<i32>} : memref<64x512xf32, #tpu.memory_space<vmem>>, vector<1x16xf32>,
        %get3A_609 = vector.shape_cast %get3A_608 : vector<1x16xf32> to vector<16xf32>
        %add3A_610 = arith.addf %while3A_558, %get3A_609 : vector<16xf32>
        %get3A_611 = arith.index_cast %while3A_553 : i32 to index
        %get3A_612 = arith.constant 80 : index
        %get3A_613 = tpu.vector_load %arg7[%get3A_611, %get3A_612] {strides = array<i32>} : memref<64x512xf32, #tpu.memory_space<vmem>>, vector<1x16xf32>,
        %get3A_614 = vector.shape_cast %get3A_613 : vector<1x16xf32> to vector<16xf32>
        %add3A_615 = arith.addf %while3A_559, %get3A_614 : vector<16xf32>
        %get3A_616 = arith.index_cast %while3A_553 : i32 to index
        %get3A_617 = arith.constant 96 : index
        %get3A_618 = tpu.vector_load %arg7[%get3A_616, %get3A_617] {strides = array<i32>} : memref<64x512xf32, #tpu.memory_space<vmem>>, vector<1x16xf32>,
        %get3A_619 = vector.shape_cast %get3A_618 : vector<1x16xf32> to vector<16xf32>
        %add3A_620 = arith.addf %while3A_560, %get3A_619 : vector<16xf32>
        %get3A_621 = arith.index_cast %while3A_553 : i32 to index
        %get3A_622 = arith.constant 112 : index
        %get3A_623 = tpu.vector_load %arg7[%get3A_621, %get3A_622] {strides = array<i32>} : memref<64x512xf32, #tpu.memory_space<vmem>>, vector<1x16xf32>,
        %get3A_624 = vector.shape_cast %get3A_623 : vector<1x16xf32> to vector<16xf32>
        %add3A_625 = arith.addf %while3A_561, %get3A_624 : vector<16xf32>
        %get3A_626 = arith.index_cast %while3A_553 : i32 to index
        %get3A_627 = arith.constant 128 : index
        %get3A_628 = tpu.vector_load %arg7[%get3A_626, %get3A_627] {strides = array<i32>} : memref<64x512xf32, #tpu.memory_space<vmem>>, vector<1x16xf32>,
        %get3A_629 = vector.shape_cast %get3A_628 : vector<1x16xf32> to vector<16xf32>
        %add3A_630 = arith.addf %while3A_562, %get3A_629 : vector<16xf32>
        %get3A_631 = arith.index_cast %while3A_553 : i32 to index
        %get3A_632 = arith.constant 144 : index
        %get3A_633 = tpu.vector_load %arg7[%get3A_631, %get3A_632] {strides = array<i32>} : memref<64x512xf32, #tpu.memory_space<vmem>>, vector<1x16xf32>,
        %get3A_634 = vector.shape_cast %get3A_633 : vector<1x16xf32> to vector<16xf32>
        %add3A_635 = arith.addf %while3A_563, %get3A_634 : vector<16xf32>
        %get3A_636 = arith.index_cast %while3A_553 : i32 to index
        %get3A_637 = arith.constant 160 : index
        %get3A_638 = tpu.vector_load %arg7[%get3A_636, %get3A_637] {strides = array<i32>} : memref<64x512xf32, #tpu.memory_space<vmem>>, vector<1x16xf32>,
        %get3A_639 = vector.shape_cast %get3A_638 : vector<1x16xf32> to vector<16xf32>
        %add3A_640 = arith.addf %while3A_564, %get3A_639 : vector<16xf32>
        %get3A_641 = arith.index_cast %while3A_553 : i32 to index
        %get3A_642 = arith.constant 176 : index
        %get3A_643 = tpu.vector_load %arg7[%get3A_641, %get3A_642] {strides = array<i32>} : memref<64x512xf32, #tpu.memory_space<vmem>>, vector<1x16xf32>,
        %get3A_644 = vector.shape_cast %get3A_643 : vector<1x16xf32> to vector<16xf32>
        %add3A_645 = arith.addf %while3A_565, %get3A_644 : vector<16xf32>
        %get3A_646 = arith.index_cast %while3A_553 : i32 to index
        %get3A_647 = arith.constant 192 : index
        %get3A_648 = tpu.vector_load %arg7[%get3A_646, %get3A_647] {strides = array<i32>} : memref<64x512xf32, #tpu.memory_space<vmem>>, vector<1x16xf32>,
        %get3A_649 = vector.shape_cast %get3A_648 : vector<1x16xf32> to vector<16xf32>
        %add3A_650 = arith.addf %while3A_566, %get3A_649 : vector<16xf32>
        %get3A_651 = arith.index_cast %while3A_553 : i32 to index
        %get3A_652 = arith.constant 208 : index
        %get3A_653 = tpu.vector_load %arg7[%get3A_651, %get3A_652] {strides = array<i32>} : memref<64x512xf32, #tpu.memory_space<vmem>>, vector<1x16xf32>,
        %get3A_654 = vector.shape_cast %get3A_653 : vector<1x16xf32> to vector<16xf32>
        %add3A_655 = arith.addf %while3A_567, %get3A_654 : vector<16xf32>
        %get3A_656 = arith.index_cast %while3A_553 : i32 to index
        %get3A_657 = arith.constant 224 : index
        %get3A_658 = tpu.vector_load %arg7[%get3A_656, %get3A_657] {strides = array<i32>} : memref<64x512xf32, #tpu.memory_space<vmem>>, vector<1x16xf32>,
        %get3A_659 = vector.shape_cast %get3A_658 : vector<1x16xf32> to vector<16xf32>
        %add3A_660 = arith.addf %while3A_568, %get3A_659 : vector<16xf32>
        %get3A_661 = arith.index_cast %while3A_553 : i32 to index
        %get3A_662 = arith.constant 240 : index
        %get3A_663 = tpu.vector_load %arg7[%get3A_661, %get3A_662] {strides = array<i32>} : memref<64x512xf32, #tpu.memory_space<vmem>>, vector<1x16xf32>,
        %get3A_664 = vector.shape_cast %get3A_663 : vector<1x16xf32> to vector<16xf32>
        %add3A_665 = arith.addf %while3A_569, %get3A_664 : vector<16xf32>
        %get3A_666 = arith.index_cast %while3A_553 : i32 to index
        %get3A_667 = arith.constant 256 : index
        %get3A_668 = tpu.vector_load %arg7[%get3A_666, %get3A_667] {strides = array<i32>} : memref<64x512xf32, #tpu.memory_space<vmem>>, vector<1x16xf32>,
        %get3A_669 = vector.shape_cast %get3A_668 : vector<1x16xf32> to vector<16xf32>
        %add3A_670 = arith.addf %while3A_570, %get3A_669 : vector<16xf32>
        %get3A_671 = arith.index_cast %while3A_553 : i32 to index
        %get3A_672 = arith.constant 272 : index
        %get3A_673 = tpu.vector_load %arg7[%get3A_671, %get3A_672] {strides = array<i32>} : memref<64x512xf32, #tpu.memory_space<vmem>>, vector<1x16xf32>,
        %get3A_674 = vector.shape_cast %get3A_673 : vector<1x16xf32> to vector<16xf32>
        %add3A_675 = arith.addf %while3A_571, %get3A_674 : vector<16xf32>
        %get3A_676 = arith.index_cast %while3A_553 : i32 to index
        %get3A_677 = arith.constant 288 : index
        %get3A_678 = tpu.vector_load %arg7[%get3A_676, %get3A_677] {strides = array<i32>} : memref<64x512xf32, #tpu.memory_space<vmem>>, vector<1x16xf32>,
        %get3A_679 = vector.shape_cast %get3A_678 : vector<1x16xf32> to vector<16xf32>
        %add3A_680 = arith.addf %while3A_572, %get3A_679 : vector<16xf32>
        %get3A_681 = arith.index_cast %while3A_553 : i32 to index
        %get3A_682 = arith.constant 304 : index
        %get3A_683 = tpu.vector_load %arg7[%get3A_681, %get3A_682] {strides = array<i32>} : memref<64x512xf32, #tpu.memory_space<vmem>>, vector<1x16xf32>,
        %get3A_684 = vector.shape_cast %get3A_683 : vector<1x16xf32> to vector<16xf32>
        %add3A_685 = arith.addf %while3A_573, %get3A_684 : vector<16xf32>
        %get3A_686 = arith.index_cast %while3A_553 : i32 to index
        %get3A_687 = arith.constant 320 : index
        %get3A_688 = tpu.vector_load %arg7[%get3A_686, %get3A_687] {strides = array<i32>} : memref<64x512xf32, #tpu.memory_space<vmem>>, vector<1x16xf32>,
        %get3A_689 = vector.shape_cast %get3A_688 : vector<1x16xf32> to vector<16xf32>
        %add3A_690 = arith.addf %while3A_574, %get3A_689 : vector<16xf32>
        %get3A_691 = arith.index_cast %while3A_553 : i32 to index
        %get3A_692 = arith.constant 336 : index
        %get3A_693 = tpu.vector_load %arg7[%get3A_691, %get3A_692] {strides = array<i32>} : memref<64x512xf32, #tpu.memory_space<vmem>>, vector<1x16xf32>,
        %get3A_694 = vector.shape_cast %get3A_693 : vector<1x16xf32> to vector<16xf32>
        %add3A_695 = arith.addf %while3A_575, %get3A_694 : vector<16xf32>
        %get3A_696 = arith.index_cast %while3A_553 : i32 to index
        %get3A_697 = arith.constant 352 : index
        %get3A_698 = tpu.vector_load %arg7[%get3A_696, %get3A_697] {strides = array<i32>} : memref<64x512xf32, #tpu.memory_space<vmem>>, vector<1x16xf32>,
        %get3A_699 = vector.shape_cast %get3A_698 : vector<1x16xf32> to vector<16xf32>
        %add3A_700 = arith.addf %while3A_576, %get3A_699 : vector<16xf32>
        %get3A_701 = arith.index_cast %while3A_553 : i32 to index
        %get3A_702 = arith.constant 368 : index
        %get3A_703 = tpu.vector_load %arg7[%get3A_701, %get3A_702] {strides = array<i32>} : memref<64x512xf32, #tpu.memory_space<vmem>>, vector<1x16xf32>,
        %get3A_704 = vector.shape_cast %get3A_703 : vector<1x16xf32> to vector<16xf32>
        %add3A_705 = arith.addf %while3A_577, %get3A_704 : vector<16xf32>
        %get3A_706 = arith.index_cast %while3A_553 : i32 to index
        %get3A_707 = arith.constant 384 : index
        %get3A_708 = tpu.vector_load %arg7[%get3A_706, %get3A_707] {strides = array<i32>} : memref<64x512xf32, #tpu.memory_space<vmem>>, vector<1x16xf32>,
        %get3A_709 = vector.shape_cast %get3A_708 : vector<1x16xf32> to vector<16xf32>
        %add3A_710 = arith.addf %while3A_578, %get3A_709 : vector<16xf32>
        %get3A_711 = arith.index_cast %while3A_553 : i32 to index
        %get3A_712 = arith.constant 400 : index
        %get3A_713 = tpu.vector_load %arg7[%get3A_711, %get3A_712] {strides = array<i32>} : memref<64x512xf32, #tpu.memory_space<vmem>>, vector<1x16xf32>,
        %get3A_714 = vector.shape_cast %get3A_713 : vector<1x16xf32> to vector<16xf32>
        %add3A_715 = arith.addf %while3A_579, %get3A_714 : vector<16xf32>
        %get3A_716 = arith.index_cast %while3A_553 : i32 to index
        %get3A_717 = arith.constant 416 : index
        %get3A_718 = tpu.vector_load %arg7[%get3A_716, %get3A_717] {strides = array<i32>} : memref<64x512xf32, #tpu.memory_space<vmem>>, vector<1x16xf32>,
        %get3A_719 = vector.shape_cast %get3A_718 : vector<1x16xf32> to vector<16xf32>
        %add3A_720 = arith.addf %while3A_580, %get3A_719 : vector<16xf32>
        %get3A_721 = arith.index_cast %while3A_553 : i32 to index
        %get3A_722 = arith.constant 432 : index
        %get3A_723 = tpu.vector_load %arg7[%get3A_721, %get3A_722] {strides = array<i32>} : memref<64x512xf32, #tpu.memory_space<vmem>>, vector<1x16xf32>,
        %get3A_724 = vector.shape_cast %get3A_723 : vector<1x16xf32> to vector<16xf32>
        %add3A_725 = arith.addf %while3A_581, %get3A_724 : vector<16xf32>
        %get3A_726 = arith.index_cast %while3A_553 : i32 to index
        %get3A_727 = arith.constant 448 : index
        %get3A_728 = tpu.vector_load %arg7[%get3A_726, %get3A_727] {strides = array<i32>} : memref<64x512xf32, #tpu.memory_space<vmem>>, vector<1x16xf32>,
        %get3A_729 = vector.shape_cast %get3A_728 : vector<1x16xf32> to vector<16xf32>
        %add3A_730 = arith.addf %while3A_582, %get3A_729 : vector<16xf32>
        %get3A_731 = arith.index_cast %while3A_553 : i32 to index
        %get3A_732 = arith.constant 464 : index
        %get3A_733 = tpu.vector_load %arg7[%get3A_731, %get3A_732] {strides = array<i32>} : memref<64x512xf32, #tpu.memory_space<vmem>>, vector<1x16xf32>,
        %get3A_734 = vector.shape_cast %get3A_733 : vector<1x16xf32> to vector<16xf32>
        %add3A_735 = arith.addf %while3A_583, %get3A_734 : vector<16xf32>
        %get3A_736 = arith.index_cast %while3A_553 : i32 to index
        %get3A_737 = arith.constant 480 : index
        %get3A_738 = tpu.vector_load %arg7[%get3A_736, %get3A_737] {strides = array<i32>} : memref<64x512xf32, #tpu.memory_space<vmem>>, vector<1x16xf32>,
        %get3A_739 = vector.shape_cast %get3A_738 : vector<1x16xf32> to vector<16xf32>
        %add3A_740 = arith.addf %while3A_584, %get3A_739 : vector<16xf32>
        %get3A_741 = arith.index_cast %while3A_553 : i32 to index
        %get3A_742 = arith.constant 496 : index
        %get3A_743 = tpu.vector_load %arg7[%get3A_741, %get3A_742] {strides = array<i32>} : memref<64x512xf32, #tpu.memory_space<vmem>>, vector<1x16xf32>,
        %get3A_744 = vector.shape_cast %get3A_743 : vector<1x16xf32> to vector<16xf32>
        %add3A_745 = arith.addf %while3A_585, %get3A_744 : vector<16xf32>
        scf.yield %add3A_590, %add3A_595, %add3A_600, %add3A_605, %add3A_610, %add3A_615, %add3A_620, %add3A_625, %add3A_630, %add3A_635, %add3A_640, %add3A_645, %add3A_650, %add3A_655, %add3A_660, %add3A_665, %add3A_670, %add3A_675, %add3A_680, %add3A_685, %add3A_690, %add3A_695, %add3A_700, %add3A_705, %add3A_710, %add3A_715, %add3A_720, %add3A_725, %add3A_730, %add3A_735, %add3A_740, %add3A_745 : vector<16xf32>, vector<16xf32>, vector<16xf32>, vector<16xf32>, vector<16xf32>, vector<16xf32>, vector<16xf32>, vector<16xf32>, vector<16xf32>, vector<16xf32>, vector<16xf32>, vector<16xf32>, vector<16xf32>, vector<16xf32>, vector<16xf32>, vector<16xf32>, vector<16xf32>, vector<16xf32>, vector<16xf32>, vector<16xf32>, vector<16xf32>, vector<16xf32>, vector<16xf32>, vector<16xf32>, vector<16xf32>, vector<16xf32>, vector<16xf32>, vector<16xf32>, vector<16xf32>, vector<16xf32>, vector<16xf32>, vector<16xf32>
      }
      %add3A_547 = arith.constant 3 : i32
      %add3A_548 = arith.addi %mul3A_493, %add3A_547 : i32
      %lt3A_549 = arith.cmpi slt, %add3A_548, %select_n3A_188 : i32
      %convert_element_type3A_550 = arith.extui %lt3A_549 : i1 to i32
      %cond3A_551 = arith.constant 0 : i32
      %cond3A_552 = arith.cmpi ne, %convert_element_type3A_550, %cond3A_551 : i32
      scf.if %cond3A_552 {
        %add3A_553 = arith.constant 3 : i32
        %add3A_554 = arith.addi %mul3A_493, %add3A_553 : i32
        %mul3A_555 = arith.constant 64 : i32
        %mul3A_556 = arith.muli %add3A_554, %mul3A_555 : i32
        %add3A_557 = arith.addi %mul3A_159, %mul3A_556 : i32
        %dma_start3A = tpu.memref_slice %arg2[%add3A, %add3A_557, %mul3A_32] : memref<16x2048x1024xf32, #tpu.memory_space<hbm>> -> memref<1x64x512xf32, #tpu.memory_space<hbm>>
        %dma_start3A_558 = tpu.memref_squeeze %dma_start3A : memref<1x64x512xf32, #tpu.memory_space<hbm>> -> memref<64x512xf32, #tpu.memory_space<hbm>>
        %dma_start3A_559 = tpu.memref_slice %arg2[%add3A, %add3A_557, %mul3A_32] : memref<16x2048x1024xf32, #tpu.memory_space<hbm>> -> memref<1x64x512xf32, #tpu.memory_space<hbm>>
        %dma_start3A_560 = tpu.memref_squeeze %dma_start3A_559 : memref<1x64x512xf32, #tpu.memory_space<hbm>> -> memref<64x512xf32, #tpu.memory_space<hbm>>
        tpu.enqueue_dma source(%dma_start3A_560 : memref<64x512xf32, #tpu.memory_space<hbm>>) target(%arg7 : memref<64x512xf32, #tpu.memory_space<vmem>>) target_semaphore(%arg10 : memref<!tpu.dma_semaphore, #tpu.memory_space<semaphore_mem>>)
      } else {
      }
      scf.yield %while3A_546#0, %while3A_546#1, %while3A_546#2, %while3A_546#3, %while3A_546#4, %while3A_546#5, %while3A_546#6, %while3A_546#7, %while3A_546#8, %while3A_546#9, %while3A_546#10, %while3A_546#11, %while3A_546#12, %while3A_546#13, %while3A_546#14, %while3A_546#15, %while3A_546#16, %while3A_546#17, %while3A_546#18, %while3A_546#19, %while3A_546#20, %while3A_546#21, %while3A_546#22, %while3A_546#23, %while3A_546#24, %while3A_546#25, %while3A_546#26, %while3A_546#27, %while3A_546#28, %while3A_546#29, %while3A_546#30, %while3A_546#31 : vector<16xf32>, vector<16xf32>, vector<16xf32>, vector<16xf32>, vector<16xf32>, vector<16xf32>, vector<16xf32>, vector<16xf32>, vector<16xf32>, vector<16xf32>, vector<16xf32>, vector<16xf32>, vector<16xf32>, vector<16xf32>, vector<16xf32>, vector<16xf32>, vector<16xf32>, vector<16xf32>, vector<16xf32>, vector<16xf32>, vector<16xf32>, vector<16xf32>, vector<16xf32>, vector<16xf32>, vector<16xf32>, vector<16xf32>, vector<16xf32>, vector<16xf32>, vector<16xf32>, vector<16xf32>, vector<16xf32>, vector<16xf32>
    }
    %broadcast_in_dim3A_295 = vector.broadcast %select_n3A_133 : i32 to vector<16xi32>
    %convert_element_type3A_296 = arith.sitofp %broadcast_in_dim3A_295 : vector<16xi32> to vector<16xf32>
    %div3A_297 = arith.constant 1.000000e+00 : f32
    %div3A_298 = vector.broadcast %div3A_297 : f32 to vector<16xf32>
    %div3A_299 = arith.divf %div3A_298, %convert_element_type3A_296 : vector<16xf32>
    %mul3A_300 = arith.mulf %while3A_294#0, %div3A_299 : vector<16xf32>
    %swap3A = arith.constant 0 : index
    %swap3A_301 = tpu.vector_load %arg8[%swap3A] {strides = array<i32>} : memref<512xf32, #tpu.memory_space<vmem>>, vector<16xf32>,
    %swap3A_302 = vector.shape_cast %swap3A_301 : vector<16xf32> to vector<16xf32>
    %swap3A_303 = vector.shape_cast %mul3A_300 : vector<16xf32> to vector<16xf32>
    tpu.vector_store %arg8[%swap3A], %swap3A_303 {strides = array<i32>} : memref<512xf32, #tpu.memory_space<vmem>>, vector<16xf32>,
    %mul3A_304 = arith.mulf %while3A_294#1, %div3A_299 : vector<16xf32>
    %swap3A_305 = arith.constant 16 : index
    %swap3A_306 = tpu.vector_load %arg8[%swap3A_305] {strides = array<i32>} : memref<512xf32, #tpu.memory_space<vmem>>, vector<16xf32>,
    %swap3A_307 = vector.shape_cast %swap3A_306 : vector<16xf32> to vector<16xf32>
    %swap3A_308 = vector.shape_cast %mul3A_304 : vector<16xf32> to vector<16xf32>
    tpu.vector_store %arg8[%swap3A_305], %swap3A_308 {strides = array<i32>} : memref<512xf32, #tpu.memory_space<vmem>>, vector<16xf32>,
    %mul3A_309 = arith.mulf %while3A_294#2, %div3A_299 : vector<16xf32>
    %swap3A_310 = arith.constant 32 : index
    %swap3A_311 = tpu.vector_load %arg8[%swap3A_310] {strides = array<i32>} : memref<512xf32, #tpu.memory_space<vmem>>, vector<16xf32>,
    %swap3A_312 = vector.shape_cast %swap3A_311 : vector<16xf32> to vector<16xf32>
    %swap3A_313 = vector.shape_cast %mul3A_309 : vector<16xf32> to vector<16xf32>
    tpu.vector_store %arg8[%swap3A_310], %swap3A_313 {strides = array<i32>} : memref<512xf32, #tpu.memory_space<vmem>>, vector<16xf32>,
    %mul3A_314 = arith.mulf %while3A_294#3, %div3A_299 : vector<16xf32>
    %swap3A_315 = arith.constant 48 : index
    %swap3A_316 = tpu.vector_load %arg8[%swap3A_315] {strides = array<i32>} : memref<512xf32, #tpu.memory_space<vmem>>, vector<16xf32>,
    %swap3A_317 = vector.shape_cast %swap3A_316 : vector<16xf32> to vector<16xf32>
    %swap3A_318 = vector.shape_cast %mul3A_314 : vector<16xf32> to vector<16xf32>
    tpu.vector_store %arg8[%swap3A_315], %swap3A_318 {strides = array<i32>} : memref<512xf32, #tpu.memory_space<vmem>>, vector<16xf32>,
    %mul3A_319 = arith.mulf %while3A_294#4, %div3A_299 : vector<16xf32>
    %swap3A_320 = arith.constant 64 : index
    %swap3A_321 = tpu.vector_load %arg8[%swap3A_320] {strides = array<i32>} : memref<512xf32, #tpu.memory_space<vmem>>, vector<16xf32>,
    %swap3A_322 = vector.shape_cast %swap3A_321 : vector<16xf32> to vector<16xf32>
    %swap3A_323 = vector.shape_cast %mul3A_319 : vector<16xf32> to vector<16xf32>
    tpu.vector_store %arg8[%swap3A_320], %swap3A_323 {strides = array<i32>} : memref<512xf32, #tpu.memory_space<vmem>>, vector<16xf32>,
    %mul3A_324 = arith.mulf %while3A_294#5, %div3A_299 : vector<16xf32>
    %swap3A_325 = arith.constant 80 : index
    %swap3A_326 = tpu.vector_load %arg8[%swap3A_325] {strides = array<i32>} : memref<512xf32, #tpu.memory_space<vmem>>, vector<16xf32>,
    %swap3A_327 = vector.shape_cast %swap3A_326 : vector<16xf32> to vector<16xf32>
    %swap3A_328 = vector.shape_cast %mul3A_324 : vector<16xf32> to vector<16xf32>
    tpu.vector_store %arg8[%swap3A_325], %swap3A_328 {strides = array<i32>} : memref<512xf32, #tpu.memory_space<vmem>>, vector<16xf32>,
    %mul3A_329 = arith.mulf %while3A_294#6, %div3A_299 : vector<16xf32>
    %swap3A_330 = arith.constant 96 : index
    %swap3A_331 = tpu.vector_load %arg8[%swap3A_330] {strides = array<i32>} : memref<512xf32, #tpu.memory_space<vmem>>, vector<16xf32>,
    %swap3A_332 = vector.shape_cast %swap3A_331 : vector<16xf32> to vector<16xf32>
    %swap3A_333 = vector.shape_cast %mul3A_329 : vector<16xf32> to vector<16xf32>
    tpu.vector_store %arg8[%swap3A_330], %swap3A_333 {strides = array<i32>} : memref<512xf32, #tpu.memory_space<vmem>>, vector<16xf32>,
    %mul3A_334 = arith.mulf %while3A_294#7, %div3A_299 : vector<16xf32>
    %swap3A_335 = arith.constant 112 : index
    %swap3A_336 = tpu.vector_load %arg8[%swap3A_335] {strides = array<i32>} : memref<512xf32, #tpu.memory_space<vmem>>, vector<16xf32>,
    %swap3A_337 = vector.shape_cast %swap3A_336 : vector<16xf32> to vector<16xf32>
    %swap3A_338 = vector.shape_cast %mul3A_334 : vector<16xf32> to vector<16xf32>
    tpu.vector_store %arg8[%swap3A_335], %swap3A_338 {strides = array<i32>} : memref<512xf32, #tpu.memory_space<vmem>>, vector<16xf32>,
    %mul3A_339 = arith.mulf %while3A_294#8, %div3A_299 : vector<16xf32>
    %swap3A_340 = arith.constant 128 : index
    %swap3A_341 = tpu.vector_load %arg8[%swap3A_340] {strides = array<i32>} : memref<512xf32, #tpu.memory_space<vmem>>, vector<16xf32>,
    %swap3A_342 = vector.shape_cast %swap3A_341 : vector<16xf32> to vector<16xf32>
    %swap3A_343 = vector.shape_cast %mul3A_339 : vector<16xf32> to vector<16xf32>
    tpu.vector_store %arg8[%swap3A_340], %swap3A_343 {strides = array<i32>} : memref<512xf32, #tpu.memory_space<vmem>>, vector<16xf32>,
    %mul3A_344 = arith.mulf %while3A_294#9, %div3A_299 : vector<16xf32>
    %swap3A_345 = arith.constant 144 : index
    %swap3A_346 = tpu.vector_load %arg8[%swap3A_345] {strides = array<i32>} : memref<512xf32, #tpu.memory_space<vmem>>, vector<16xf32>,
    %swap3A_347 = vector.shape_cast %swap3A_346 : vector<16xf32> to vector<16xf32>
    %swap3A_348 = vector.shape_cast %mul3A_344 : vector<16xf32> to vector<16xf32>
    tpu.vector_store %arg8[%swap3A_345], %swap3A_348 {strides = array<i32>} : memref<512xf32, #tpu.memory_space<vmem>>, vector<16xf32>,
    %mul3A_349 = arith.mulf %while3A_294#10, %div3A_299 : vector<16xf32>
    %swap3A_350 = arith.constant 160 : index
    %swap3A_351 = tpu.vector_load %arg8[%swap3A_350] {strides = array<i32>} : memref<512xf32, #tpu.memory_space<vmem>>, vector<16xf32>,
    %swap3A_352 = vector.shape_cast %swap3A_351 : vector<16xf32> to vector<16xf32>
    %swap3A_353 = vector.shape_cast %mul3A_349 : vector<16xf32> to vector<16xf32>
    tpu.vector_store %arg8[%swap3A_350], %swap3A_353 {strides = array<i32>} : memref<512xf32, #tpu.memory_space<vmem>>, vector<16xf32>,
    %mul3A_354 = arith.mulf %while3A_294#11, %div3A_299 : vector<16xf32>
    %swap3A_355 = arith.constant 176 : index
    %swap3A_356 = tpu.vector_load %arg8[%swap3A_355] {strides = array<i32>} : memref<512xf32, #tpu.memory_space<vmem>>, vector<16xf32>,
    %swap3A_357 = vector.shape_cast %swap3A_356 : vector<16xf32> to vector<16xf32>
    %swap3A_358 = vector.shape_cast %mul3A_354 : vector<16xf32> to vector<16xf32>
    tpu.vector_store %arg8[%swap3A_355], %swap3A_358 {strides = array<i32>} : memref<512xf32, #tpu.memory_space<vmem>>, vector<16xf32>,
    %mul3A_359 = arith.mulf %while3A_294#12, %div3A_299 : vector<16xf32>
    %swap3A_360 = arith.constant 192 : index
    %swap3A_361 = tpu.vector_load %arg8[%swap3A_360] {strides = array<i32>} : memref<512xf32, #tpu.memory_space<vmem>>, vector<16xf32>,
    %swap3A_362 = vector.shape_cast %swap3A_361 : vector<16xf32> to vector<16xf32>
    %swap3A_363 = vector.shape_cast %mul3A_359 : vector<16xf32> to vector<16xf32>
    tpu.vector_store %arg8[%swap3A_360], %swap3A_363 {strides = array<i32>} : memref<512xf32, #tpu.memory_space<vmem>>, vector<16xf32>,
    %mul3A_364 = arith.mulf %while3A_294#13, %div3A_299 : vector<16xf32>
    %swap3A_365 = arith.constant 208 : index
    %swap3A_366 = tpu.vector_load %arg8[%swap3A_365] {strides = array<i32>} : memref<512xf32, #tpu.memory_space<vmem>>, vector<16xf32>,
    %swap3A_367 = vector.shape_cast %swap3A_366 : vector<16xf32> to vector<16xf32>
    %swap3A_368 = vector.shape_cast %mul3A_364 : vector<16xf32> to vector<16xf32>
    tpu.vector_store %arg8[%swap3A_365], %swap3A_368 {strides = array<i32>} : memref<512xf32, #tpu.memory_space<vmem>>, vector<16xf32>,
    %mul3A_369 = arith.mulf %while3A_294#14, %div3A_299 : vector<16xf32>
    %swap3A_370 = arith.constant 224 : index
    %swap3A_371 = tpu.vector_load %arg8[%swap3A_370] {strides = array<i32>} : memref<512xf32, #tpu.memory_space<vmem>>, vector<16xf32>,
    %swap3A_372 = vector.shape_cast %swap3A_371 : vector<16xf32> to vector<16xf32>
    %swap3A_373 = vector.shape_cast %mul3A_369 : vector<16xf32> to vector<16xf32>
    tpu.vector_store %arg8[%swap3A_370], %swap3A_373 {strides = array<i32>} : memref<512xf32, #tpu.memory_space<vmem>>, vector<16xf32>,
    %mul3A_374 = arith.mulf %while3A_294#15, %div3A_299 : vector<16xf32>
    %swap3A_375 = arith.constant 240 : index
    %swap3A_376 = tpu.vector_load %arg8[%swap3A_375] {strides = array<i32>} : memref<512xf32, #tpu.memory_space<vmem>>, vector<16xf32>,
    %swap3A_377 = vector.shape_cast %swap3A_376 : vector<16xf32> to vector<16xf32>
    %swap3A_378 = vector.shape_cast %mul3A_374 : vector<16xf32> to vector<16xf32>
    tpu.vector_store %arg8[%swap3A_375], %swap3A_378 {strides = array<i32>} : memref<512xf32, #tpu.memory_space<vmem>>, vector<16xf32>,
    %mul3A_379 = arith.mulf %while3A_294#16, %div3A_299 : vector<16xf32>
    %swap3A_380 = arith.constant 256 : index
    %swap3A_381 = tpu.vector_load %arg8[%swap3A_380] {strides = array<i32>} : memref<512xf32, #tpu.memory_space<vmem>>, vector<16xf32>,
    %swap3A_382 = vector.shape_cast %swap3A_381 : vector<16xf32> to vector<16xf32>
    %swap3A_383 = vector.shape_cast %mul3A_379 : vector<16xf32> to vector<16xf32>
    tpu.vector_store %arg8[%swap3A_380], %swap3A_383 {strides = array<i32>} : memref<512xf32, #tpu.memory_space<vmem>>, vector<16xf32>,
    %mul3A_384 = arith.mulf %while3A_294#17, %div3A_299 : vector<16xf32>
    %swap3A_385 = arith.constant 272 : index
    %swap3A_386 = tpu.vector_load %arg8[%swap3A_385] {strides = array<i32>} : memref<512xf32, #tpu.memory_space<vmem>>, vector<16xf32>,
    %swap3A_387 = vector.shape_cast %swap3A_386 : vector<16xf32> to vector<16xf32>
    %swap3A_388 = vector.shape_cast %mul3A_384 : vector<16xf32> to vector<16xf32>
    tpu.vector_store %arg8[%swap3A_385], %swap3A_388 {strides = array<i32>} : memref<512xf32, #tpu.memory_space<vmem>>, vector<16xf32>,
    %mul3A_389 = arith.mulf %while3A_294#18, %div3A_299 : vector<16xf32>
    %swap3A_390 = arith.constant 288 : index
    %swap3A_391 = tpu.vector_load %arg8[%swap3A_390] {strides = array<i32>} : memref<512xf32, #tpu.memory_space<vmem>>, vector<16xf32>,
    %swap3A_392 = vector.shape_cast %swap3A_391 : vector<16xf32> to vector<16xf32>
    %swap3A_393 = vector.shape_cast %mul3A_389 : vector<16xf32> to vector<16xf32>
    tpu.vector_store %arg8[%swap3A_390], %swap3A_393 {strides = array<i32>} : memref<512xf32, #tpu.memory_space<vmem>>, vector<16xf32>,
    %mul3A_394 = arith.mulf %while3A_294#19, %div3A_299 : vector<16xf32>
    %swap3A_395 = arith.constant 304 : index
    %swap3A_396 = tpu.vector_load %arg8[%swap3A_395] {strides = array<i32>} : memref<512xf32, #tpu.memory_space<vmem>>, vector<16xf32>,
    %swap3A_397 = vector.shape_cast %swap3A_396 : vector<16xf32> to vector<16xf32>
    %swap3A_398 = vector.shape_cast %mul3A_394 : vector<16xf32> to vector<16xf32>
    tpu.vector_store %arg8[%swap3A_395], %swap3A_398 {strides = array<i32>} : memref<512xf32, #tpu.memory_space<vmem>>, vector<16xf32>,
    %mul3A_399 = arith.mulf %while3A_294#20, %div3A_299 : vector<16xf32>
    %swap3A_400 = arith.constant 320 : index
    %swap3A_401 = tpu.vector_load %arg8[%swap3A_400] {strides = array<i32>} : memref<512xf32, #tpu.memory_space<vmem>>, vector<16xf32>,
    %swap3A_402 = vector.shape_cast %swap3A_401 : vector<16xf32> to vector<16xf32>
    %swap3A_403 = vector.shape_cast %mul3A_399 : vector<16xf32> to vector<16xf32>
    tpu.vector_store %arg8[%swap3A_400], %swap3A_403 {strides = array<i32>} : memref<512xf32, #tpu.memory_space<vmem>>, vector<16xf32>,
    %mul3A_404 = arith.mulf %while3A_294#21, %div3A_299 : vector<16xf32>
    %swap3A_405 = arith.constant 336 : index
    %swap3A_406 = tpu.vector_load %arg8[%swap3A_405] {strides = array<i32>} : memref<512xf32, #tpu.memory_space<vmem>>, vector<16xf32>,
    %swap3A_407 = vector.shape_cast %swap3A_406 : vector<16xf32> to vector<16xf32>
    %swap3A_408 = vector.shape_cast %mul3A_404 : vector<16xf32> to vector<16xf32>
    tpu.vector_store %arg8[%swap3A_405], %swap3A_408 {strides = array<i32>} : memref<512xf32, #tpu.memory_space<vmem>>, vector<16xf32>,
    %mul3A_409 = arith.mulf %while3A_294#22, %div3A_299 : vector<16xf32>
    %swap3A_410 = arith.constant 352 : index
    %swap3A_411 = tpu.vector_load %arg8[%swap3A_410] {strides = array<i32>} : memref<512xf32, #tpu.memory_space<vmem>>, vector<16xf32>,
    %swap3A_412 = vector.shape_cast %swap3A_411 : vector<16xf32> to vector<16xf32>
    %swap3A_413 = vector.shape_cast %mul3A_409 : vector<16xf32> to vector<16xf32>
    tpu.vector_store %arg8[%swap3A_410], %swap3A_413 {strides = array<i32>} : memref<512xf32, #tpu.memory_space<vmem>>, vector<16xf32>,
    %mul3A_414 = arith.mulf %while3A_294#23, %div3A_299 : vector<16xf32>
    %swap3A_415 = arith.constant 368 : index
    %swap3A_416 = tpu.vector_load %arg8[%swap3A_415] {strides = array<i32>} : memref<512xf32, #tpu.memory_space<vmem>>, vector<16xf32>,
    %swap3A_417 = vector.shape_cast %swap3A_416 : vector<16xf32> to vector<16xf32>
    %swap3A_418 = vector.shape_cast %mul3A_414 : vector<16xf32> to vector<16xf32>
    tpu.vector_store %arg8[%swap3A_415], %swap3A_418 {strides = array<i32>} : memref<512xf32, #tpu.memory_space<vmem>>, vector<16xf32>,
    %mul3A_419 = arith.mulf %while3A_294#24, %div3A_299 : vector<16xf32>
    %swap3A_420 = arith.constant 384 : index
    %swap3A_421 = tpu.vector_load %arg8[%swap3A_420] {strides = array<i32>} : memref<512xf32, #tpu.memory_space<vmem>>, vector<16xf32>,
    %swap3A_422 = vector.shape_cast %swap3A_421 : vector<16xf32> to vector<16xf32>
    %swap3A_423 = vector.shape_cast %mul3A_419 : vector<16xf32> to vector<16xf32>
    tpu.vector_store %arg8[%swap3A_420], %swap3A_423 {strides = array<i32>} : memref<512xf32, #tpu.memory_space<vmem>>, vector<16xf32>,
    %mul3A_424 = arith.mulf %while3A_294#25, %div3A_299 : vector<16xf32>
    %swap3A_425 = arith.constant 400 : index
    %swap3A_426 = tpu.vector_load %arg8[%swap3A_425] {strides = array<i32>} : memref<512xf32, #tpu.memory_space<vmem>>, vector<16xf32>,
    %swap3A_427 = vector.shape_cast %swap3A_426 : vector<16xf32> to vector<16xf32>
    %swap3A_428 = vector.shape_cast %mul3A_424 : vector<16xf32> to vector<16xf32>
    tpu.vector_store %arg8[%swap3A_425], %swap3A_428 {strides = array<i32>} : memref<512xf32, #tpu.memory_space<vmem>>, vector<16xf32>,
    %mul3A_429 = arith.mulf %while3A_294#26, %div3A_299 : vector<16xf32>
    %swap3A_430 = arith.constant 416 : index
    %swap3A_431 = tpu.vector_load %arg8[%swap3A_430] {strides = array<i32>} : memref<512xf32, #tpu.memory_space<vmem>>, vector<16xf32>,
    %swap3A_432 = vector.shape_cast %swap3A_431 : vector<16xf32> to vector<16xf32>
    %swap3A_433 = vector.shape_cast %mul3A_429 : vector<16xf32> to vector<16xf32>
    tpu.vector_store %arg8[%swap3A_430], %swap3A_433 {strides = array<i32>} : memref<512xf32, #tpu.memory_space<vmem>>, vector<16xf32>,
    %mul3A_434 = arith.mulf %while3A_294#27, %div3A_299 : vector<16xf32>
    %swap3A_435 = arith.constant 432 : index
    %swap3A_436 = tpu.vector_load %arg8[%swap3A_435] {strides = array<i32>} : memref<512xf32, #tpu.memory_space<vmem>>, vector<16xf32>,
    %swap3A_437 = vector.shape_cast %swap3A_436 : vector<16xf32> to vector<16xf32>
    %swap3A_438 = vector.shape_cast %mul3A_434 : vector<16xf32> to vector<16xf32>
    tpu.vector_store %arg8[%swap3A_435], %swap3A_438 {strides = array<i32>} : memref<512xf32, #tpu.memory_space<vmem>>, vector<16xf32>,
    %mul3A_439 = arith.mulf %while3A_294#28, %div3A_299 : vector<16xf32>
    %swap3A_440 = arith.constant 448 : index
    %swap3A_441 = tpu.vector_load %arg8[%swap3A_440] {strides = array<i32>} : memref<512xf32, #tpu.memory_space<vmem>>, vector<16xf32>,
    %swap3A_442 = vector.shape_cast %swap3A_441 : vector<16xf32> to vector<16xf32>
    %swap3A_443 = vector.shape_cast %mul3A_439 : vector<16xf32> to vector<16xf32>
    tpu.vector_store %arg8[%swap3A_440], %swap3A_443 {strides = array<i32>} : memref<512xf32, #tpu.memory_space<vmem>>, vector<16xf32>,
    %mul3A_444 = arith.mulf %while3A_294#29, %div3A_299 : vector<16xf32>
    %swap3A_445 = arith.constant 464 : index
    %swap3A_446 = tpu.vector_load %arg8[%swap3A_445] {strides = array<i32>} : memref<512xf32, #tpu.memory_space<vmem>>, vector<16xf32>,
    %swap3A_447 = vector.shape_cast %swap3A_446 : vector<16xf32> to vector<16xf32>
    %swap3A_448 = vector.shape_cast %mul3A_444 : vector<16xf32> to vector<16xf32>
    tpu.vector_store %arg8[%swap3A_445], %swap3A_448 {strides = array<i32>} : memref<512xf32, #tpu.memory_space<vmem>>, vector<16xf32>,
    %mul3A_449 = arith.mulf %while3A_294#30, %div3A_299 : vector<16xf32>
    %swap3A_450 = arith.constant 480 : index
    %swap3A_451 = tpu.vector_load %arg8[%swap3A_450] {strides = array<i32>} : memref<512xf32, #tpu.memory_space<vmem>>, vector<16xf32>,
    %swap3A_452 = vector.shape_cast %swap3A_451 : vector<16xf32> to vector<16xf32>
    %swap3A_453 = vector.shape_cast %mul3A_449 : vector<16xf32> to vector<16xf32>
    tpu.vector_store %arg8[%swap3A_450], %swap3A_453 {strides = array<i32>} : memref<512xf32, #tpu.memory_space<vmem>>, vector<16xf32>,
    %mul3A_454 = arith.mulf %while3A_294#31, %div3A_299 : vector<16xf32>
    %swap3A_455 = arith.constant 496 : index
    %swap3A_456 = tpu.vector_load %arg8[%swap3A_455] {strides = array<i32>} : memref<512xf32, #tpu.memory_space<vmem>>, vector<16xf32>,
    %swap3A_457 = vector.shape_cast %swap3A_456 : vector<16xf32> to vector<16xf32>
    %swap3A_458 = vector.shape_cast %mul3A_454 : vector<16xf32> to vector<16xf32>
    tpu.vector_store %arg8[%swap3A_455], %swap3A_458 {strides = array<i32>} : memref<512xf32, #tpu.memory_space<vmem>>, vector<16xf32>,
    "tpu.region"() ({
      %run_scoped3A = tpu.sem_alloc : memref<!tpu.dma_semaphore, #tpu.memory_space<semaphore_mem>>
      %dma_start3A = tpu.memref_slice %arg4[%add3A, %mul3A_32] : memref<16x1024xf32, #tpu.memory_space<hbm>> -> memref<1x512xf32, #tpu.memory_space<hbm>>
      %dma_start3A_459 = tpu.memref_squeeze %dma_start3A : memref<1x512xf32, #tpu.memory_space<hbm>> -> memref<512xf32, #tpu.memory_space<hbm>>
      %dma_start3A_460 = tpu.memref_slice %arg4[%add3A, %mul3A_32] : memref<16x1024xf32, #tpu.memory_space<hbm>> -> memref<1x512xf32, #tpu.memory_space<hbm>>
      %dma_start3A_461 = tpu.memref_squeeze %dma_start3A_460 : memref<1x512xf32, #tpu.memory_space<hbm>> -> memref<512xf32, #tpu.memory_space<hbm>>
      tpu.enqueue_dma source(%arg8 : memref<512xf32, #tpu.memory_space<vmem>>) target(%dma_start3A_461 : memref<512xf32, #tpu.memory_space<hbm>>) target_semaphore(%run_scoped3A : memref<!tpu.dma_semaphore, #tpu.memory_space<semaphore_mem>>)
      %dma_wait3A = tpu.memref_slice %arg4[%add3A, %mul3A_32] : memref<16x1024xf32, #tpu.memory_space<hbm>> -> memref<1x512xf32, #tpu.memory_space<hbm>>
      %dma_wait3A_462 = tpu.memref_squeeze %dma_wait3A : memref<1x512xf32, #tpu.memory_space<hbm>> -> memref<512xf32, #tpu.memory_space<hbm>>
      %dma_wait3A_463 = tpu.memref_slice %arg4[%add3A, %mul3A_32] : memref<16x1024xf32, #tpu.memory_space<hbm>> -> memref<1x512xf32, #tpu.memory_space<hbm>>
      %dma_wait3A_464 = tpu.memref_squeeze %dma_wait3A_463 : memref<1x512xf32, #tpu.memory_space<hbm>> -> memref<512xf32, #tpu.memory_space<hbm>>
      tpu.wait_dma2 semaphore(%run_scoped3A : memref<!tpu.dma_semaphore, #tpu.memory_space<semaphore_mem>>) src(%arg8 : memref<512xf32, #tpu.memory_space<vmem>>) dst(%dma_wait3A_464 : memref<512xf32, #tpu.memory_space<hbm>>)
      tpu.yield
    }) : () -> ()
    return
  }
}

module attributes {stable_mosaic.version = 14 : i64} {
  func.func @_tc_body(%arg0: i32, %arg1: memref<16xi32, #tpu.memory_space<smem>>, %arg2: memref<64xi32, #tpu.memory_space<smem>>, %arg3: memref<64xi32, #tpu.memory_space<smem>>, %arg4: memref<16x2048x1024xf32, #tpu.memory_space<any>>, %arg5: memref<16x8x1024xf32, #tpu.memory_space<vmem>>, %arg6: memref<1xi32, #tpu.memory_space<smem>>) attributes {dimension_semantics = [#tpu.dimension_semantics<arbitrary>], iteration_bounds = array<i64: 1>, scalar_prefetch = 3 : i64, scratch_operands = 1 : i64, tpu.core_type = #tpu.core_type<tc>, window_params = [{}, {pipeline_mode = #tpu.pipeline_mode<synchronous>, transform_indices = @transform_1, window_bounds = array<i64: 16, 8, 1024>}]} {
    %swap3A = arith.constant 0 : i32
    %swap3A_0 = arith.constant 0 : index
    %swap3A_1 = memref.load %arg6[%swap3A_0] : memref<1xi32, #tpu.memory_space<smem>>
    memref.store %swap3A, %arg6[%swap3A_0] : memref<1xi32, #tpu.memory_space<smem>>
    %broadcast_in_dim3A = arith.constant 0.000000e+00 : f32
    %broadcast_in_dim3A_2 = vector.broadcast %broadcast_in_dim3A : f32 to vector<16x8x1024xf32>
    %swap3A_3 = arith.constant 0 : index
    %swap3A_4 = arith.constant 0 : index
    %swap3A_5 = arith.constant 0 : index
    %swap3A_6 = vector.load %arg5[%swap3A_3, %swap3A_4, %swap3A_5] : memref<16x8x1024xf32, #tpu.memory_space<vmem>>, vector<16x8x1024xf32>
    tpu.vector_store %arg5[%swap3A_3, %swap3A_4, %swap3A_5], %broadcast_in_dim3A_2 {strides = array<i32>} : memref<16x8x1024xf32, #tpu.memory_space<vmem>>, vector<16x8x1024xf32>,
    %get3A = arith.constant 0 : index
    %get3A_7 = memref.load %arg1[%get3A] : memref<16xi32, #tpu.memory_space<smem>>
    %jit3A = arith.constant 512 : i32
    %div3A = arith.divsi %get3A_7, %jit3A : i32
    %sign3A = arith.constant 0 : i32
    %sign3A_8 = arith.cmpi sgt, %get3A_7, %sign3A : i32
    %sign3A_9 = arith.extui %sign3A_8 : i1 to i32
    %sign3A_10 = arith.constant 0 : i32
    %sign3A_11 = arith.cmpi slt, %get3A_7, %sign3A_10 : i32
    %sign3A_12 = arith.extui %sign3A_11 : i1 to i32
    %sign3A_13 = arith.subi %sign3A_9, %sign3A_12 : i32
    %sign3A_14 = arith.constant 0 : i32
    %sign3A_15 = arith.cmpi sgt, %jit3A, %sign3A_14 : i32
    %sign3A_16 = arith.extui %sign3A_15 : i1 to i32
    %sign3A_17 = arith.constant 0 : i32
    %sign3A_18 = arith.cmpi slt, %jit3A, %sign3A_17 : i32
    %sign3A_19 = arith.extui %sign3A_18 : i1 to i32
    %sign3A_20 = arith.subi %sign3A_16, %sign3A_19 : i32
    %ne3A = arith.cmpi ne, %sign3A_13, %sign3A_20 : i32
    %rem3A = arith.remsi %get3A_7, %jit3A : i32
    %ne3A_21 = arith.constant 0 : i32
    %ne3A_22 = arith.cmpi ne, %rem3A, %ne3A_21 : i32
    %and3A = arith.andi %ne3A, %ne3A_22 : i1
    %sub3A = arith.constant 1 : i32
    %sub3A_23 = arith.subi %div3A, %sub3A : i32
    %select_n3A = arith.select %and3A, %sub3A_23, %div3A : i32
    %get3A_24 = arith.constant 1 : index
    %get3A_25 = memref.load %arg1[%get3A_24] : memref<16xi32, #tpu.memory_space<smem>>
    %jit3A_26 = arith.constant 512 : i32
    %div3A_27 = arith.divsi %get3A_25, %jit3A_26 : i32
    %sign3A_28 = arith.constant 0 : i32
    %sign3A_29 = arith.cmpi sgt, %get3A_25, %sign3A_28 : i32
    %sign3A_30 = arith.extui %sign3A_29 : i1 to i32
    %sign3A_31 = arith.constant 0 : i32
    %sign3A_32 = arith.cmpi slt, %get3A_25, %sign3A_31 : i32
    %sign3A_33 = arith.extui %sign3A_32 : i1 to i32
    %sign3A_34 = arith.subi %sign3A_30, %sign3A_33 : i32
    %sign3A_35 = arith.constant 0 : i32
    %sign3A_36 = arith.cmpi sgt, %jit3A_26, %sign3A_35 : i32
    %sign3A_37 = arith.extui %sign3A_36 : i1 to i32
    %sign3A_38 = arith.constant 0 : i32
    %sign3A_39 = arith.cmpi slt, %jit3A_26, %sign3A_38 : i32
    %sign3A_40 = arith.extui %sign3A_39 : i1 to i32
    %sign3A_41 = arith.subi %sign3A_37, %sign3A_40 : i32
    %ne3A_42 = arith.cmpi ne, %sign3A_34, %sign3A_41 : i32
    %rem3A_43 = arith.remsi %get3A_25, %jit3A_26 : i32
    %ne3A_44 = arith.constant 0 : i32
    %ne3A_45 = arith.cmpi ne, %rem3A_43, %ne3A_44 : i32
    %and3A_46 = arith.andi %ne3A_42, %ne3A_45 : i1
    %sub3A_47 = arith.constant 1 : i32
    %sub3A_48 = arith.subi %div3A_27, %sub3A_47 : i32
    %select_n3A_49 = arith.select %and3A_46, %sub3A_48, %div3A_27 : i32
    %add3A = arith.addi %select_n3A, %select_n3A_49 : i32
    %get3A_50 = arith.constant 2 : index
    %get3A_51 = memref.load %arg1[%get3A_50] : memref<16xi32, #tpu.memory_space<smem>>
    %jit3A_52 = arith.constant 512 : i32
    %div3A_53 = arith.divsi %get3A_51, %jit3A_52 : i32
    %sign3A_54 = arith.constant 0 : i32
    %sign3A_55 = arith.cmpi sgt, %get3A_51, %sign3A_54 : i32
    %sign3A_56 = arith.extui %sign3A_55 : i1 to i32
    %sign3A_57 = arith.constant 0 : i32
    %sign3A_58 = arith.cmpi slt, %get3A_51, %sign3A_57 : i32
    %sign3A_59 = arith.extui %sign3A_58 : i1 to i32
    %sign3A_60 = arith.subi %sign3A_56, %sign3A_59 : i32
    %sign3A_61 = arith.constant 0 : i32
    %sign3A_62 = arith.cmpi sgt, %jit3A_52, %sign3A_61 : i32
    %sign3A_63 = arith.extui %sign3A_62 : i1 to i32
    %sign3A_64 = arith.constant 0 : i32
    %sign3A_65 = arith.cmpi slt, %jit3A_52, %sign3A_64 : i32
    %sign3A_66 = arith.extui %sign3A_65 : i1 to i32
    %sign3A_67 = arith.subi %sign3A_63, %sign3A_66 : i32
    %ne3A_68 = arith.cmpi ne, %sign3A_60, %sign3A_67 : i32
    %rem3A_69 = arith.remsi %get3A_51, %jit3A_52 : i32
    %ne3A_70 = arith.constant 0 : i32
    %ne3A_71 = arith.cmpi ne, %rem3A_69, %ne3A_70 : i32
    %and3A_72 = arith.andi %ne3A_68, %ne3A_71 : i1
    %sub3A_73 = arith.constant 1 : i32
    %sub3A_74 = arith.subi %div3A_53, %sub3A_73 : i32
    %select_n3A_75 = arith.select %and3A_72, %sub3A_74, %div3A_53 : i32
    %add3A_76 = arith.addi %add3A, %select_n3A_75 : i32
    %get3A_77 = arith.constant 3 : index
    %get3A_78 = memref.load %arg1[%get3A_77] : memref<16xi32, #tpu.memory_space<smem>>
    %jit3A_79 = arith.constant 512 : i32
    %div3A_80 = arith.divsi %get3A_78, %jit3A_79 : i32
    %sign3A_81 = arith.constant 0 : i32
    %sign3A_82 = arith.cmpi sgt, %get3A_78, %sign3A_81 : i32
    %sign3A_83 = arith.extui %sign3A_82 : i1 to i32
    %sign3A_84 = arith.constant 0 : i32
    %sign3A_85 = arith.cmpi slt, %get3A_78, %sign3A_84 : i32
    %sign3A_86 = arith.extui %sign3A_85 : i1 to i32
    %sign3A_87 = arith.subi %sign3A_83, %sign3A_86 : i32
    %sign3A_88 = arith.constant 0 : i32
    %sign3A_89 = arith.cmpi sgt, %jit3A_79, %sign3A_88 : i32
    %sign3A_90 = arith.extui %sign3A_89 : i1 to i32
    %sign3A_91 = arith.constant 0 : i32
    %sign3A_92 = arith.cmpi slt, %jit3A_79, %sign3A_91 : i32
    %sign3A_93 = arith.extui %sign3A_92 : i1 to i32
    %sign3A_94 = arith.subi %sign3A_90, %sign3A_93 : i32
    %ne3A_95 = arith.cmpi ne, %sign3A_87, %sign3A_94 : i32
    %rem3A_96 = arith.remsi %get3A_78, %jit3A_79 : i32
    %ne3A_97 = arith.constant 0 : i32
    %ne3A_98 = arith.cmpi ne, %rem3A_96, %ne3A_97 : i32
    %and3A_99 = arith.andi %ne3A_95, %ne3A_98 : i1
    %sub3A_100 = arith.constant 1 : i32
    %sub3A_101 = arith.subi %div3A_80, %sub3A_100 : i32
    %select_n3A_102 = arith.select %and3A_99, %sub3A_101, %div3A_80 : i32
    %add3A_103 = arith.addi %add3A_76, %select_n3A_102 : i32
    %get3A_104 = arith.constant 4 : index
    %get3A_105 = memref.load %arg1[%get3A_104] : memref<16xi32, #tpu.memory_space<smem>>
    %jit3A_106 = arith.constant 512 : i32
    %div3A_107 = arith.divsi %get3A_105, %jit3A_106 : i32
    %sign3A_108 = arith.constant 0 : i32
    %sign3A_109 = arith.cmpi sgt, %get3A_105, %sign3A_108 : i32
    %sign3A_110 = arith.extui %sign3A_109 : i1 to i32
    %sign3A_111 = arith.constant 0 : i32
    %sign3A_112 = arith.cmpi slt, %get3A_105, %sign3A_111 : i32
    %sign3A_113 = arith.extui %sign3A_112 : i1 to i32
    %sign3A_114 = arith.subi %sign3A_110, %sign3A_113 : i32
    %sign3A_115 = arith.constant 0 : i32
    %sign3A_116 = arith.cmpi sgt, %jit3A_106, %sign3A_115 : i32
    %sign3A_117 = arith.extui %sign3A_116 : i1 to i32
    %sign3A_118 = arith.constant 0 : i32
    %sign3A_119 = arith.cmpi slt, %jit3A_106, %sign3A_118 : i32
    %sign3A_120 = arith.extui %sign3A_119 : i1 to i32
    %sign3A_121 = arith.subi %sign3A_117, %sign3A_120 : i32
    %ne3A_122 = arith.cmpi ne, %sign3A_114, %sign3A_121 : i32
    %rem3A_123 = arith.remsi %get3A_105, %jit3A_106 : i32
    %ne3A_124 = arith.constant 0 : i32
    %ne3A_125 = arith.cmpi ne, %rem3A_123, %ne3A_124 : i32
    %and3A_126 = arith.andi %ne3A_122, %ne3A_125 : i1
    %sub3A_127 = arith.constant 1 : i32
    %sub3A_128 = arith.subi %div3A_107, %sub3A_127 : i32
    %select_n3A_129 = arith.select %and3A_126, %sub3A_128, %div3A_107 : i32
    %add3A_130 = arith.addi %add3A_103, %select_n3A_129 : i32
    %get3A_131 = arith.constant 5 : index
    %get3A_132 = memref.load %arg1[%get3A_131] : memref<16xi32, #tpu.memory_space<smem>>
    %jit3A_133 = arith.constant 512 : i32
    %div3A_134 = arith.divsi %get3A_132, %jit3A_133 : i32
    %sign3A_135 = arith.constant 0 : i32
    %sign3A_136 = arith.cmpi sgt, %get3A_132, %sign3A_135 : i32
    %sign3A_137 = arith.extui %sign3A_136 : i1 to i32
    %sign3A_138 = arith.constant 0 : i32
    %sign3A_139 = arith.cmpi slt, %get3A_132, %sign3A_138 : i32
    %sign3A_140 = arith.extui %sign3A_139 : i1 to i32
    %sign3A_141 = arith.subi %sign3A_137, %sign3A_140 : i32
    %sign3A_142 = arith.constant 0 : i32
    %sign3A_143 = arith.cmpi sgt, %jit3A_133, %sign3A_142 : i32
    %sign3A_144 = arith.extui %sign3A_143 : i1 to i32
    %sign3A_145 = arith.constant 0 : i32
    %sign3A_146 = arith.cmpi slt, %jit3A_133, %sign3A_145 : i32
    %sign3A_147 = arith.extui %sign3A_146 : i1 to i32
    %sign3A_148 = arith.subi %sign3A_144, %sign3A_147 : i32
    %ne3A_149 = arith.cmpi ne, %sign3A_141, %sign3A_148 : i32
    %rem3A_150 = arith.remsi %get3A_132, %jit3A_133 : i32
    %ne3A_151 = arith.constant 0 : i32
    %ne3A_152 = arith.cmpi ne, %rem3A_150, %ne3A_151 : i32
    %and3A_153 = arith.andi %ne3A_149, %ne3A_152 : i1
    %sub3A_154 = arith.constant 1 : i32
    %sub3A_155 = arith.subi %div3A_134, %sub3A_154 : i32
    %select_n3A_156 = arith.select %and3A_153, %sub3A_155, %div3A_134 : i32
    %add3A_157 = arith.addi %add3A_130, %select_n3A_156 : i32
    %get3A_158 = arith.constant 6 : index
    %get3A_159 = memref.load %arg1[%get3A_158] : memref<16xi32, #tpu.memory_space<smem>>
    %jit3A_160 = arith.constant 512 : i32
    %div3A_161 = arith.divsi %get3A_159, %jit3A_160 : i32
    %sign3A_162 = arith.constant 0 : i32
    %sign3A_163 = arith.cmpi sgt, %get3A_159, %sign3A_162 : i32
    %sign3A_164 = arith.extui %sign3A_163 : i1 to i32
    %sign3A_165 = arith.constant 0 : i32
    %sign3A_166 = arith.cmpi slt, %get3A_159, %sign3A_165 : i32
    %sign3A_167 = arith.extui %sign3A_166 : i1 to i32
    %sign3A_168 = arith.subi %sign3A_164, %sign3A_167 : i32
    %sign3A_169 = arith.constant 0 : i32
    %sign3A_170 = arith.cmpi sgt, %jit3A_160, %sign3A_169 : i32
    %sign3A_171 = arith.extui %sign3A_170 : i1 to i32
    %sign3A_172 = arith.constant 0 : i32
    %sign3A_173 = arith.cmpi slt, %jit3A_160, %sign3A_172 : i32
    %sign3A_174 = arith.extui %sign3A_173 : i1 to i32
    %sign3A_175 = arith.subi %sign3A_171, %sign3A_174 : i32
    %ne3A_176 = arith.cmpi ne, %sign3A_168, %sign3A_175 : i32
    %rem3A_177 = arith.remsi %get3A_159, %jit3A_160 : i32
    %ne3A_178 = arith.constant 0 : i32
    %ne3A_179 = arith.cmpi ne, %rem3A_177, %ne3A_178 : i32
    %and3A_180 = arith.andi %ne3A_176, %ne3A_179 : i1
    %sub3A_181 = arith.constant 1 : i32
    %sub3A_182 = arith.subi %div3A_161, %sub3A_181 : i32
    %select_n3A_183 = arith.select %and3A_180, %sub3A_182, %div3A_161 : i32
    %add3A_184 = arith.addi %add3A_157, %select_n3A_183 : i32
    %get3A_185 = arith.constant 7 : index
    %get3A_186 = memref.load %arg1[%get3A_185] : memref<16xi32, #tpu.memory_space<smem>>
    %jit3A_187 = arith.constant 512 : i32
    %div3A_188 = arith.divsi %get3A_186, %jit3A_187 : i32
    %sign3A_189 = arith.constant 0 : i32
    %sign3A_190 = arith.cmpi sgt, %get3A_186, %sign3A_189 : i32
    %sign3A_191 = arith.extui %sign3A_190 : i1 to i32
    %sign3A_192 = arith.constant 0 : i32
    %sign3A_193 = arith.cmpi slt, %get3A_186, %sign3A_192 : i32
    %sign3A_194 = arith.extui %sign3A_193 : i1 to i32
    %sign3A_195 = arith.subi %sign3A_191, %sign3A_194 : i32
    %sign3A_196 = arith.constant 0 : i32
    %sign3A_197 = arith.cmpi sgt, %jit3A_187, %sign3A_196 : i32
    %sign3A_198 = arith.extui %sign3A_197 : i1 to i32
    %sign3A_199 = arith.constant 0 : i32
    %sign3A_200 = arith.cmpi slt, %jit3A_187, %sign3A_199 : i32
    %sign3A_201 = arith.extui %sign3A_200 : i1 to i32
    %sign3A_202 = arith.subi %sign3A_198, %sign3A_201 : i32
    %ne3A_203 = arith.cmpi ne, %sign3A_195, %sign3A_202 : i32
    %rem3A_204 = arith.remsi %get3A_186, %jit3A_187 : i32
    %ne3A_205 = arith.constant 0 : i32
    %ne3A_206 = arith.cmpi ne, %rem3A_204, %ne3A_205 : i32
    %and3A_207 = arith.andi %ne3A_203, %ne3A_206 : i1
    %sub3A_208 = arith.constant 1 : i32
    %sub3A_209 = arith.subi %div3A_188, %sub3A_208 : i32
    %select_n3A_210 = arith.select %and3A_207, %sub3A_209, %div3A_188 : i32
    %add3A_211 = arith.addi %add3A_184, %select_n3A_210 : i32
    %get3A_212 = arith.constant 8 : index
    %get3A_213 = memref.load %arg1[%get3A_212] : memref<16xi32, #tpu.memory_space<smem>>
    %jit3A_214 = arith.constant 512 : i32
    %div3A_215 = arith.divsi %get3A_213, %jit3A_214 : i32
    %sign3A_216 = arith.constant 0 : i32
    %sign3A_217 = arith.cmpi sgt, %get3A_213, %sign3A_216 : i32
    %sign3A_218 = arith.extui %sign3A_217 : i1 to i32
    %sign3A_219 = arith.constant 0 : i32
    %sign3A_220 = arith.cmpi slt, %get3A_213, %sign3A_219 : i32
    %sign3A_221 = arith.extui %sign3A_220 : i1 to i32
    %sign3A_222 = arith.subi %sign3A_218, %sign3A_221 : i32
    %sign3A_223 = arith.constant 0 : i32
    %sign3A_224 = arith.cmpi sgt, %jit3A_214, %sign3A_223 : i32
    %sign3A_225 = arith.extui %sign3A_224 : i1 to i32
    %sign3A_226 = arith.constant 0 : i32
    %sign3A_227 = arith.cmpi slt, %jit3A_214, %sign3A_226 : i32
    %sign3A_228 = arith.extui %sign3A_227 : i1 to i32
    %sign3A_229 = arith.subi %sign3A_225, %sign3A_228 : i32
    %ne3A_230 = arith.cmpi ne, %sign3A_222, %sign3A_229 : i32
    %rem3A_231 = arith.remsi %get3A_213, %jit3A_214 : i32
    %ne3A_232 = arith.constant 0 : i32
    %ne3A_233 = arith.cmpi ne, %rem3A_231, %ne3A_232 : i32
    %and3A_234 = arith.andi %ne3A_230, %ne3A_233 : i1
    %sub3A_235 = arith.constant 1 : i32
    %sub3A_236 = arith.subi %div3A_215, %sub3A_235 : i32
    %select_n3A_237 = arith.select %and3A_234, %sub3A_236, %div3A_215 : i32
    %add3A_238 = arith.addi %add3A_211, %select_n3A_237 : i32
    %get3A_239 = arith.constant 9 : index
    %get3A_240 = memref.load %arg1[%get3A_239] : memref<16xi32, #tpu.memory_space<smem>>
    %jit3A_241 = arith.constant 512 : i32
    %div3A_242 = arith.divsi %get3A_240, %jit3A_241 : i32
    %sign3A_243 = arith.constant 0 : i32
    %sign3A_244 = arith.cmpi sgt, %get3A_240, %sign3A_243 : i32
    %sign3A_245 = arith.extui %sign3A_244 : i1 to i32
    %sign3A_246 = arith.constant 0 : i32
    %sign3A_247 = arith.cmpi slt, %get3A_240, %sign3A_246 : i32
    %sign3A_248 = arith.extui %sign3A_247 : i1 to i32
    %sign3A_249 = arith.subi %sign3A_245, %sign3A_248 : i32
    %sign3A_250 = arith.constant 0 : i32
    %sign3A_251 = arith.cmpi sgt, %jit3A_241, %sign3A_250 : i32
    %sign3A_252 = arith.extui %sign3A_251 : i1 to i32
    %sign3A_253 = arith.constant 0 : i32
    %sign3A_254 = arith.cmpi slt, %jit3A_241, %sign3A_253 : i32
    %sign3A_255 = arith.extui %sign3A_254 : i1 to i32
    %sign3A_256 = arith.subi %sign3A_252, %sign3A_255 : i32
    %ne3A_257 = arith.cmpi ne, %sign3A_249, %sign3A_256 : i32
    %rem3A_258 = arith.remsi %get3A_240, %jit3A_241 : i32
    %ne3A_259 = arith.constant 0 : i32
    %ne3A_260 = arith.cmpi ne, %rem3A_258, %ne3A_259 : i32
    %and3A_261 = arith.andi %ne3A_257, %ne3A_260 : i1
    %sub3A_262 = arith.constant 1 : i32
    %sub3A_263 = arith.subi %div3A_242, %sub3A_262 : i32
    %select_n3A_264 = arith.select %and3A_261, %sub3A_263, %div3A_242 : i32
    %add3A_265 = arith.addi %add3A_238, %select_n3A_264 : i32
    %get3A_266 = arith.constant 10 : index
    %get3A_267 = memref.load %arg1[%get3A_266] : memref<16xi32, #tpu.memory_space<smem>>
    %jit3A_268 = arith.constant 512 : i32
    %div3A_269 = arith.divsi %get3A_267, %jit3A_268 : i32
    %sign3A_270 = arith.constant 0 : i32
    %sign3A_271 = arith.cmpi sgt, %get3A_267, %sign3A_270 : i32
    %sign3A_272 = arith.extui %sign3A_271 : i1 to i32
    %sign3A_273 = arith.constant 0 : i32
    %sign3A_274 = arith.cmpi slt, %get3A_267, %sign3A_273 : i32
    %sign3A_275 = arith.extui %sign3A_274 : i1 to i32
    %sign3A_276 = arith.subi %sign3A_272, %sign3A_275 : i32
    %sign3A_277 = arith.constant 0 : i32
    %sign3A_278 = arith.cmpi sgt, %jit3A_268, %sign3A_277 : i32
    %sign3A_279 = arith.extui %sign3A_278 : i1 to i32
    %sign3A_280 = arith.constant 0 : i32
    %sign3A_281 = arith.cmpi slt, %jit3A_268, %sign3A_280 : i32
    %sign3A_282 = arith.extui %sign3A_281 : i1 to i32
    %sign3A_283 = arith.subi %sign3A_279, %sign3A_282 : i32
    %ne3A_284 = arith.cmpi ne, %sign3A_276, %sign3A_283 : i32
    %rem3A_285 = arith.remsi %get3A_267, %jit3A_268 : i32
    %ne3A_286 = arith.constant 0 : i32
    %ne3A_287 = arith.cmpi ne, %rem3A_285, %ne3A_286 : i32
    %and3A_288 = arith.andi %ne3A_284, %ne3A_287 : i1
    %sub3A_289 = arith.constant 1 : i32
    %sub3A_290 = arith.subi %div3A_269, %sub3A_289 : i32
    %select_n3A_291 = arith.select %and3A_288, %sub3A_290, %div3A_269 : i32
    %add3A_292 = arith.addi %add3A_265, %select_n3A_291 : i32
    %get3A_293 = arith.constant 11 : index
    %get3A_294 = memref.load %arg1[%get3A_293] : memref<16xi32, #tpu.memory_space<smem>>
    %jit3A_295 = arith.constant 512 : i32
    %div3A_296 = arith.divsi %get3A_294, %jit3A_295 : i32
    %sign3A_297 = arith.constant 0 : i32
    %sign3A_298 = arith.cmpi sgt, %get3A_294, %sign3A_297 : i32
    %sign3A_299 = arith.extui %sign3A_298 : i1 to i32
    %sign3A_300 = arith.constant 0 : i32
    %sign3A_301 = arith.cmpi slt, %get3A_294, %sign3A_300 : i32
    %sign3A_302 = arith.extui %sign3A_301 : i1 to i32
    %sign3A_303 = arith.subi %sign3A_299, %sign3A_302 : i32
    %sign3A_304 = arith.constant 0 : i32
    %sign3A_305 = arith.cmpi sgt, %jit3A_295, %sign3A_304 : i32
    %sign3A_306 = arith.extui %sign3A_305 : i1 to i32
    %sign3A_307 = arith.constant 0 : i32
    %sign3A_308 = arith.cmpi slt, %jit3A_295, %sign3A_307 : i32
    %sign3A_309 = arith.extui %sign3A_308 : i1 to i32
    %sign3A_310 = arith.subi %sign3A_306, %sign3A_309 : i32
    %ne3A_311 = arith.cmpi ne, %sign3A_303, %sign3A_310 : i32
    %rem3A_312 = arith.remsi %get3A_294, %jit3A_295 : i32
    %ne3A_313 = arith.constant 0 : i32
    %ne3A_314 = arith.cmpi ne, %rem3A_312, %ne3A_313 : i32
    %and3A_315 = arith.andi %ne3A_311, %ne3A_314 : i1
    %sub3A_316 = arith.constant 1 : i32
    %sub3A_317 = arith.subi %div3A_296, %sub3A_316 : i32
    %select_n3A_318 = arith.select %and3A_315, %sub3A_317, %div3A_296 : i32
    %add3A_319 = arith.addi %add3A_292, %select_n3A_318 : i32
    %get3A_320 = arith.constant 12 : index
    %get3A_321 = memref.load %arg1[%get3A_320] : memref<16xi32, #tpu.memory_space<smem>>
    %jit3A_322 = arith.constant 512 : i32
    %div3A_323 = arith.divsi %get3A_321, %jit3A_322 : i32
    %sign3A_324 = arith.constant 0 : i32
    %sign3A_325 = arith.cmpi sgt, %get3A_321, %sign3A_324 : i32
    %sign3A_326 = arith.extui %sign3A_325 : i1 to i32
    %sign3A_327 = arith.constant 0 : i32
    %sign3A_328 = arith.cmpi slt, %get3A_321, %sign3A_327 : i32
    %sign3A_329 = arith.extui %sign3A_328 : i1 to i32
    %sign3A_330 = arith.subi %sign3A_326, %sign3A_329 : i32
    %sign3A_331 = arith.constant 0 : i32
    %sign3A_332 = arith.cmpi sgt, %jit3A_322, %sign3A_331 : i32
    %sign3A_333 = arith.extui %sign3A_332 : i1 to i32
    %sign3A_334 = arith.constant 0 : i32
    %sign3A_335 = arith.cmpi slt, %jit3A_322, %sign3A_334 : i32
    %sign3A_336 = arith.extui %sign3A_335 : i1 to i32
    %sign3A_337 = arith.subi %sign3A_333, %sign3A_336 : i32
    %ne3A_338 = arith.cmpi ne, %sign3A_330, %sign3A_337 : i32
    %rem3A_339 = arith.remsi %get3A_321, %jit3A_322 : i32
    %ne3A_340 = arith.constant 0 : i32
    %ne3A_341 = arith.cmpi ne, %rem3A_339, %ne3A_340 : i32
    %and3A_342 = arith.andi %ne3A_338, %ne3A_341 : i1
    %sub3A_343 = arith.constant 1 : i32
    %sub3A_344 = arith.subi %div3A_323, %sub3A_343 : i32
    %select_n3A_345 = arith.select %and3A_342, %sub3A_344, %div3A_323 : i32
    %add3A_346 = arith.addi %add3A_319, %select_n3A_345 : i32
    %get3A_347 = arith.constant 13 : index
    %get3A_348 = memref.load %arg1[%get3A_347] : memref<16xi32, #tpu.memory_space<smem>>
    %jit3A_349 = arith.constant 512 : i32
    %div3A_350 = arith.divsi %get3A_348, %jit3A_349 : i32
    %sign3A_351 = arith.constant 0 : i32
    %sign3A_352 = arith.cmpi sgt, %get3A_348, %sign3A_351 : i32
    %sign3A_353 = arith.extui %sign3A_352 : i1 to i32
    %sign3A_354 = arith.constant 0 : i32
    %sign3A_355 = arith.cmpi slt, %get3A_348, %sign3A_354 : i32
    %sign3A_356 = arith.extui %sign3A_355 : i1 to i32
    %sign3A_357 = arith.subi %sign3A_353, %sign3A_356 : i32
    %sign3A_358 = arith.constant 0 : i32
    %sign3A_359 = arith.cmpi sgt, %jit3A_349, %sign3A_358 : i32
    %sign3A_360 = arith.extui %sign3A_359 : i1 to i32
    %sign3A_361 = arith.constant 0 : i32
    %sign3A_362 = arith.cmpi slt, %jit3A_349, %sign3A_361 : i32
    %sign3A_363 = arith.extui %sign3A_362 : i1 to i32
    %sign3A_364 = arith.subi %sign3A_360, %sign3A_363 : i32
    %ne3A_365 = arith.cmpi ne, %sign3A_357, %sign3A_364 : i32
    %rem3A_366 = arith.remsi %get3A_348, %jit3A_349 : i32
    %ne3A_367 = arith.constant 0 : i32
    %ne3A_368 = arith.cmpi ne, %rem3A_366, %ne3A_367 : i32
    %and3A_369 = arith.andi %ne3A_365, %ne3A_368 : i1
    %sub3A_370 = arith.constant 1 : i32
    %sub3A_371 = arith.subi %div3A_350, %sub3A_370 : i32
    %select_n3A_372 = arith.select %and3A_369, %sub3A_371, %div3A_350 : i32
    %add3A_373 = arith.addi %add3A_346, %select_n3A_372 : i32
    %get3A_374 = arith.constant 14 : index
    %get3A_375 = memref.load %arg1[%get3A_374] : memref<16xi32, #tpu.memory_space<smem>>
    %jit3A_376 = arith.constant 512 : i32
    %div3A_377 = arith.divsi %get3A_375, %jit3A_376 : i32
    %sign3A_378 = arith.constant 0 : i32
    %sign3A_379 = arith.cmpi sgt, %get3A_375, %sign3A_378 : i32
    %sign3A_380 = arith.extui %sign3A_379 : i1 to i32
    %sign3A_381 = arith.constant 0 : i32
    %sign3A_382 = arith.cmpi slt, %get3A_375, %sign3A_381 : i32
    %sign3A_383 = arith.extui %sign3A_382 : i1 to i32
    %sign3A_384 = arith.subi %sign3A_380, %sign3A_383 : i32
    %sign3A_385 = arith.constant 0 : i32
    %sign3A_386 = arith.cmpi sgt, %jit3A_376, %sign3A_385 : i32
    %sign3A_387 = arith.extui %sign3A_386 : i1 to i32
    %sign3A_388 = arith.constant 0 : i32
    %sign3A_389 = arith.cmpi slt, %jit3A_376, %sign3A_388 : i32
    %sign3A_390 = arith.extui %sign3A_389 : i1 to i32
    %sign3A_391 = arith.subi %sign3A_387, %sign3A_390 : i32
    %ne3A_392 = arith.cmpi ne, %sign3A_384, %sign3A_391 : i32
    %rem3A_393 = arith.remsi %get3A_375, %jit3A_376 : i32
    %ne3A_394 = arith.constant 0 : i32
    %ne3A_395 = arith.cmpi ne, %rem3A_393, %ne3A_394 : i32
    %and3A_396 = arith.andi %ne3A_392, %ne3A_395 : i1
    %sub3A_397 = arith.constant 1 : i32
    %sub3A_398 = arith.subi %div3A_377, %sub3A_397 : i32
    %select_n3A_399 = arith.select %and3A_396, %sub3A_398, %div3A_377 : i32
    %add3A_400 = arith.addi %add3A_373, %select_n3A_399 : i32
    %get3A_401 = arith.constant 15 : index
    %get3A_402 = memref.load %arg1[%get3A_401] : memref<16xi32, #tpu.memory_space<smem>>
    %jit3A_403 = arith.constant 512 : i32
    %div3A_404 = arith.divsi %get3A_402, %jit3A_403 : i32
    %sign3A_405 = arith.constant 0 : i32
    %sign3A_406 = arith.cmpi sgt, %get3A_402, %sign3A_405 : i32
    %sign3A_407 = arith.extui %sign3A_406 : i1 to i32
    %sign3A_408 = arith.constant 0 : i32
    %sign3A_409 = arith.cmpi slt, %get3A_402, %sign3A_408 : i32
    %sign3A_410 = arith.extui %sign3A_409 : i1 to i32
    %sign3A_411 = arith.subi %sign3A_407, %sign3A_410 : i32
    %sign3A_412 = arith.constant 0 : i32
    %sign3A_413 = arith.cmpi sgt, %jit3A_403, %sign3A_412 : i32
    %sign3A_414 = arith.extui %sign3A_413 : i1 to i32
    %sign3A_415 = arith.constant 0 : i32
    %sign3A_416 = arith.cmpi slt, %jit3A_403, %sign3A_415 : i32
    %sign3A_417 = arith.extui %sign3A_416 : i1 to i32
    %sign3A_418 = arith.subi %sign3A_414, %sign3A_417 : i32
    %ne3A_419 = arith.cmpi ne, %sign3A_411, %sign3A_418 : i32
    %rem3A_420 = arith.remsi %get3A_402, %jit3A_403 : i32
    %ne3A_421 = arith.constant 0 : i32
    %ne3A_422 = arith.cmpi ne, %rem3A_420, %ne3A_421 : i32
    %and3A_423 = arith.andi %ne3A_419, %ne3A_422 : i1
    %sub3A_424 = arith.constant 1 : i32
    %sub3A_425 = arith.subi %div3A_404, %sub3A_424 : i32
    %select_n3A_426 = arith.select %and3A_423, %sub3A_425, %div3A_404 : i32
    %add3A_427 = arith.addi %add3A_400, %select_n3A_426 : i32
    %gt3A = arith.constant 0 : i32
    %gt3A_428 = arith.cmpi sgt, %add3A_427, %gt3A : i32
    %convert_element_type3A = arith.extui %gt3A_428 : i1 to i32
    %cond3A = arith.constant 0 : i32
    %cond3A_429 = arith.cmpi ne, %convert_element_type3A, %cond3A : i32
    scf.if %cond3A_429 {
      %mul3A = arith.constant 1 : i32
      %mul3A_430 = arith.muli %mul3A, %add3A_427 : i32
      "tpu.region"() ({
        %run_scoped3A = memref.alloca() : memref<2x1x512x1024xf32, #tpu.memory_space<vmem>>
        %run_scoped3A_431 = tpu.sem_alloc : memref<2x!tpu.dma_semaphore, #tpu.memory_space<semaphore_mem>>
        %gt3A_432 = arith.constant 0 : i32
        %gt3A_433 = arith.cmpi sgt, %mul3A_430, %gt3A_432 : i32
        %convert_element_type3A_434 = arith.extui %gt3A_433 : i1 to i32
        %cond3A_435 = arith.constant 0 : i32
        %cond3A_436 = arith.cmpi ne, %convert_element_type3A_434, %cond3A_435 : i32
        scf.if %cond3A_436 {
          %mul3A_437 = arith.constant 1 : i32
          %mul3A_438 = arith.muli %mul3A_437, %add3A_427 : i32
          %sub3A_439 = arith.constant 1 : i32
          %sub3A_440 = arith.subi %mul3A_438, %sub3A_439 : i32
          %eq3A = arith.constant 0 : i32
          %eq3A_441 = arith.cmpi eq, %sub3A_440, %eq3A : i32
          %select_n3A_442 = arith.constant true
          %select_n3A_443 = arith.constant 0 : i32
          %select_n3A_444 = arith.constant -1 : i32
          %select_n3A_445 = arith.select %select_n3A_442, %select_n3A_444, %select_n3A_443 : i32
          %eq3A_446 = arith.constant -1 : i32
          %eq3A_447 = arith.cmpi eq, %select_n3A_445, %eq3A_446 : i32
          %sub3A_448 = arith.constant 1 : i32
          %sub3A_449 = arith.subi %add3A_427, %sub3A_448 : i32
          %select_n3A_450 = arith.select %eq3A_447, %sub3A_449, %select_n3A_445 : i32
          %add3A_451 = arith.constant 0 : i32
          %add3A_452 = arith.addi %select_n3A_450, %add3A_451 : i32
          %select_n3A_453 = arith.constant true
          %select_n3A_454 = arith.constant 0 : i32
          %select_n3A_455 = arith.constant 1 : i32
          %select_n3A_456 = arith.select %select_n3A_453, %select_n3A_455, %select_n3A_454 : i32
          %eq3A_457 = arith.cmpi eq, %select_n3A_456, %add3A_427 : i32
          %select_n3A_458 = arith.constant 0 : i32
          %select_n3A_459 = arith.select %eq3A_457, %select_n3A_458, %select_n3A_456 : i32
          %add3A_460 = arith.constant 0 : i32
          %add3A_461 = arith.addi %select_n3A_459, %add3A_460 : i32
          %add3A_462 = arith.constant 1 : i32
          %add3A_463 = arith.addi %select_n3A_459, %add3A_462 : i32
          %select_n3A_464 = arith.constant true
          %select_n3A_465 = arith.select %select_n3A_464, %add3A_463, %select_n3A_459 : i32
          %eq3A_466 = arith.cmpi eq, %select_n3A_465, %add3A_427 : i32
          %select_n3A_467 = arith.constant 0 : i32
          %select_n3A_468 = arith.select %eq3A_466, %select_n3A_467, %select_n3A_465 : i32
          %add3A_469 = arith.constant 0 : i32
          %add3A_470 = arith.addi %select_n3A_468, %add3A_469 : i32
          "tpu.trace_start"() <{level = 10 : i32, message = "ep_initialize_0"}> : () -> ()
          %rem3A_471 = arith.constant 0 : i32
          %rem3A_472 = arith.constant 2 : i32
          %rem3A_473 = arith.remui %rem3A_471, %rem3A_472 : i32
          %get3A_474 = arith.constant 0 : index
          %get3A_475 = memref.load %arg2[%get3A_474] : memref<64xi32, #tpu.memory_space<smem>>
          %get3A_476 = arith.constant 0 : index
          %get3A_477 = memref.load %arg3[%get3A_476] : memref<64xi32, #tpu.memory_space<smem>>
          %mul3A_478 = arith.constant 1 : i32
          %mul3A_479 = arith.muli %mul3A_478, %get3A_475 : i32
          %mul3A_480 = arith.constant 512 : i32
          %mul3A_481 = arith.muli %mul3A_480, %get3A_477 : i32
          %dma_start3A = tpu.memref_slice %run_scoped3A_431[%rem3A_473] : memref<2x!tpu.dma_semaphore, #tpu.memory_space<semaphore_mem>> -> memref<1x!tpu.dma_semaphore, #tpu.memory_space<semaphore_mem>>
          %dma_start3A_482 = tpu.memref_squeeze %dma_start3A : memref<1x!tpu.dma_semaphore, #tpu.memory_space<semaphore_mem>> -> memref<!tpu.dma_semaphore, #tpu.memory_space<semaphore_mem>>
          %dma_start3A_483 = arith.constant 0 : i32
          %dma_start3A_484 = arith.constant 0 : i32
          %dma_start3A_485 = arith.constant 0 : i32
          %dma_start3A_486 = tpu.memref_slice %run_scoped3A[%rem3A_473, %dma_start3A_483, %dma_start3A_484, %dma_start3A_485] : memref<2x1x512x1024xf32, #tpu.memory_space<vmem>> -> memref<1x1x512x1024xf32, #tpu.memory_space<vmem>>
          %dma_start3A_487 = tpu.memref_squeeze %dma_start3A_486 : memref<1x1x512x1024xf32, #tpu.memory_space<vmem>> -> memref<1x512x1024xf32, #tpu.memory_space<vmem>>
          %dma_start3A_488 = arith.constant 0 : i32
          %dma_start3A_489 = tpu.memref_slice %arg4[%mul3A_479, %mul3A_481, %dma_start3A_488] : memref<16x2048x1024xf32, #tpu.memory_space<any>> -> memref<1x512x1024xf32, #tpu.memory_space<any>>
          tpu.enqueue_dma source(%dma_start3A_489 : memref<1x512x1024xf32, #tpu.memory_space<any>>) target(%dma_start3A_487 : memref<1x512x1024xf32, #tpu.memory_space<vmem>>) target_semaphore(%dma_start3A_482 : memref<!tpu.dma_semaphore, #tpu.memory_space<semaphore_mem>>)
          %add3A_490 = arith.constant 0 : i32
          %add3A_491 = arith.constant 1 : i32
          %add3A_492 = arith.addi %add3A_490, %add3A_491 : i32
          %select_n3A_493 = arith.constant true
          %select_n3A_494 = arith.constant 0 : i32
          %select_n3A_495 = arith.select %select_n3A_493, %add3A_492, %select_n3A_494 : i32
          %while3A = arith.constant 0 : i32
          %while3A_496 = arith.constant 0 : i32
          %while3A_497 = arith.constant 0 : i32
          "tpu.trace_stop"() : () -> ()
          %while3A_498 = arith.subi %mul3A_430, %while3A : i32
          %while3A_499 = arith.addi %while3A, %while3A_498 : i32
          %while3A_500 = arith.constant 1 : i32
          %while3A_501 = arith.divsi %while3A_498, %while3A_500 : i32
          %while3A_502 = arith.muli %while3A_501, %while3A_500 : i32
          %while3A_503 = arith.addi %while3A, %while3A_502 : i32
          %while3A_504 = arith.constant 1 : i32
          %while3A_505:3 = scf.for %while3A_560 = %while3A to %while3A_503 step %while3A_504 iter_args(%while3A_561 = %select_n3A_495, %while3A_562 = %while3A_496, %while3A_563 = %while3A_497) -> (i32, i32, i32)  : i32 {
            %mul3A_564 = arith.constant 1 : i32
            %mul3A_565 = arith.muli %mul3A_564, %add3A_427 : i32
            %eq3A_566 = arith.constant 0 : i32
            %eq3A_567 = arith.cmpi eq, %while3A_560, %eq3A_566 : i32
            %sub3A_568 = arith.constant 1 : i32
            %sub3A_569 = arith.subi %mul3A_565, %sub3A_568 : i32
            %eq3A_570 = arith.cmpi eq, %while3A_560, %sub3A_569 : i32
            %add3A_571 = arith.constant 0 : i32
            %add3A_572 = arith.addi %while3A_563, %add3A_571 : i32
            %sub3A_573 = arith.constant 1 : i32
            %sub3A_574 = arith.subi %while3A_563, %sub3A_573 : i32
            %select_n3A_575 = arith.constant true
            %select_n3A_576 = arith.select %select_n3A_575, %sub3A_574, %while3A_563 : i32
            %eq3A_577 = arith.constant -1 : i32
            %eq3A_578 = arith.cmpi eq, %select_n3A_576, %eq3A_577 : i32
            %sub3A_579 = arith.constant 1 : i32
            %sub3A_580 = arith.subi %add3A_427, %sub3A_579 : i32
            %select_n3A_581 = arith.select %eq3A_578, %sub3A_580, %select_n3A_576 : i32
            %add3A_582 = arith.constant 0 : i32
            %add3A_583 = arith.addi %select_n3A_581, %add3A_582 : i32
            %add3A_584 = arith.constant 1 : i32
            %add3A_585 = arith.addi %while3A_563, %add3A_584 : i32
            %select_n3A_586 = arith.constant true
            %select_n3A_587 = arith.select %select_n3A_586, %add3A_585, %while3A_563 : i32
            %eq3A_588 = arith.cmpi eq, %select_n3A_587, %add3A_427 : i32
            %select_n3A_589 = arith.constant 0 : i32
            %select_n3A_590 = arith.select %eq3A_588, %select_n3A_589, %select_n3A_587 : i32
            %add3A_591 = arith.constant 0 : i32
            %add3A_592 = arith.addi %select_n3A_590, %add3A_591 : i32
            %add3A_593 = arith.constant 1 : i32
            %add3A_594 = arith.addi %select_n3A_590, %add3A_593 : i32
            %select_n3A_595 = arith.constant true
            %select_n3A_596 = arith.select %select_n3A_595, %add3A_594, %select_n3A_590 : i32
            %eq3A_597 = arith.cmpi eq, %select_n3A_596, %add3A_427 : i32
            %select_n3A_598 = arith.constant 0 : i32
            %select_n3A_599 = arith.select %eq3A_597, %select_n3A_598, %select_n3A_596 : i32
            %add3A_600 = arith.constant 0 : i32
            %add3A_601 = arith.addi %select_n3A_599, %add3A_600 : i32
            %get3A_602 = arith.index_cast %add3A_572 : i32 to index
            %get3A_603 = memref.load %arg2[%get3A_602] : memref<64xi32, #tpu.memory_space<smem>>
            %get3A_604 = arith.index_cast %add3A_572 : i32 to index
            %get3A_605 = memref.load %arg3[%get3A_604] : memref<64xi32, #tpu.memory_space<smem>>
            %get3A_606 = arith.index_cast %add3A_592 : i32 to index
            %get3A_607 = memref.load %arg2[%get3A_606] : memref<64xi32, #tpu.memory_space<smem>>
            %get3A_608 = arith.index_cast %add3A_592 : i32 to index
            %get3A_609 = memref.load %arg3[%get3A_608] : memref<64xi32, #tpu.memory_space<smem>>
            %ne3A_610 = arith.cmpi ne, %get3A_603, %get3A_607 : i32
            %ne3A_611 = arith.cmpi ne, %get3A_605, %get3A_609 : i32
            %or3A = arith.constant false
            %or3A_612 = arith.ori %or3A, %ne3A_610 : i1
            %or3A_613 = arith.ori %or3A_612, %ne3A_611 : i1
            %or3A_614 = arith.constant false
            %or3A_615 = arith.ori %or3A_613, %or3A_614 : i1
            %sub3A_616 = arith.constant 2 : i32
            %sub3A_617 = arith.subi %mul3A_565, %sub3A_616 : i32
            %add3A_618 = arith.constant 1 : i32
            %add3A_619 = arith.addi %sub3A_617, %add3A_618 : i32
            %ge3A = arith.cmpi sge, %while3A_560, %add3A_619 : i32
            %not3A = arith.constant true
            %not3A_620 = arith.xori %ge3A, %not3A : i1
            %and3A_621 = arith.andi %or3A_615, %not3A_620 : i1
            %convert_element_type3A_622 = arith.extui %and3A_621 : i1 to i32
            %cond3A_623 = arith.constant 0 : i32
            %cond3A_624 = arith.cmpi ne, %convert_element_type3A_622, %cond3A_623 : i32
            scf.if %cond3A_624 {
              "tpu.trace_start"() <{level = 10 : i32, message = "ep_copy_in"}> : () -> ()
              %rem3A_750 = arith.constant 2 : i32
              %rem3A_751 = arith.remui %while3A_561, %rem3A_750 : i32
              %get3A_752 = arith.index_cast %add3A_592 : i32 to index
              %get3A_753 = memref.load %arg2[%get3A_752] : memref<64xi32, #tpu.memory_space<smem>>
              %get3A_754 = arith.index_cast %add3A_592 : i32 to index
              %get3A_755 = memref.load %arg3[%get3A_754] : memref<64xi32, #tpu.memory_space<smem>>
              %mul3A_756 = arith.constant 1 : i32
              %mul3A_757 = arith.muli %mul3A_756, %get3A_753 : i32
              %mul3A_758 = arith.constant 512 : i32
              %mul3A_759 = arith.muli %mul3A_758, %get3A_755 : i32
              %dma_start3A_760 = tpu.memref_slice %run_scoped3A_431[%rem3A_751] : memref<2x!tpu.dma_semaphore, #tpu.memory_space<semaphore_mem>> -> memref<1x!tpu.dma_semaphore, #tpu.memory_space<semaphore_mem>>
              %dma_start3A_761 = tpu.memref_squeeze %dma_start3A_760 : memref<1x!tpu.dma_semaphore, #tpu.memory_space<semaphore_mem>> -> memref<!tpu.dma_semaphore, #tpu.memory_space<semaphore_mem>>
              %dma_start3A_762 = arith.constant 0 : i32
              %dma_start3A_763 = arith.constant 0 : i32
              %dma_start3A_764 = arith.constant 0 : i32
              %dma_start3A_765 = tpu.memref_slice %run_scoped3A[%rem3A_751, %dma_start3A_762, %dma_start3A_763, %dma_start3A_764] : memref<2x1x512x1024xf32, #tpu.memory_space<vmem>> -> memref<1x1x512x1024xf32, #tpu.memory_space<vmem>>
              %dma_start3A_766 = tpu.memref_squeeze %dma_start3A_765 : memref<1x1x512x1024xf32, #tpu.memory_space<vmem>> -> memref<1x512x1024xf32, #tpu.memory_space<vmem>>
              %dma_start3A_767 = arith.constant 0 : i32
              %dma_start3A_768 = tpu.memref_slice %arg4[%mul3A_757, %mul3A_759, %dma_start3A_767] : memref<16x2048x1024xf32, #tpu.memory_space<any>> -> memref<1x512x1024xf32, #tpu.memory_space<any>>
              tpu.enqueue_dma source(%dma_start3A_768 : memref<1x512x1024xf32, #tpu.memory_space<any>>) target(%dma_start3A_766 : memref<1x512x1024xf32, #tpu.memory_space<vmem>>) target_semaphore(%dma_start3A_761 : memref<!tpu.dma_semaphore, #tpu.memory_space<semaphore_mem>>)
              "tpu.trace_stop"() : () -> ()
            } else {
            }
            %and3A_625 = arith.constant true
            %and3A_626 = arith.andi %and3A_621, %and3A_625 : i1
            %add3A_627 = arith.constant 1 : i32
            %add3A_628 = arith.addi %while3A_561, %add3A_627 : i32
            %select_n3A_629 = arith.select %and3A_626, %add3A_628, %while3A_561 : i32
            %get3A_630 = arith.index_cast %add3A_572 : i32 to index
            %get3A_631 = memref.load %arg2[%get3A_630] : memref<64xi32, #tpu.memory_space<smem>>
            %get3A_632 = arith.index_cast %add3A_572 : i32 to index
            %get3A_633 = memref.load %arg3[%get3A_632] : memref<64xi32, #tpu.memory_space<smem>>
            %get3A_634 = arith.index_cast %add3A_583 : i32 to index
            %get3A_635 = memref.load %arg2[%get3A_634] : memref<64xi32, #tpu.memory_space<smem>>
            %get3A_636 = arith.index_cast %add3A_583 : i32 to index
            %get3A_637 = memref.load %arg3[%get3A_636] : memref<64xi32, #tpu.memory_space<smem>>
            %ne3A_638 = arith.cmpi ne, %get3A_631, %get3A_635 : i32
            %ne3A_639 = arith.cmpi ne, %get3A_633, %get3A_637 : i32
            %or3A_640 = arith.constant false
            %or3A_641 = arith.ori %or3A_640, %ne3A_638 : i1
            %or3A_642 = arith.ori %or3A_641, %ne3A_639 : i1
            %or3A_643 = arith.constant false
            %or3A_644 = arith.ori %or3A_642, %or3A_643 : i1
            %or3A_645 = arith.ori %or3A_644, %eq3A_567 : i1
            %convert_element_type3A_646 = arith.extui %or3A_645 : i1 to i32
            %cond3A_647 = arith.constant 0 : i32
            %cond3A_648 = arith.cmpi ne, %convert_element_type3A_646, %cond3A_647 : i32
            scf.if %cond3A_648 {
              "tpu.trace_start"() <{level = 10 : i32, message = "ep_wait_in"}> : () -> ()
              %get3A_750 = arith.index_cast %add3A_572 : i32 to index
              %get3A_751 = memref.load %arg2[%get3A_750] : memref<64xi32, #tpu.memory_space<smem>>
              %get3A_752 = arith.index_cast %add3A_572 : i32 to index
              %get3A_753 = memref.load %arg3[%get3A_752] : memref<64xi32, #tpu.memory_space<smem>>
              %mul3A_754 = arith.constant 1 : i32
              %mul3A_755 = arith.muli %mul3A_754, %get3A_751 : i32
              %mul3A_756 = arith.constant 512 : i32
              %mul3A_757 = arith.muli %mul3A_756, %get3A_753 : i32
              %rem3A_758 = arith.constant 2 : i32
              %rem3A_759 = arith.remui %while3A_562, %rem3A_758 : i32
              %dma_wait3A = tpu.memref_slice %run_scoped3A_431[%rem3A_759] : memref<2x!tpu.dma_semaphore, #tpu.memory_space<semaphore_mem>> -> memref<1x!tpu.dma_semaphore, #tpu.memory_space<semaphore_mem>>
              %dma_wait3A_760 = tpu.memref_squeeze %dma_wait3A : memref<1x!tpu.dma_semaphore, #tpu.memory_space<semaphore_mem>> -> memref<!tpu.dma_semaphore, #tpu.memory_space<semaphore_mem>>
              %dma_wait3A_761 = arith.constant 0 : i32
              %dma_wait3A_762 = arith.constant 0 : i32
              %dma_wait3A_763 = arith.constant 0 : i32
              %dma_wait3A_764 = tpu.memref_slice %run_scoped3A[%rem3A_759, %dma_wait3A_761, %dma_wait3A_762, %dma_wait3A_763] : memref<2x1x512x1024xf32, #tpu.memory_space<vmem>> -> memref<1x1x512x1024xf32, #tpu.memory_space<vmem>>
              %dma_wait3A_765 = tpu.memref_squeeze %dma_wait3A_764 : memref<1x1x512x1024xf32, #tpu.memory_space<vmem>> -> memref<1x512x1024xf32, #tpu.memory_space<vmem>>
              %dma_wait3A_766 = arith.constant 0 : i32
              %dma_wait3A_767 = tpu.memref_slice %arg4[%mul3A_755, %mul3A_757, %dma_wait3A_766] : memref<16x2048x1024xf32, #tpu.memory_space<any>> -> memref<1x512x1024xf32, #tpu.memory_space<any>>
              tpu.wait_dma2 semaphore(%dma_wait3A_760 : memref<!tpu.dma_semaphore, #tpu.memory_space<semaphore_mem>>) src(%dma_wait3A_767 : memref<1x512x1024xf32, #tpu.memory_space<any>>) dst(%dma_wait3A_765 : memref<1x512x1024xf32, #tpu.memory_space<vmem>>)
              "tpu.trace_stop"() : () -> ()
            } else {
            }
            %rem3A_649 = arith.constant 2 : i32
            %rem3A_650 = arith.remui %while3A_562, %rem3A_649 : i32
            "tpu.trace_start"() <{level = 10 : i32, message = "ep_run_kernel"}> : () -> ()
            %get3A_651 = arith.constant 0 : index
            %get3A_652 = memref.load %arg6[%get3A_651] : memref<1xi32, #tpu.memory_space<smem>>
            %get3A_653 = arith.index_cast %get3A_652 : i32 to index
            %get3A_654 = memref.load %arg2[%get3A_653] : memref<64xi32, #tpu.memory_space<smem>>
            %get3A_655 = arith.index_cast %get3A_654 : i32 to index
            %get3A_656 = arith.constant 0 : index
            %get3A_657 = arith.constant 0 : index
            %get3A_658 = vector.load %arg5[%get3A_655, %get3A_656, %get3A_657] : memref<16x8x1024xf32, #tpu.memory_space<vmem>>, vector<1x8x1024xf32>
            %get3A_659 = arith.constant 0 : i32
            %get3A_660 = arith.constant 0 : i32
            %get3A_661 = arith.constant 0 : i32
            %get3A_662 = tpu.memref_slice %run_scoped3A[%rem3A_650, %get3A_659, %get3A_660, %get3A_661] : memref<2x1x512x1024xf32, #tpu.memory_space<vmem>> -> memref<1x1x512x1024xf32, #tpu.memory_space<vmem>>
            %get3A_663 = tpu.memref_squeeze %get3A_662 : memref<1x1x512x1024xf32, #tpu.memory_space<vmem>> -> memref<1x512x1024xf32, #tpu.memory_space<vmem>>
            %get3A_664 = arith.constant 0 : index
            %get3A_665 = arith.constant 0 : index
            %get3A_666 = arith.constant 0 : index
            %get3A_667 = vector.load %get3A_663[%get3A_664, %get3A_665, %get3A_666] : memref<1x512x1024xf32, #tpu.memory_space<vmem>>, vector<1x512x1024xf32>
            %get3A_668 = vector.shape_cast %get3A_667 : vector<1x512x1024xf32> to vector<512x1024xf32>
            %reshape3A = vector.shape_cast %get3A_668 : vector<512x1024xf32> to vector<64x8x1024xf32>
            %reduce_sum3A = arith.constant dense<0.000000e+00> : vector<8x1024xf32>
            %reduce_sum3A_669 = vector.multi_reduction <add>, %reshape3A, %reduce_sum3A [0] : vector<64x8x1024xf32> to vector<8x1024xf32>
            %broadcast_in_dim3A_670 = vector.shape_cast %reduce_sum3A_669 : vector<8x1024xf32> to vector<1x8x1024xf32>
            %add3A_671 = arith.addf %get3A_658, %broadcast_in_dim3A_670 : vector<1x8x1024xf32>
            %swap3A_672 = arith.index_cast %get3A_654 : i32 to index
            %swap3A_673 = arith.constant 0 : index
            %swap3A_674 = arith.constant 0 : index
            %swap3A_675 = vector.load %arg5[%swap3A_672, %swap3A_673, %swap3A_674] : memref<16x8x1024xf32, #tpu.memory_space<vmem>>, vector<1x8x1024xf32>
            tpu.vector_store %arg5[%swap3A_672, %swap3A_673, %swap3A_674], %add3A_671 {strides = array<i32>} : memref<16x8x1024xf32, #tpu.memory_space<vmem>>, vector<1x8x1024xf32>,
            %add3A_676 = arith.constant 1 : i32
            %add3A_677 = arith.addi %get3A_652, %add3A_676 : i32
            %swap3A_678 = arith.constant 0 : index
            %swap3A_679 = memref.load %arg6[%swap3A_678] : memref<1xi32, #tpu.memory_space<smem>>
            memref.store %add3A_677, %arg6[%swap3A_678] : memref<1xi32, #tpu.memory_space<smem>>
            "tpu.trace_stop"() : () -> ()
            %get3A_680 = arith.index_cast %add3A_572 : i32 to index
            %get3A_681 = memref.load %arg2[%get3A_680] : memref<64xi32, #tpu.memory_space<smem>>
            %get3A_682 = arith.index_cast %add3A_572 : i32 to index
            %get3A_683 = memref.load %arg3[%get3A_682] : memref<64xi32, #tpu.memory_space<smem>>
            %get3A_684 = arith.index_cast %add3A_592 : i32 to index
            %get3A_685 = memref.load %arg2[%get3A_684] : memref<64xi32, #tpu.memory_space<smem>>
            %get3A_686 = arith.index_cast %add3A_592 : i32 to index
            %get3A_687 = memref.load %arg3[%get3A_686] : memref<64xi32, #tpu.memory_space<smem>>
            %ne3A_688 = arith.cmpi ne, %get3A_681, %get3A_685 : i32
            %ne3A_689 = arith.cmpi ne, %get3A_683, %get3A_687 : i32
            %or3A_690 = arith.constant false
            %or3A_691 = arith.ori %or3A_690, %ne3A_688 : i1
            %or3A_692 = arith.ori %or3A_691, %ne3A_689 : i1
            %or3A_693 = arith.constant false
            %or3A_694 = arith.ori %or3A_692, %or3A_693 : i1
            %or3A_695 = arith.ori %or3A_694, %eq3A_570 : i1
            %convert_element_type3A_696 = arith.extui %or3A_695 : i1 to i32
            %cond3A_697 = arith.constant 0 : i32
            %cond3A_698 = arith.cmpi ne, %convert_element_type3A_696, %cond3A_697 : i32
            scf.if %cond3A_698 {
            } else {
            }
            %and3A_699 = arith.constant false
            %and3A_700 = arith.andi %or3A_695, %and3A_699 : i1
            %get3A_701 = arith.index_cast %add3A_572 : i32 to index
            %get3A_702 = memref.load %arg2[%get3A_701] : memref<64xi32, #tpu.memory_space<smem>>
            %get3A_703 = arith.index_cast %add3A_572 : i32 to index
            %get3A_704 = memref.load %arg3[%get3A_703] : memref<64xi32, #tpu.memory_space<smem>>
            %get3A_705 = arith.index_cast %add3A_583 : i32 to index
            %get3A_706 = memref.load %arg2[%get3A_705] : memref<64xi32, #tpu.memory_space<smem>>
            %get3A_707 = arith.index_cast %add3A_583 : i32 to index
            %get3A_708 = memref.load %arg3[%get3A_707] : memref<64xi32, #tpu.memory_space<smem>>
            %ne3A_709 = arith.cmpi ne, %get3A_702, %get3A_706 : i32
            %ne3A_710 = arith.cmpi ne, %get3A_704, %get3A_708 : i32
            %or3A_711 = arith.constant false
            %or3A_712 = arith.ori %or3A_711, %ne3A_709 : i1
            %or3A_713 = arith.ori %or3A_712, %ne3A_710 : i1
            %or3A_714 = arith.constant false
            %or3A_715 = arith.ori %or3A_713, %or3A_714 : i1
            %not3A_716 = arith.constant true
            %not3A_717 = arith.xori %eq3A_567, %not3A_716 : i1
            %and3A_718 = arith.andi %or3A_715, %not3A_717 : i1
            %convert_element_type3A_719 = arith.extui %and3A_718 : i1 to i32
            %cond3A_720 = arith.constant 0 : i32
            %cond3A_721 = arith.cmpi ne, %convert_element_type3A_719, %cond3A_720 : i32
            scf.if %cond3A_721 {
            } else {
            }
            %and3A_722 = arith.constant false
            %and3A_723 = arith.andi %and3A_718, %and3A_722 : i1
            %get3A_724 = arith.index_cast %add3A_572 : i32 to index
            %get3A_725 = memref.load %arg2[%get3A_724] : memref<64xi32, #tpu.memory_space<smem>>
            %get3A_726 = arith.index_cast %add3A_572 : i32 to index
            %get3A_727 = memref.load %arg3[%get3A_726] : memref<64xi32, #tpu.memory_space<smem>>
            %get3A_728 = arith.index_cast %add3A_592 : i32 to index
            %get3A_729 = memref.load %arg2[%get3A_728] : memref<64xi32, #tpu.memory_space<smem>>
            %get3A_730 = arith.index_cast %add3A_592 : i32 to index
            %get3A_731 = memref.load %arg3[%get3A_730] : memref<64xi32, #tpu.memory_space<smem>>
            %ne3A_732 = arith.cmpi ne, %get3A_725, %get3A_729 : i32
            %ne3A_733 = arith.cmpi ne, %get3A_727, %get3A_731 : i32
            %or3A_734 = arith.constant false
            %or3A_735 = arith.ori %or3A_734, %ne3A_732 : i1
            %or3A_736 = arith.ori %or3A_735, %ne3A_733 : i1
            %or3A_737 = arith.constant false
            %or3A_738 = arith.ori %or3A_736, %or3A_737 : i1
            %or3A_739 = arith.ori %or3A_738, %eq3A_570 : i1
            %add3A_740 = arith.constant 1 : i32
            %add3A_741 = arith.addi %while3A_562, %add3A_740 : i32
            %select_n3A_742 = arith.select %or3A_739, %add3A_741, %while3A_562 : i32
            %add3A_743 = arith.constant 1 : i32
            %add3A_744 = arith.addi %while3A_563, %add3A_743 : i32
            %select_n3A_745 = arith.constant true
            %select_n3A_746 = arith.select %select_n3A_745, %add3A_744, %while3A_563 : i32
            %eq3A_747 = arith.cmpi eq, %select_n3A_746, %add3A_427 : i32
            %select_n3A_748 = arith.constant 0 : i32
            %select_n3A_749 = arith.select %eq3A_747, %select_n3A_748, %select_n3A_746 : i32
            scf.yield %select_n3A_629, %select_n3A_742, %select_n3A_749 : i32, i32, i32
          }
          %while3A_506 = arith.constant 1 : i32
          %while3A_507:3 = scf.for %while3A_560 = %while3A_503 to %while3A_499 step %while3A_506 iter_args(%while3A_561 = %while3A_505#0, %while3A_562 = %while3A_505#1, %while3A_563 = %while3A_505#2) -> (i32, i32, i32)  : i32 {
            %mul3A_564 = arith.constant 1 : i32
            %mul3A_565 = arith.muli %mul3A_564, %add3A_427 : i32
            %eq3A_566 = arith.constant 0 : i32
            %eq3A_567 = arith.cmpi eq, %while3A_560, %eq3A_566 : i32
            %sub3A_568 = arith.constant 1 : i32
            %sub3A_569 = arith.subi %mul3A_565, %sub3A_568 : i32
            %eq3A_570 = arith.cmpi eq, %while3A_560, %sub3A_569 : i32
            %add3A_571 = arith.constant 0 : i32
            %add3A_572 = arith.addi %while3A_563, %add3A_571 : i32
            %sub3A_573 = arith.constant 1 : i32
            %sub3A_574 = arith.subi %while3A_563, %sub3A_573 : i32
            %select_n3A_575 = arith.constant true
            %select_n3A_576 = arith.select %select_n3A_575, %sub3A_574, %while3A_563 : i32
            %eq3A_577 = arith.constant -1 : i32
            %eq3A_578 = arith.cmpi eq, %select_n3A_576, %eq3A_577 : i32
            %sub3A_579 = arith.constant 1 : i32
            %sub3A_580 = arith.subi %add3A_427, %sub3A_579 : i32
            %select_n3A_581 = arith.select %eq3A_578, %sub3A_580, %select_n3A_576 : i32
            %add3A_582 = arith.constant 0 : i32
            %add3A_583 = arith.addi %select_n3A_581, %add3A_582 : i32
            %add3A_584 = arith.constant 1 : i32
            %add3A_585 = arith.addi %while3A_563, %add3A_584 : i32
            %select_n3A_586 = arith.constant true
            %select_n3A_587 = arith.select %select_n3A_586, %add3A_585, %while3A_563 : i32
            %eq3A_588 = arith.cmpi eq, %select_n3A_587, %add3A_427 : i32
            %select_n3A_589 = arith.constant 0 : i32
            %select_n3A_590 = arith.select %eq3A_588, %select_n3A_589, %select_n3A_587 : i32
            %add3A_591 = arith.constant 0 : i32
            %add3A_592 = arith.addi %select_n3A_590, %add3A_591 : i32
            %add3A_593 = arith.constant 1 : i32
            %add3A_594 = arith.addi %select_n3A_590, %add3A_593 : i32
            %select_n3A_595 = arith.constant true
            %select_n3A_596 = arith.select %select_n3A_595, %add3A_594, %select_n3A_590 : i32
            %eq3A_597 = arith.cmpi eq, %select_n3A_596, %add3A_427 : i32
            %select_n3A_598 = arith.constant 0 : i32
            %select_n3A_599 = arith.select %eq3A_597, %select_n3A_598, %select_n3A_596 : i32
            %add3A_600 = arith.constant 0 : i32
            %add3A_601 = arith.addi %select_n3A_599, %add3A_600 : i32
            %get3A_602 = arith.index_cast %add3A_572 : i32 to index
            %get3A_603 = memref.load %arg2[%get3A_602] : memref<64xi32, #tpu.memory_space<smem>>
            %get3A_604 = arith.index_cast %add3A_572 : i32 to index
            %get3A_605 = memref.load %arg3[%get3A_604] : memref<64xi32, #tpu.memory_space<smem>>
            %get3A_606 = arith.index_cast %add3A_592 : i32 to index
            %get3A_607 = memref.load %arg2[%get3A_606] : memref<64xi32, #tpu.memory_space<smem>>
            %get3A_608 = arith.index_cast %add3A_592 : i32 to index
            %get3A_609 = memref.load %arg3[%get3A_608] : memref<64xi32, #tpu.memory_space<smem>>
            %ne3A_610 = arith.cmpi ne, %get3A_603, %get3A_607 : i32
            %ne3A_611 = arith.cmpi ne, %get3A_605, %get3A_609 : i32
            %or3A = arith.constant false
            %or3A_612 = arith.ori %or3A, %ne3A_610 : i1
            %or3A_613 = arith.ori %or3A_612, %ne3A_611 : i1
            %or3A_614 = arith.constant false
            %or3A_615 = arith.ori %or3A_613, %or3A_614 : i1
            %sub3A_616 = arith.constant 2 : i32
            %sub3A_617 = arith.subi %mul3A_565, %sub3A_616 : i32
            %add3A_618 = arith.constant 1 : i32
            %add3A_619 = arith.addi %sub3A_617, %add3A_618 : i32
            %ge3A = arith.cmpi sge, %while3A_560, %add3A_619 : i32
            %not3A = arith.constant true
            %not3A_620 = arith.xori %ge3A, %not3A : i1
            %and3A_621 = arith.andi %or3A_615, %not3A_620 : i1
            %convert_element_type3A_622 = arith.extui %and3A_621 : i1 to i32
            %cond3A_623 = arith.constant 0 : i32
            %cond3A_624 = arith.cmpi ne, %convert_element_type3A_622, %cond3A_623 : i32
            scf.if %cond3A_624 {
              "tpu.trace_start"() <{level = 10 : i32, message = "ep_copy_in"}> : () -> ()
              %rem3A_750 = arith.constant 2 : i32
              %rem3A_751 = arith.remui %while3A_561, %rem3A_750 : i32
              %get3A_752 = arith.index_cast %add3A_592 : i32 to index
              %get3A_753 = memref.load %arg2[%get3A_752] : memref<64xi32, #tpu.memory_space<smem>>
              %get3A_754 = arith.index_cast %add3A_592 : i32 to index
              %get3A_755 = memref.load %arg3[%get3A_754] : memref<64xi32, #tpu.memory_space<smem>>
              %mul3A_756 = arith.constant 1 : i32
              %mul3A_757 = arith.muli %mul3A_756, %get3A_753 : i32
              %mul3A_758 = arith.constant 512 : i32
              %mul3A_759 = arith.muli %mul3A_758, %get3A_755 : i32
              %dma_start3A_760 = tpu.memref_slice %run_scoped3A_431[%rem3A_751] : memref<2x!tpu.dma_semaphore, #tpu.memory_space<semaphore_mem>> -> memref<1x!tpu.dma_semaphore, #tpu.memory_space<semaphore_mem>>
              %dma_start3A_761 = tpu.memref_squeeze %dma_start3A_760 : memref<1x!tpu.dma_semaphore, #tpu.memory_space<semaphore_mem>> -> memref<!tpu.dma_semaphore, #tpu.memory_space<semaphore_mem>>
              %dma_start3A_762 = arith.constant 0 : i32
              %dma_start3A_763 = arith.constant 0 : i32
              %dma_start3A_764 = arith.constant 0 : i32
              %dma_start3A_765 = tpu.memref_slice %run_scoped3A[%rem3A_751, %dma_start3A_762, %dma_start3A_763, %dma_start3A_764] : memref<2x1x512x1024xf32, #tpu.memory_space<vmem>> -> memref<1x1x512x1024xf32, #tpu.memory_space<vmem>>
              %dma_start3A_766 = tpu.memref_squeeze %dma_start3A_765 : memref<1x1x512x1024xf32, #tpu.memory_space<vmem>> -> memref<1x512x1024xf32, #tpu.memory_space<vmem>>
              %dma_start3A_767 = arith.constant 0 : i32
              %dma_start3A_768 = tpu.memref_slice %arg4[%mul3A_757, %mul3A_759, %dma_start3A_767] : memref<16x2048x1024xf32, #tpu.memory_space<any>> -> memref<1x512x1024xf32, #tpu.memory_space<any>>
              tpu.enqueue_dma source(%dma_start3A_768 : memref<1x512x1024xf32, #tpu.memory_space<any>>) target(%dma_start3A_766 : memref<1x512x1024xf32, #tpu.memory_space<vmem>>) target_semaphore(%dma_start3A_761 : memref<!tpu.dma_semaphore, #tpu.memory_space<semaphore_mem>>)
              "tpu.trace_stop"() : () -> ()
            } else {
            }
            %and3A_625 = arith.constant true
            %and3A_626 = arith.andi %and3A_621, %and3A_625 : i1
            %add3A_627 = arith.constant 1 : i32
            %add3A_628 = arith.addi %while3A_561, %add3A_627 : i32
            %select_n3A_629 = arith.select %and3A_626, %add3A_628, %while3A_561 : i32
            %get3A_630 = arith.index_cast %add3A_572 : i32 to index
            %get3A_631 = memref.load %arg2[%get3A_630] : memref<64xi32, #tpu.memory_space<smem>>
            %get3A_632 = arith.index_cast %add3A_572 : i32 to index
            %get3A_633 = memref.load %arg3[%get3A_632] : memref<64xi32, #tpu.memory_space<smem>>
            %get3A_634 = arith.index_cast %add3A_583 : i32 to index
            %get3A_635 = memref.load %arg2[%get3A_634] : memref<64xi32, #tpu.memory_space<smem>>
            %get3A_636 = arith.index_cast %add3A_583 : i32 to index
            %get3A_637 = memref.load %arg3[%get3A_636] : memref<64xi32, #tpu.memory_space<smem>>
            %ne3A_638 = arith.cmpi ne, %get3A_631, %get3A_635 : i32
            %ne3A_639 = arith.cmpi ne, %get3A_633, %get3A_637 : i32
            %or3A_640 = arith.constant false
            %or3A_641 = arith.ori %or3A_640, %ne3A_638 : i1
            %or3A_642 = arith.ori %or3A_641, %ne3A_639 : i1
            %or3A_643 = arith.constant false
            %or3A_644 = arith.ori %or3A_642, %or3A_643 : i1
            %or3A_645 = arith.ori %or3A_644, %eq3A_567 : i1
            %convert_element_type3A_646 = arith.extui %or3A_645 : i1 to i32
            %cond3A_647 = arith.constant 0 : i32
            %cond3A_648 = arith.cmpi ne, %convert_element_type3A_646, %cond3A_647 : i32
            scf.if %cond3A_648 {
              "tpu.trace_start"() <{level = 10 : i32, message = "ep_wait_in"}> : () -> ()
              %get3A_750 = arith.index_cast %add3A_572 : i32 to index
              %get3A_751 = memref.load %arg2[%get3A_750] : memref<64xi32, #tpu.memory_space<smem>>
              %get3A_752 = arith.index_cast %add3A_572 : i32 to index
              %get3A_753 = memref.load %arg3[%get3A_752] : memref<64xi32, #tpu.memory_space<smem>>
              %mul3A_754 = arith.constant 1 : i32
              %mul3A_755 = arith.muli %mul3A_754, %get3A_751 : i32
              %mul3A_756 = arith.constant 512 : i32
              %mul3A_757 = arith.muli %mul3A_756, %get3A_753 : i32
              %rem3A_758 = arith.constant 2 : i32
              %rem3A_759 = arith.remui %while3A_562, %rem3A_758 : i32
              %dma_wait3A = tpu.memref_slice %run_scoped3A_431[%rem3A_759] : memref<2x!tpu.dma_semaphore, #tpu.memory_space<semaphore_mem>> -> memref<1x!tpu.dma_semaphore, #tpu.memory_space<semaphore_mem>>
              %dma_wait3A_760 = tpu.memref_squeeze %dma_wait3A : memref<1x!tpu.dma_semaphore, #tpu.memory_space<semaphore_mem>> -> memref<!tpu.dma_semaphore, #tpu.memory_space<semaphore_mem>>
              %dma_wait3A_761 = arith.constant 0 : i32
              %dma_wait3A_762 = arith.constant 0 : i32
              %dma_wait3A_763 = arith.constant 0 : i32
              %dma_wait3A_764 = tpu.memref_slice %run_scoped3A[%rem3A_759, %dma_wait3A_761, %dma_wait3A_762, %dma_wait3A_763] : memref<2x1x512x1024xf32, #tpu.memory_space<vmem>> -> memref<1x1x512x1024xf32, #tpu.memory_space<vmem>>
              %dma_wait3A_765 = tpu.memref_squeeze %dma_wait3A_764 : memref<1x1x512x1024xf32, #tpu.memory_space<vmem>> -> memref<1x512x1024xf32, #tpu.memory_space<vmem>>
              %dma_wait3A_766 = arith.constant 0 : i32
              %dma_wait3A_767 = tpu.memref_slice %arg4[%mul3A_755, %mul3A_757, %dma_wait3A_766] : memref<16x2048x1024xf32, #tpu.memory_space<any>> -> memref<1x512x1024xf32, #tpu.memory_space<any>>
              tpu.wait_dma2 semaphore(%dma_wait3A_760 : memref<!tpu.dma_semaphore, #tpu.memory_space<semaphore_mem>>) src(%dma_wait3A_767 : memref<1x512x1024xf32, #tpu.memory_space<any>>) dst(%dma_wait3A_765 : memref<1x512x1024xf32, #tpu.memory_space<vmem>>)
              "tpu.trace_stop"() : () -> ()
            } else {
            }
            %rem3A_649 = arith.constant 2 : i32
            %rem3A_650 = arith.remui %while3A_562, %rem3A_649 : i32
            "tpu.trace_start"() <{level = 10 : i32, message = "ep_run_kernel"}> : () -> ()
            %get3A_651 = arith.constant 0 : index
            %get3A_652 = memref.load %arg6[%get3A_651] : memref<1xi32, #tpu.memory_space<smem>>
            %get3A_653 = arith.index_cast %get3A_652 : i32 to index
            %get3A_654 = memref.load %arg2[%get3A_653] : memref<64xi32, #tpu.memory_space<smem>>
            %get3A_655 = arith.index_cast %get3A_654 : i32 to index
            %get3A_656 = arith.constant 0 : index
            %get3A_657 = arith.constant 0 : index
            %get3A_658 = vector.load %arg5[%get3A_655, %get3A_656, %get3A_657] : memref<16x8x1024xf32, #tpu.memory_space<vmem>>, vector<1x8x1024xf32>
            %get3A_659 = arith.constant 0 : i32
            %get3A_660 = arith.constant 0 : i32
            %get3A_661 = arith.constant 0 : i32
            %get3A_662 = tpu.memref_slice %run_scoped3A[%rem3A_650, %get3A_659, %get3A_660, %get3A_661] : memref<2x1x512x1024xf32, #tpu.memory_space<vmem>> -> memref<1x1x512x1024xf32, #tpu.memory_space<vmem>>
            %get3A_663 = tpu.memref_squeeze %get3A_662 : memref<1x1x512x1024xf32, #tpu.memory_space<vmem>> -> memref<1x512x1024xf32, #tpu.memory_space<vmem>>
            %get3A_664 = arith.constant 0 : index
            %get3A_665 = arith.constant 0 : index
            %get3A_666 = arith.constant 0 : index
            %get3A_667 = vector.load %get3A_663[%get3A_664, %get3A_665, %get3A_666] : memref<1x512x1024xf32, #tpu.memory_space<vmem>>, vector<1x512x1024xf32>
            %get3A_668 = vector.shape_cast %get3A_667 : vector<1x512x1024xf32> to vector<512x1024xf32>
            %reshape3A = vector.shape_cast %get3A_668 : vector<512x1024xf32> to vector<64x8x1024xf32>
            %reduce_sum3A = arith.constant dense<0.000000e+00> : vector<8x1024xf32>
            %reduce_sum3A_669 = vector.multi_reduction <add>, %reshape3A, %reduce_sum3A [0] : vector<64x8x1024xf32> to vector<8x1024xf32>
            %broadcast_in_dim3A_670 = vector.shape_cast %reduce_sum3A_669 : vector<8x1024xf32> to vector<1x8x1024xf32>
            %add3A_671 = arith.addf %get3A_658, %broadcast_in_dim3A_670 : vector<1x8x1024xf32>
            %swap3A_672 = arith.index_cast %get3A_654 : i32 to index
            %swap3A_673 = arith.constant 0 : index
            %swap3A_674 = arith.constant 0 : index
            %swap3A_675 = vector.load %arg5[%swap3A_672, %swap3A_673, %swap3A_674] : memref<16x8x1024xf32, #tpu.memory_space<vmem>>, vector<1x8x1024xf32>
            tpu.vector_store %arg5[%swap3A_672, %swap3A_673, %swap3A_674], %add3A_671 {strides = array<i32>} : memref<16x8x1024xf32, #tpu.memory_space<vmem>>, vector<1x8x1024xf32>,
            %add3A_676 = arith.constant 1 : i32
            %add3A_677 = arith.addi %get3A_652, %add3A_676 : i32
            %swap3A_678 = arith.constant 0 : index
            %swap3A_679 = memref.load %arg6[%swap3A_678] : memref<1xi32, #tpu.memory_space<smem>>
            memref.store %add3A_677, %arg6[%swap3A_678] : memref<1xi32, #tpu.memory_space<smem>>
            "tpu.trace_stop"() : () -> ()
            %get3A_680 = arith.index_cast %add3A_572 : i32 to index
            %get3A_681 = memref.load %arg2[%get3A_680] : memref<64xi32, #tpu.memory_space<smem>>
            %get3A_682 = arith.index_cast %add3A_572 : i32 to index
            %get3A_683 = memref.load %arg3[%get3A_682] : memref<64xi32, #tpu.memory_space<smem>>
            %get3A_684 = arith.index_cast %add3A_592 : i32 to index
            %get3A_685 = memref.load %arg2[%get3A_684] : memref<64xi32, #tpu.memory_space<smem>>
            %get3A_686 = arith.index_cast %add3A_592 : i32 to index
            %get3A_687 = memref.load %arg3[%get3A_686] : memref<64xi32, #tpu.memory_space<smem>>
            %ne3A_688 = arith.cmpi ne, %get3A_681, %get3A_685 : i32
            %ne3A_689 = arith.cmpi ne, %get3A_683, %get3A_687 : i32
            %or3A_690 = arith.constant false
            %or3A_691 = arith.ori %or3A_690, %ne3A_688 : i1
            %or3A_692 = arith.ori %or3A_691, %ne3A_689 : i1
            %or3A_693 = arith.constant false
            %or3A_694 = arith.ori %or3A_692, %or3A_693 : i1
            %or3A_695 = arith.ori %or3A_694, %eq3A_570 : i1
            %convert_element_type3A_696 = arith.extui %or3A_695 : i1 to i32
            %cond3A_697 = arith.constant 0 : i32
            %cond3A_698 = arith.cmpi ne, %convert_element_type3A_696, %cond3A_697 : i32
            scf.if %cond3A_698 {
            } else {
            }
            %and3A_699 = arith.constant false
            %and3A_700 = arith.andi %or3A_695, %and3A_699 : i1
            %get3A_701 = arith.index_cast %add3A_572 : i32 to index
            %get3A_702 = memref.load %arg2[%get3A_701] : memref<64xi32, #tpu.memory_space<smem>>
            %get3A_703 = arith.index_cast %add3A_572 : i32 to index
            %get3A_704 = memref.load %arg3[%get3A_703] : memref<64xi32, #tpu.memory_space<smem>>
            %get3A_705 = arith.index_cast %add3A_583 : i32 to index
            %get3A_706 = memref.load %arg2[%get3A_705] : memref<64xi32, #tpu.memory_space<smem>>
            %get3A_707 = arith.index_cast %add3A_583 : i32 to index
            %get3A_708 = memref.load %arg3[%get3A_707] : memref<64xi32, #tpu.memory_space<smem>>
            %ne3A_709 = arith.cmpi ne, %get3A_702, %get3A_706 : i32
            %ne3A_710 = arith.cmpi ne, %get3A_704, %get3A_708 : i32
            %or3A_711 = arith.constant false
            %or3A_712 = arith.ori %or3A_711, %ne3A_709 : i1
            %or3A_713 = arith.ori %or3A_712, %ne3A_710 : i1
            %or3A_714 = arith.constant false
            %or3A_715 = arith.ori %or3A_713, %or3A_714 : i1
            %not3A_716 = arith.constant true
            %not3A_717 = arith.xori %eq3A_567, %not3A_716 : i1
            %and3A_718 = arith.andi %or3A_715, %not3A_717 : i1
            %convert_element_type3A_719 = arith.extui %and3A_718 : i1 to i32
            %cond3A_720 = arith.constant 0 : i32
            %cond3A_721 = arith.cmpi ne, %convert_element_type3A_719, %cond3A_720 : i32
            scf.if %cond3A_721 {
            } else {
            }
            %and3A_722 = arith.constant false
            %and3A_723 = arith.andi %and3A_718, %and3A_722 : i1
            %get3A_724 = arith.index_cast %add3A_572 : i32 to index
            %get3A_725 = memref.load %arg2[%get3A_724] : memref<64xi32, #tpu.memory_space<smem>>
            %get3A_726 = arith.index_cast %add3A_572 : i32 to index
            %get3A_727 = memref.load %arg3[%get3A_726] : memref<64xi32, #tpu.memory_space<smem>>
            %get3A_728 = arith.index_cast %add3A_592 : i32 to index
            %get3A_729 = memref.load %arg2[%get3A_728] : memref<64xi32, #tpu.memory_space<smem>>
            %get3A_730 = arith.index_cast %add3A_592 : i32 to index
            %get3A_731 = memref.load %arg3[%get3A_730] : memref<64xi32, #tpu.memory_space<smem>>
            %ne3A_732 = arith.cmpi ne, %get3A_725, %get3A_729 : i32
            %ne3A_733 = arith.cmpi ne, %get3A_727, %get3A_731 : i32
            %or3A_734 = arith.constant false
            %or3A_735 = arith.ori %or3A_734, %ne3A_732 : i1
            %or3A_736 = arith.ori %or3A_735, %ne3A_733 : i1
            %or3A_737 = arith.constant false
            %or3A_738 = arith.ori %or3A_736, %or3A_737 : i1
            %or3A_739 = arith.ori %or3A_738, %eq3A_570 : i1
            %add3A_740 = arith.constant 1 : i32
            %add3A_741 = arith.addi %while3A_562, %add3A_740 : i32
            %select_n3A_742 = arith.select %or3A_739, %add3A_741, %while3A_562 : i32
            %add3A_743 = arith.constant 1 : i32
            %add3A_744 = arith.addi %while3A_563, %add3A_743 : i32
            %select_n3A_745 = arith.constant true
            %select_n3A_746 = arith.select %select_n3A_745, %add3A_744, %while3A_563 : i32
            %eq3A_747 = arith.cmpi eq, %select_n3A_746, %add3A_427 : i32
            %select_n3A_748 = arith.constant 0 : i32
            %select_n3A_749 = arith.select %eq3A_747, %select_n3A_748, %select_n3A_746 : i32
            scf.yield %select_n3A_629, %select_n3A_742, %select_n3A_749 : i32, i32, i32
          }
          %sub3A_508 = arith.constant 1 : i32
          %sub3A_509 = arith.subi %while3A_507#2, %sub3A_508 : i32
          %select_n3A_510 = arith.constant true
          %select_n3A_511 = arith.select %select_n3A_510, %sub3A_509, %while3A_507#2 : i32
          %eq3A_512 = arith.constant -1 : i32
          %eq3A_513 = arith.cmpi eq, %select_n3A_511, %eq3A_512 : i32
          %sub3A_514 = arith.constant 1 : i32
          %sub3A_515 = arith.subi %add3A_427, %sub3A_514 : i32
          %select_n3A_516 = arith.select %eq3A_513, %sub3A_515, %select_n3A_511 : i32
          %sub3A_517 = arith.constant 1 : i32
          %sub3A_518 = arith.subi %mul3A_430, %sub3A_517 : i32
          %mul3A_519 = arith.constant 1 : i32
          %mul3A_520 = arith.muli %mul3A_519, %add3A_427 : i32
          %eq3A_521 = arith.constant 0 : i32
          %eq3A_522 = arith.cmpi eq, %sub3A_518, %eq3A_521 : i32
          %sub3A_523 = arith.constant 1 : i32
          %sub3A_524 = arith.subi %mul3A_520, %sub3A_523 : i32
          %eq3A_525 = arith.cmpi eq, %sub3A_518, %sub3A_524 : i32
          %add3A_526 = arith.constant 0 : i32
          %add3A_527 = arith.addi %select_n3A_516, %add3A_526 : i32
          %sub3A_528 = arith.constant 1 : i32
          %sub3A_529 = arith.subi %select_n3A_516, %sub3A_528 : i32
          %select_n3A_530 = arith.constant true
          %select_n3A_531 = arith.select %select_n3A_530, %sub3A_529, %select_n3A_516 : i32
          %eq3A_532 = arith.constant -1 : i32
          %eq3A_533 = arith.cmpi eq, %select_n3A_531, %eq3A_532 : i32
          %sub3A_534 = arith.constant 1 : i32
          %sub3A_535 = arith.subi %add3A_427, %sub3A_534 : i32
          %select_n3A_536 = arith.select %eq3A_533, %sub3A_535, %select_n3A_531 : i32
          %add3A_537 = arith.constant 0 : i32
          %add3A_538 = arith.addi %select_n3A_536, %add3A_537 : i32
          %add3A_539 = arith.constant 1 : i32
          %add3A_540 = arith.addi %select_n3A_516, %add3A_539 : i32
          %select_n3A_541 = arith.constant true
          %select_n3A_542 = arith.select %select_n3A_541, %add3A_540, %select_n3A_516 : i32
          %eq3A_543 = arith.cmpi eq, %select_n3A_542, %add3A_427 : i32
          %select_n3A_544 = arith.constant 0 : i32
          %select_n3A_545 = arith.select %eq3A_543, %select_n3A_544, %select_n3A_542 : i32
          %add3A_546 = arith.constant 0 : i32
          %add3A_547 = arith.addi %select_n3A_545, %add3A_546 : i32
          %add3A_548 = arith.constant 1 : i32
          %add3A_549 = arith.addi %select_n3A_545, %add3A_548 : i32
          %select_n3A_550 = arith.constant true
          %select_n3A_551 = arith.select %select_n3A_550, %add3A_549, %select_n3A_545 : i32
          %eq3A_552 = arith.cmpi eq, %select_n3A_551, %add3A_427 : i32
          %select_n3A_553 = arith.constant 0 : i32
          %select_n3A_554 = arith.select %eq3A_552, %select_n3A_553, %select_n3A_551 : i32
          %add3A_555 = arith.constant 0 : i32
          %add3A_556 = arith.addi %select_n3A_554, %add3A_555 : i32
          %convert_element_type3A_557 = arith.extui %eq3A_525 : i1 to i32
          %cond3A_558 = arith.constant 0 : i32
          %cond3A_559 = arith.cmpi ne, %convert_element_type3A_557, %cond3A_558 : i32
          scf.if %cond3A_559 {
          } else {
          }
        } else {
        }
        tpu.yield
      }) : () -> ()
    } else {
    }
    return
  }
  func.func @transform_1(%arg0: i32, %arg1: memref<16xi32, #tpu.memory_space<smem>>, %arg2: memref<64xi32, #tpu.memory_space<smem>>, %arg3: memref<64xi32, #tpu.memory_space<smem>>) -> (i32, i32, i32) {
    %c0_i32 = arith.constant 0 : i32
    %c0_i32_0 = arith.constant 0 : i32
    %c0_i32_1 = arith.constant 0 : i32
    %c0_i32_2 = arith.constant 0 : i32
    return %c0_i32, %c0_i32_0, %c0_i32_1 : i32, i32, i32
  }
}

</mosaic_0001>

<sc_bundles>
// kernel: _mean_pool.4.cloned.1.call-start
scs
__scs_entry_jumppad:
0x0: {  	(pc) =	sbr.rel $0x88, $3  }
0x1: {  	(tag) =	ssettag $0x0;
	lr =	simm.s32 $0x1  }
0x2: {  	[smem:$0x3F9F] =	sst lr;
	_ =	strace $0xD0000000  }
0x3: {  	_ = 	snop  }
0x4: {  	_ = 	snop  }
0x5: {  	_ = 	snop  }
0x6: {  	_ = 	snop  }
0x7: {  	_ = 	snop  }
__scs_overlays_trampoline_lowered:
0x8: {  	[smem:$0x3FAE] =	sst s0  }
0x9: {  	[smem:$0x3FAF] =	sst s1  }
0xa: {  	[smem:$0x3FB0] =	sst s2  }
0xb: {  	[smem:$0x3FB1] =	sst s3  }
0xc: {  	[smem:$0x3FB2] =	sst s4  }
0xd: {  	[smem:$0x3FB3] =	sst s5  }
0xe: {  	[smem:$0x3FB4] =	sst s6  }
0xf: {  	[smem:$0x3FB5] =	sst s7  }
0x10: {  	[smem:$0x3FB6] =	sst s8  }
0x11: {  	[smem:$0x3FB7] =	sst s9;
	s0 =	simm.s32 @!p0 $0x0  }
0x12: {  	s1 =	sld [smem:$0x3F9D];
	s0 =	simm.s32 @p0 $0x1  }
0x13: {  	[smem:$0x3FB8] =	sst s0;
	s0 =	simm.s32 @!p1 $0x0  }
0x14: {  	s2 =	sld [smem:$0x3F9C];
	s0 =	simm.s32 @p1 $0x1  }
0x15: {  	[smem:$0x3FB9] =	sst s0;
	s0 =	simm.s32 @!p2 $0x0  }
0x16: {  	s3 =	sld [smem:$0x3FDB];
	s0 =	simm.s32 @p2 $0x1  }
0x17: {  	s4 =	simm.s32 $0x1BF5;
	[smem:$0x3FBB] =	sst s0  }
0x18: {  	s0 =	sld [smem:$0x3F9E];
	_ =	swait.ge [sflag:s4], $0x0  }
0x19: {  	s7 =	sld [smem:$0x3F9F]  }
0x1a: {  	s8 =	sadd.s32 $0xFFFFE003, lr  }
0x1b: {  	s9 =	sadd.s32 $0xFFFFFEF7, lr;
	s5 =	simm.s32 $0xFFFFFFFF;
	p2 =	slt.u32 s8, $0xFFFFF086  }
0x1c: {  	p1 =	slt.u32 s9, $0xF7A;
	s5 =	simm.s32 @!p2 $0x0  }
0x1d: {  	s5 =	simm.s32 @p1 $0x1;
	p0 =	seq.s32 s7, s2  }
0x1e: {  	s7 =	smul.u32 @!p0 $0xF7A, s2;
	p2 =	seq.s32 @!p0 s5, $0x0  }
0x1f: {  	s9 =	smul.u32 $0xF7A, s1;
	s8 =	simm.s32 @!p0 $0x1BF5;
	p2 =	por !p2, p0  }
0x20: {  	[sflag:s8] =	ssyncset.s32 @!p0 $0xFFFFF086;
	s6 =	sadd.s32 @!p0 s3, s7;
	s7 =	simm.s32 @!p0 $0x108  }
0x21: {  	s3 =	sadd.s32 s3, s9;
	s6 =	sadd.s32 @!p0 $0x88, s6;
	s7 =	simm.s32 @p2 $0x1082  }
0x22: {  	[simem:s7], [sflag:s8] =	dma.local @!p0 [hbm:s6], $0xF7A  }
0x23: {  	s9 =	sor.u32 $0xD0000000, s2;
	s6 =	simm.s32 $0x108;
	_ =	swait.ge @!p0 [sflag:s8], $0x0  }
0x24: {  	s3 =	sadd.s32 $0x88, s3;
	s6 =	simm.s32 @!p1 $0x1082;
	[sflag:s4] =	ssyncset.s32 $0xFFFFF086  }
0x25: {  	[simem:s6], [sflag:s4] =	dma.local [hbm:s3], $0xF7A  }
0x26: {  	[smem:$0x3F9F] =	sst s1;
	(tag) =	ssettag s2;
	_ =	strace s9  }
0x27: {  	s1 =	sld [smem:$0x3FAF]  }
0x28: {  	s2 =	sld [smem:$0x3FB0]  }
0x29: {  	s4 =	sld [smem:$0x3FB2]  }
0x2a: {  	p0 =	seq.s32 s5, $0x0;
	s5 =	sld [smem:$0x3FB3]  }
0x2b: {  	s6 =	sld [smem:$0x3FB4]  }
0x2c: {  	s7 =	sld [smem:$0x3FB5]  }
0x2d: {  	s3 =	simm.s32 $0x108;
	s8 =	sld [smem:$0x3FB6]  }
0x2e: {  	s3 =	simm.s32 @!p0 $0x1082;
	s9 =	sld [smem:$0x3FB7]  }
0x2f: {  	lr =	sadd.s32 s0, s3;
	s0 =	sld [smem:$0x3FAE]  }
0x30: {  	s3 =	sld [smem:$0x3FB1]  }
0x31: {  	[smem:$0x3FBA] =	sst s10  }
0x32: {  	s10 =	sld [smem:$0x3FB8];
	_ =	sdelay $0x3  }
0x33: {  	p0 =	seq.s32 s10, $0x1;
	s10 =	sld [smem:$0x3FBA];
	_ =	sdelay $0x3  }
0x34: {  	[smem:$0x3FBA] =	sst s10  }
0x35: {  	s10 =	sld [smem:$0x3FB9];
	_ =	sdelay $0x3  }
0x36: {  	p1 =	seq.s32 s10, $0x1;
	s10 =	sld [smem:$0x3FBA];
	_ =	sdelay $0x3  }
0x37: {  	[smem:$0x3FBA] =	sst s10  }
0x38: {  	s10 =	sld [smem:$0x3FBB]  }
0x39: {  	_ = 	snop;
	(pc) =	sbr.ind lr, $3  }
0x3a: {  	_ = 	snop  }
0x3b: {  	_ = 	snop  }
0x3c: {  	p2 =	seq.s32 s10, $0x1;
	s10 =	sld [smem:$0x3FBA]  }
0x3d: {  	_ =	shalt  }
0x3e: {  	_ =	shalt  }
0x3f: {  	_ =	shalt  }
0x40: {  	_ =	shalt  }
0x41: {  	_ =	shalt  }
0x42: {  	_ =	shalt  }
0x43: {  	_ =	shalt  }
0x44: {  	_ =	shalt  }
0x45: {  	_ =	shalt  }
0x46: {  	_ =	shalt  }
0x47: {  	_ =	shalt  }
0x48: {  	_ =	shalt  }
0x49: {  	_ =	shalt  }
0x4a: {  	_ =	shalt  }
0x4b: {  	_ =	shalt  }
0x4c: {  	_ =	shalt  }
0x4d: {  	_ =	shalt  }
0x4e: {  	_ =	shalt  }
0x4f: {  	_ =	shalt  }
0x50: {  	_ =	shalt  }
0x51: {  	_ =	shalt  }
0x52: {  	_ =	shalt  }
0x53: {  	_ =	shalt  }
0x54: {  	_ =	shalt  }
0x55: {  	_ =	shalt  }
0x56: {  	_ =	shalt  }
0x57: {  	_ =	shalt  }
0x58: {  	_ =	shalt  }
0x59: {  	_ =	shalt  }
0x5a: {  	_ =	shalt  }
0x5b: {  	_ =	shalt  }
0x5c: {  	_ =	shalt  }
0x5d: {  	_ =	shalt  }
0x5e: {  	_ =	shalt  }
0x5f: {  	_ =	shalt  }
0x60: {  	_ =	shalt  }
0x61: {  	_ =	shalt  }
0x62: {  	_ =	shalt  }
0x63: {  	_ =	shalt  }
0x64: {  	_ =	shalt  }
0x65: {  	_ =	shalt  }
0x66: {  	_ =	shalt  }
0x67: {  	_ =	shalt  }
0x68: {  	_ =	shalt  }
0x69: {  	_ =	shalt  }
0x6a: {  	_ =	shalt  }
0x6b: {  	_ =	shalt  }
0x6c: {  	_ =	shalt  }
0x6d: {  	_ =	shalt  }
0x6e: {  	_ =	shalt  }
0x6f: {  	_ =	shalt  }
0x70: {  	_ =	shalt  }
0x71: {  	_ =	shalt  }
0x72: {  	_ =	shalt  }
0x73: {  	_ =	shalt  }
0x74: {  	_ =	shalt  }
0x75: {  	_ =	shalt  }
0x76: {  	_ =	shalt  }
0x77: {  	_ =	shalt  }
0x78: {  	_ =	shalt  }
0x79: {  	_ =	shalt  }
0x7a: {  	_ =	shalt  }
0x7b: {  	_ =	shalt  }
0x7c: {  	_ =	shalt  }
0x7d: {  	_ =	shalt  }
0x7e: {  	_ =	shalt  }
0x7f: {  	_ =	shalt  }
0x80: {  	_ =	shalt  }
0x81: {  	_ =	shalt  }
0x82: {  	_ =	shalt  }
0x83: {  	_ =	shalt  }
0x84: {  	_ =	shalt  }
0x85: {  	_ =	shalt  }
0x86: {  	_ =	shalt  }
0x87: {  	_ =	shalt  }
.Lfunc_end0:
.L_simem_size_0:
called_computation_lowered:
.L_overlay_start_0:
0x88: {  	s2 =	sld [smem:$0x3FD9]  }
0x89: {  	s3 =	sld [smem:$0x3FFE];
	_ =	sdelay $0x1  }
0x8a: {  	s1 =	srdreg.scid  }
0x8b: {  	s0 =	sand.u32 $0x1, s1  }
0x8c: {  	s18 =	sshll.u32 s0, $0xA;
	s2 =	sadd.s32 s3, s2  }
0x8d: {  	s2 =	sadd.s32 s2, s18  }
0x8e: {  	[smem:$0x3FC6] =	sst s2  }
0x8f: {  	_ = 	snop  }
0x90: {  	s2 =	sld [smem:$0x3FC9]  }
0x91: {  	s19 =	sld [smem:$0x3FC8]  }
0x92: {  	s4 =	sld [smem:$0x3FD0];
	(tm) =	ssettm $0x1  }
0x93: {  	s5 =	sld [smem:$0x3FFB];
	_ =	sdelay $0x3  }
0x94: {  	_ =	strace s5  }
0x95: {  	s5 =	sld [smem:$0x3FFC];
	_ =	sdelay $0x3  }
0x96: {  	_ =	strace s5  }
0x97: {  	s5 =	sld [smem:$0x3FFD];
	_ =	sdelay $0x3  }
0x98: {  	_ =	strace s5  }
0x99: {  	_ =	strace $0x8FFFFFFF  }
0x9a: {  	s20 =	sld [smem:$0x3FDB];
	_ =	sdelay $0x1  }
0x9b: {  	s6 =	simm.s32 $_scs_section_size  }
0x9c: {  	s7 =	simm.s32 $_size__tile_overlayer_lowered;
	s8 =	simm.s32 $_tile_overlayer_lowered  }
0x9d: {  	s23 =	simm.s32 $0x1BFF;
	s22 =	sshll.u32 s8, $0x1;
	s5 =	sadd.s32 s6, s20  }
0x9e: {  	s9 =	simm.s32 $0x0;
	s21 =	sshll.u32 s7, $0x1;
	s7 =	sadd.s32 s22, s5  }
0x9f: {  	[timem:s9], [sflag:s23] =	dma.local [hbm:s7], s21  }
0xa0: {  	_ =	swait.ge [sflag:s23], s21  }
0xa1: {  	s6 =	ssub.s32 $0x0, s21;
	[sflag:s23] =	ssyncset.done $0x0  }
0xa2: {  	[sflag:s23] =	ssyncadd.s32 s6;
	_ =	sdelay $0x1  }
0xa3: {  	s24 =	simm.s32 $0x1B8B  }
0xa4: {  	_ =	swait.ge [sflag:s24], $0x1  }
0xa5: {  	[sflag:s24] =	ssyncset.done $0x0  }
0xa6: {  	s25 =	simm.s32 $0x1B8E;
	[sflag:s24] =	ssyncadd.s32 $0xFFFFFFFF  }
0xa7: {  	s26 =	simm.s32 $execute0_lowered;
	[smem:$0x3FD2] =	sst s25  }
0xa8: {  	s6 =	sshll.u32 s26, $0x1;
	_ =	strace $0x80000046;
	[dreg:$0x1] =	wrdreg $0xFFFFFFFF  }
0xa9: {  	s28 =	simm.s32 $_size_execute0_lowered;
	s5 =	sadd.s32 s5, s6;
	[dreg:$0x0] =	wrdreg $0x0  }
0xaa: {  	s6 =	sshll.u32 s28, $0x1;
	[dreg:$0x2] =	wrdreg s5  }
0xab: {  	[dreg:$0x3] =	wrdreg s6  }
0xac: {  	[dreg:$0x4] =	wrdreg $0xC0  }
0xad: {  	_ =	task [dreg:s9], $0x5FFFF  }
0xae: {  	[dreg:$0x1] =	wrdreg $0xFFFFFFFF  }
0xaf: {  	[dreg:$0x0] =	wrdreg $0x60  }
0xb0: {  	[dreg:$0x2] =	wrdreg s2  }
0xb1: {  	[dreg:$0x3] =	wrdreg s19  }
0xb2: {  	[dreg:$0x4] =	wrdreg s4  }
0xb3: {  	[dreg:$0x5] =	wrdreg $0x9  }
0xb4: {  	_ =	task.clear_ibuf [dreg:s9], $0x6FFFF;
	_ =	strace $0x90000046  }
0xb5: {  	s29 =	simm.s32 $0x9;
	_ =	strace $0x80000048  }
0xb6: {  	_ =	swait.ge [sflag:s29], $0x1  }
0xb7: {  	[sflag:s29] =	ssyncadd.s32 $0xFFFFFFFF  }
0xb8: {  	_ =	strace $0x90000048  }
0xb9: {  	_ =	sfence  }
0xba: {  	s30 =	sld [smem:$0x0];
	_ =	sdelay $0x2  }
0xbb: {  	s31 =	sshll.u32 s1, $0xD;
	s1 =	sshrl.u32 s1, $0x2  }
0xbc: {  	s3 =	sand.u32 $0x4000, s31;
	s1 =	sadd.s32 s1, s30  }
0xbd: {  	s0 =	sor.u32 s3, s0;
	s1 =	sshll.u32 s1, $0x11  }
0xbe: {  	s0 =	sor.u32 s1, s0  }
0xbf: {  	s0 =	sadd.s32 $0x8F2B, s0  }
0xc0: {  	[sflag:s0] =	ssyncadd.remote.s32 $0x1  }
0xc1: {  	_ =	sfence.sel $0xFFFF  }
0xc2: {  	[dreg:$0x0] =	wrdreg $0xFFFFFFFF;
	(pc) =	sbr.abs _section_cstart, $3  }
0xc3: {  	[dreg:$0x1] =	wrdreg $0xFFFFFFFF  }
0xc4: {  	_ =	task.clear_ibuf [dreg:s9], $0x2FFFF;
	_ =	strace $0x9FFFFFFF  }
0xc5: {  	(tm) =	ssettm $0x7FFFFFFF  }
tec
execute0_lowered:
.L_overlay_start_1:
0x0: {  	(tag) =	ssettag $0x1  }
0x1: {  	s5 =	rddreg [dreg:$0x0]  }
0x2: {  	s1 =	rddreg [dreg:$0x1];
	s0 =	srdreg.scid  }
0x3: {  	s4 =	rddreg [dreg:$0x2];
	s3 =	simm.s32 $0x0;
	s2 =	stileid.u32  }
0x4: {  	s14 =	simm.s32 $0x0;
	s9 =	sand.u32 $0x1, s0;
	s0 =	rddreg [dreg:$0x3]  }
0x5: {  	[smem:$0x7FF] =	sst s3;
	s15 =	sshrl.u32 s2, $0x1;
	s29 =	sshll.u32 s2, $0x9  }
0x6: {  	s6 =	ssub.s32 $0x2, s9;
	_ =	strace $0x80000047;
	s30 =	sshll.u32 s9, $0x18  }
0x7: {  	s10 =	sshll.u32 s9, $0xA;
	s11 =	sshll.u32 s15, $0x15;
	s12 =	sshll.u32 s15, $0x4  }
0x8: {  	s13 =	sand.u32 $0x200, s29;
	p0 =	seq.s32 s9, $0x0;
	p3 =	seq.s32 s15, $0x5  }
0x9: {  	p4 =	seq.s32 s15, $0x4;
	p5 =	seq.s32 s15, $0x3;
	p6 =	seq.s32 s15, $0x2  }
0xa: {  	s7 =	sshrl.u32 s6, $0x1;
	s10 =	sadd.s32 s4, s10;
	s4 =	sor.u32 s11, s30  }
0xb: {  	s5 =	sadd.s32 s5, s13;
	s9 =	simm.s32 @!p0 $0x0;
	s11 =	simm.s32 $0x80  }
0xc: {  	s8 =	ssub.s32 s6, s7;
	s31 =	sadd.s32 s12, s10;
	s6 =	sor.u32 $0x10000, s4  }
0xd: {  	s9 =	simm.s32 @p0 $0x1;
	p0 =	seq.s32 s15, $0x7;
	s10 =	simm.s32 $0x1  }
.Ltmp0:
0xe: {  	[smem:$0x7FB] =	sst s9;
	s9 =	simm.s32 @!p0 $0x0;
	(pc) =	sbr.rel .LBB2_1-.Ltmp0, $4  }
0xf: {  	s12 =	simm.s32 $0x400;
	s9 =	simm.s32 @p0 $0x1;
	p0 =	seq.s32 s15, $0x6  }
0x10: {  	s7 =	sadd.s32 s13, s31;
	[smem:$0x7FC] =	sst s9;
	s9 =	simm.s32 @!p0 $0x0  }
0x11: {  	s8 =	smax.u32 s8, $0x1;
	s13 =	simm.s32 $0x10080;
	s9 =	simm.s32 @p0 $0x1  }
0x12: {  	p0 =	seq.s32 s15, $0x1;
	[smem:$0x7FD] =	sst s9;
	s9 =	simm.s32 $0x3  }
.LBB2_2:
0x13: {  	v31 =	vimm.f32 $0.0e+00;
	v30 =	vimm.f32 $0.0e+00  }
0x14: {  	v29 =	vimm.f32 $0.0e+00;
	v28 =	vimm.f32 $0.0e+00;
	v27 =	vimm.f32 $0.0e+00  }
0x15: {  	v26 =	vimm.f32 $0.0e+00;
	v25 =	vimm.f32 $0.0e+00;
	v24 =	vimm.f32 $0.0e+00  }
0x16: {  	v23 =	vimm.f32 $0.0e+00;
	v22 =	vimm.f32 $0.0e+00;
	v21 =	vimm.f32 $0.0e+00  }
0x17: {  	v20 =	vimm.f32 $0.0e+00;
	v19 =	vimm.f32 $0.0e+00;
	v18 =	vimm.f32 $0.0e+00  }
0x18: {  	v17 =	vimm.f32 $0.0e+00;
	v16 =	vimm.f32 $0.0e+00;
	v15 =	vimm.f32 $0.0e+00  }
0x19: {  	v14 =	vimm.f32 $0.0e+00;
	v13 =	vimm.f32 $0.0e+00;
	v12 =	vimm.f32 $0.0e+00  }
0x1a: {  	v11 =	vimm.f32 $0.0e+00;
	v10 =	vimm.f32 $0.0e+00;
	v9 =	vimm.f32 $0.0e+00  }
0x1b: {  	v8 =	vimm.f32 $0.0e+00;
	v7 =	vimm.f32 $0.0e+00;
	v6 =	vimm.f32 $0.0e+00  }
0x1c: {  	v5 =	vimm.f32 $0.0e+00;
	v4 =	vimm.f32 $0.0e+00;
	v3 =	vimm.f32 $0.0e+00  }
0x1d: {  	v2 =	vimm.f32 $0.0e+00;
	v1 =	vimm.f32 $0.0e+00;
	v0 =	vimm.f32 $0.0e+00  }
.LBB2_13:
0x1e: {  	v32 =	vmov s15  }
0x1f: {  	v32 =	vcvt.s32.f32 v32;
	_ =	sdelay $0x1  }
0x20: {  	v32 =	vbroadcast v32, $0x0;
	_ =	sdelay $0x1  }
0x21: {  	(erf) = vrcp.f32 v32;
	_ =	sdelay $0x8  }
0x22: {  	v32 =	vpop (erf)  }
0x23: {  	v31 =	vmul.f32 v31, v32  }
0x24: {  	v30 =	vmul.f32 v30, v32  }
0x25: {  	v29 =	vmul.f32 v29, v32;
	[tilespmem:$0x10080] =	vst v31  }
0x26: {  	v28 =	vmul.f32 v28, v32;
	[tilespmem:$0x10090] =	vst v30  }
0x27: {  	v27 =	vmul.f32 v27, v32;
	[tilespmem:$0x100A0] =	vst v29  }
0x28: {  	v26 =	vmul.f32 v26, v32;
	[tilespmem:$0x100B0] =	vst v28  }
0x29: {  	v25 =	vmul.f32 v25, v32;
	[tilespmem:$0x100C0] =	vst v27  }
0x2a: {  	v24 =	vmul.f32 v24, v32;
	[tilespmem:$0x100D0] =	vst v26  }
0x2b: {  	v23 =	vmul.f32 v23, v32;
	[tilespmem:$0x100E0] =	vst v25  }
0x2c: {  	v22 =	vmul.f32 v22, v32;
	[tilespmem:$0x100F0] =	vst v24  }
0x2d: {  	v21 =	vmul.f32 v21, v32;
	[tilespmem:$0x10100] =	vst v23  }
0x2e: {  	v20 =	vmul.f32 v20, v32;
	[tilespmem:$0x10110] =	vst v22  }
0x2f: {  	v19 =	vmul.f32 v19, v32;
	[tilespmem:$0x10120] =	vst v21  }
0x30: {  	v18 =	vmul.f32 v18, v32;
	[tilespmem:$0x10130] =	vst v20  }
0x31: {  	v17 =	vmul.f32 v17, v32;
	[tilespmem:$0x10140] =	vst v19  }
0x32: {  	v16 =	vmul.f32 v16, v32;
	[tilespmem:$0x10150] =	vst v18  }
0x33: {  	v15 =	vmul.f32 v15, v32;
	[tilespmem:$0x10160] =	vst v17  }
0x34: {  	v14 =	vmul.f32 v14, v32;
	[tilespmem:$0x10170] =	vst v16  }
0x35: {  	v13 =	vmul.f32 v13, v32;
	[tilespmem:$0x10180] =	vst v15  }
0x36: {  	v12 =	vmul.f32 v12, v32;
	[tilespmem:$0x10190] =	vst v14  }
0x37: {  	v11 =	vmul.f32 v11, v32;
	[tilespmem:$0x101A0] =	vst v13  }
0x38: {  	v10 =	vmul.f32 v10, v32;
	[tilespmem:$0x101B0] =	vst v12  }
0x39: {  	v9 =	vmul.f32 v9, v32;
	[tilespmem:$0x101C0] =	vst v11  }
0x3a: {  	v8 =	vmul.f32 v8, v32;
	[tilespmem:$0x101D0] =	vst v10  }
0x3b: {  	v7 =	vmul.f32 v7, v32;
	[tilespmem:$0x101E0] =	vst v9  }
0x3c: {  	v6 =	vmul.f32 v6, v32;
	[tilespmem:$0x101F0] =	vst v8  }
0x3d: {  	v5 =	vmul.f32 v5, v32;
	[tilespmem:$0x10200] =	vst v7  }
0x3e: {  	v4 =	vmul.f32 v4, v32;
	[tilespmem:$0x10210] =	vst v6  }
0x3f: {  	v3 =	vmul.f32 v3, v32;
	[tilespmem:$0x10220] =	vst v5  }
0x40: {  	v2 =	vmul.f32 v2, v32;
	[tilespmem:$0x10230] =	vst v4  }
0x41: {  	v1 =	vmul.f32 v1, v32;
	[tilespmem:$0x10240] =	vst v3  }
0x42: {  	s14 =	sadd.s32 $0x1, s14;
	v0 =	vmul.f32 v0, v32;
	[tilespmem:$0x10250] =	vst v2  }
0x43: {  	p1 =	sne.s32 s14, s8;
	[tilespmem:$0x10260] =	vst v1  }
.Ltmp1:
0x44: {  	[tilespmem:$0x10270] =	vst v0;
	(pc) =	sbr.rel @!p1 .LBB2_14-.Ltmp1, $4  }
0x45: {  	[hbm4b:s7+s11] =	stream.strided.scatter [tilespmem:s13], [sflag:$0x3], $0x200, s12, s11, $0x38;
	[tilespmem:$0x10280] =	vst v63  }
0x46: {  	_ =	swait.ge [sflag:s9], $0x200  }
0x47: {  	[sflag:s9] =	ssyncset.done $0x0  }
0x48: {  	[sflag:s9] =	ssyncadd.s32 $0xFFFFFE00  }
.LBB2_1:
0x49: {  	[tilespmem:s3], [sflag:$0x3] =	stream.linear.gather [hbm4b:s1+s3], $0x80, $0x38;
	[tilespmem:$0x10280] =	vst v63  }
0x4a: {  	_ =	swait.ge [sflag:s9], $0x80  }
0x4b: {  	[sflag:s9] =	ssyncset.done $0x0  }
0x4c: {  	[sflag:s9] =	ssyncadd.s32 $0xFFFFFF80  }
0x4d: {  	v0 =	vld [tilespmem:$0x0];
	_ =	sdelay $0x4  }
0x4e: {  	(v2sf) =	vpush v0, $0x0  }
0x4f: {  	(v2sf) =	vpush v0, $0x8  }
0x50: {  	(v2sf) =	vpush v0, $0x1  }
0x51: {  	(v2sf) =	vpush v0, $0x9  }
0x52: {  	(v2sf) =	vpush v0, $0x2  }
0x53: {  	(v2sf) =	vpush v0, $0xA  }
0x54: {  	(v2sf) =	vpush v0, $0x3  }
0x55: {  	(v2sf) =	vpush v0, $0xB  }
0x56: {  	(v2sf) =	vpush v0, $0x4  }
0x57: {  	(v2sf) =	vpush v0, $0xC  }
0x58: {  	(v2sf) =	vpush v0, $0x5  }
0x59: {  	(v2sf) =	vpush v0, $0xD;
	_ =	sdelay $0x2  }
0x5a: {  	(v2sf) =	vpush v0, $0x6  }
0x5b: {  	(v2sf) =	vpush v0, $0xE;
	s16 =	spop (v2sf)  }
0x5c: {  	s15 =	spop (v2sf)  }
0x5d: {  	s17 =	spop (v2sf)  }
0x5e: {  	s18 =	spop (v2sf)  }
0x5f: {  	(v2sf) =	vpush v0, $0x7;
	s19 =	spop (v2sf)  }
0x60: {  	s20 =	spop (v2sf)  }
0x61: {  	s21 =	spop (v2sf)  }
0x62: {  	(v2sf) =	vpush v0, $0xF;
	s22 =	spop (v2sf)  }
0x63: {  	s15 =	smov.u32 @p0 s18;
	s23 =	spop (v2sf)  }
0x64: {  	s15 =	smov.u32 @p6 s20;
	s24 =	spop (v2sf)  }
0x65: {  	s16 =	smov.u32 @p0 s17;
	s15 =	smov.u32 @p5 s22;
	s17 =	spop (v2sf)  }
0x66: {  	s15 =	smov.u32 @p4 s24;
	s18 =	spop (v2sf)  }
0x67: {  	s15 =	smov.u32 @p3 s18;
	s18 =	sld [smem:$0x7FD];
	_ =	sdelay $0x1  }
0x68: {  	s16 =	smov.u32 @p6 s19;
	s19 =	spop (v2sf)  }
0x69: {  	s20 =	spop (v2sf);
	p1 =	seq.s32 s18, $0x1  }
0x6a: {  	s16 =	smov.u32 @p5 s21;
	s15 =	smov.u32 @p1 s20;
	s20 =	sld [smem:$0x7FC]  }
0x6b: {  	s16 =	smov.u32 @p4 s23  }
0x6c: {  	s16 =	smov.u32 @p3 s17  }
0x6d: {  	s21 =	spop (v2sf);
	s16 =	smov.u32 @p1 s19;
	p1 =	seq.s32 s20, $0x1  }
0x6e: {  	s16 =	smov.u32 @p1 s21;
	s21 =	sld [smem:$0x7FB];
	_ =	sdelay $0x1  }
0x6f: {  	s17 =	spop (v2sf)  }
0x70: {  	s15 =	smov.u32 @p1 s17;
	p1 =	seq.s32 s21, $0x1  }
0x71: {  	s15 =	smov.u32 @p1 s16  }
0x72: {  	s16 =	sand.u32 $0x1FF, s15  }
0x73: {  	s22 =	sshra.s32 s15, $0x1F;
	p1 =	slt.s32 s15, $0x1;
	p2 =	sne.s32 s16, $0x0  }
0x74: {  	s23 =	sshrl.u32 s22, $0x17;
	p1 =	por !p1, !p2  }
0x75: {  	s17 =	simm.s32 $0x1;
	s16 =	sadd.s32 s23, s15;
	p1 =	por !p1, !p1  }
0x76: {  	s16 =	sshra.s32 s16, $0x9;
	s17 =	simm.s32 @!p1 $0x0  }
0x77: {  	s19 =	ssub.s32 s16, s17  }
0x78: {  	s20 =	sshll.u32 s19, $0x9  }
0x79: {  	s16 =	ssub.s32 s15, s20  }
0x7a: {  	s24 =	sadd.s32 $0x3F, s16  }
0x7b: {  	s25 =	sand.u32 $0x3F, s24  }
0x7c: {  	s26 =	sshra.s32 s24, $0x1F;
	p1 =	slt.s32 s24, $0x1;
	p2 =	sne.s32 s25, $0x0  }
0x7d: {  	s28 =	sshrl.u32 s26, $0x1A;
	p1 =	por !p1, !p2  }
0x7e: {  	s18 =	simm.s32 $0x1;
	s17 =	sadd.s32 s28, s24;
	p1 =	por !p1, !p1  }
0x7f: {  	s17 =	sshra.s32 s17, $0x6;
	s18 =	simm.s32 @!p1 $0x0  }
0x80: {  	s17 =	ssub.s32 s17, s18  }
0x81: {  	p1 =	slt.s32 s17, $0x1  }
0x82: {  	s18 =	sshll.u32 @!p1 s19, $0x13  }
0x83: {  	s21 =	sadd.s32 @!p1 s4, s18  }
0x84: {  	s22 =	simm.s32 @!p1 $0x1000;
	s23 =	simm.s32 @!p1 $0x2000;
	s21 =	sshrl.u32 @!p1 s21, $0x3  }
0x85: {  	s24 =	simm.s32 @!p1 $0x80;
	p2 =	seq.s32 @!p1 s17, $0x1;
	s21 =	sadd.s32 @!p1 s21, s5  }
0x86: {  	[tilespmem:s24], [sflag:$0x1] =	stream.strided.gather @!p1 [hbm4b:s21+s22], $0x8000, s23, s22, $0x38;
	[tilespmem:$0x10280] =	vst v63  }
0x87: {  	p1 =	por p2, p1  }
0x88: {  	s29 =	sadd.s32 $0x1, s17;
	s18 =	sadd.s32 @!p1 s18, s6  }
0x89: {  	s30 =	sand.u32 $0x1, s29;
	s21 =	simm.s32 @!p1 $0x1000;
	s18 =	sshrl.u32 @!p1 s18, $0x3  }
0x8a: {  	s22 =	simm.s32 @!p1 $0x2000;
	s23 =	simm.s32 @!p1 $0x8080;
	s18 =	sadd.s32 @!p1 s18, s5  }
0x8b: {  	[tilespmem:s23], [sflag:$0x2] =	stream.strided.gather @!p1 [hbm4b:s18+s21], $0x8000, s22, s21, $0x38;
	[tilespmem:$0x10280] =	vst v63  }
0x8c: {  	p2 =	seq.s32 s30, $0x1;
	p1 =	slt.s32 s17, $0x0  }
0x8d: {  	s31 =	sshrl.u32 s29, $0x1F;
	p1 =	por !p1, !p2  }
0x8e: {  	s18 =	sadd.s32 s31, s29;
	s21 =	simm.s32 $0x1;
	p1 =	por !p1, !p1  }
0x8f: {  	s18 =	sshra.s32 s18, $0x1;
	s21 =	simm.s32 @!p1 $0x0  }
0x90: {  	s18 =	ssub.s32 s18, s21  }
0x91: {  	p1 =	slt.s32 s18, $0x1  }
.Ltmp2:
0x92: {  	_ = 	snop;
	(pc) =	sbr.rel @p1 .LBB2_2-.Ltmp2, $1  }
0x93: {  	_ =	sdelay $0x3  }
0x94: {  	v0 =	vimm.f32 $0.0e+00;
	v1 =	vimm.f32 $0.0e+00  }
0x95: {  	v2 =	vimm.f32 $0.0e+00;
	v3 =	vimm.f32 $0.0e+00;
	v4 =	vimm.f32 $0.0e+00  }
0x96: {  	v5 =	vimm.f32 $0.0e+00;
	v6 =	vimm.f32 $0.0e+00;
	v7 =	vimm.f32 $0.0e+00  }
0x97: {  	v8 =	vimm.f32 $0.0e+00;
	v9 =	vimm.f32 $0.0e+00;
	v10 =	vimm.f32 $0.0e+00  }
0x98: {  	v11 =	vimm.f32 $0.0e+00;
	v12 =	vimm.f32 $0.0e+00;
	v13 =	vimm.f32 $0.0e+00  }
0x99: {  	v14 =	vimm.f32 $0.0e+00;
	v15 =	vimm.f32 $0.0e+00;
	v16 =	vimm.f32 $0.0e+00  }
.Ltmp3:
0x9a: {  	v17 =	vimm.f32 $0.0e+00;
	v18 =	vimm.f32 $0.0e+00;
	v19 =	vimm.f32 $0.0e+00;
	(pc) =	sbr.rel .LBB2_4-.Ltmp3, $4  }
0x9b: {  	v20 =	vimm.f32 $0.0e+00;
	v21 =	vimm.f32 $0.0e+00;
	v22 =	vimm.f32 $0.0e+00  }
0x9c: {  	s19 =	sshll.u32 s19, $0x13;
	v23 =	vimm.f32 $0.0e+00;
	v24 =	vimm.f32 $0.0e+00;
	v25 =	vimm.f32 $0.0e+00  }
0x9d: {  	s20 =	ssub.s32 s15, s20;
	v26 =	vimm.f32 $0.0e+00;
	v27 =	vimm.f32 $0.0e+00;
	v28 =	vimm.f32 $0.0e+00;
	s21 =	simm.s32 $0x0;
	s22 =	smov.u32 s16  }
0x9e: {  	v29 =	vimm.f32 $0.0e+00;
	v30 =	vimm.f32 $0.0e+00;
	v31 =	vimm.f32 $0.0e+00;
	s23 =	simm.s32 $0x0;
	s19 =	sadd.s32 s4, s19;
	s20 =	sadd.s32 $0xFFFFFFC0, s20  }
.LBB2_11:
0x9f: {  	v37 =	vld [tilespmem:s25+$0x8CD0]  }
0xa0: {  	v38 =	vld [tilespmem:s25+$0x8CE0];
	_ =	sdelay $0x1  }
0xa1: {  	v7 =	vadd.f32 v32, v7  }
0xa2: {  	v6 =	vadd.f32 v34, v6;
	v5 =	vadd.f32 v33, v5  }
0xa3: {  	v4 =	vadd.f32 v35, v4;
	v3 =	vadd.f32 v36, v3  }
0xa4: {  	v2 =	vadd.f32 v37, v2;
	v1 =	vadd.f32 v38, v1  }
.LBB2_12:
0xa5: {  	s24 =	sadd.s32 $0x3, s24  }
0xa6: {  	p1 =	sge.s32 s24, s17  }
0xa7: {  	s24 =	sshll.u32 @!p1 s24, $0x10  }
0xa8: {  	s24 =	sadd.s32 @!p1 s24, s19  }
0xa9: {  	s23 =	sadd.s32 $0x1, s23;
	s25 =	simm.s32 @!p1 $0x1000;
	s24 =	sshrl.u32 @!p1 s24, $0x3  }
0xaa: {  	s26 =	simm.s32 @!p1 $0x2000;
	s28 =	simm.s32 @!p1 $0x8080;
	s24 =	sadd.s32 @!p1 s24, s5  }
0xab: {  	[tilespmem:s28], [sflag:$0x2] =	stream.strided.gather @!p1 [hbm4b:s24+s25], $0x8000, s26, s25, $0x38;
	[tilespmem:$0x10280] =	vst v63  }
0xac: {  	p1 =	sne.s32 s23, s18  }
.Ltmp4:
0xad: {  	_ = 	snop;
	(pc) =	sbr.rel @!p1 .LBB2_13-.Ltmp4, $2  }
0xae: {  	_ =	sdelay $0x2  }
0xaf: {  	s22 =	sadd.s32 $0xFFFFFF80, s22;
	s20 =	sadd.s32 $0xFFFFFF80, s20  }
.LBB2_4:
0xb0: {  	s24 =	sshll.u32 s23, $0x7  }
0xb1: {  	s24 =	ssub.s32 s16, s24  }
0xb2: {  	p1 =	slt.s32 s24, $0x1  }
.Ltmp5:
0xb3: {  	_ = 	snop;
	(pc) =	sbr.rel @p1 .LBB2_8-.Ltmp5, $4  }
0xb4: {  	_ = 	snop  }
0xb5: {  	_ =	swait.ge [sflag:s10], $0x8000  }
0xb6: {  	[sflag:s10] =	ssyncset.done $0x0  }
0xb7: {  	[sflag:s10] =	ssyncadd.s32 $0xFFFF8000  }
0xb8: {  	s24 =	sand.u32 $0xFFFFF000, s21;
	s25 =	sand.u32 $0x380, s21  }
0xb9: {  	s24 =	sor.u32 s25, s24  }
0xba: {  	v32 =	vld [tilespmem:s24+$0xCF0]  }
0xbb: {  	v33 =	vld [tilespmem:s24+$0x80]  }
0xbc: {  	v34 =	vld [tilespmem:s24+$0x90]  }
0xbd: {  	v35 =	vld [tilespmem:s24+$0xA0]  }
0xbe: {  	v36 =	vld [tilespmem:s24+$0xB0]  }
0xbf: {  	v37 =	vld [tilespmem:s24+$0xC0]  }
0xc0: {  	v38 =	vld [tilespmem:s24+$0xD0]  }
0xc1: {  	v39 =	vld [tilespmem:s24+$0xE0]  }
0xc2: {  	v40 =	vld [tilespmem:s24+$0xF0]  }
0xc3: {  	v41 =	vld [tilespmem:s24+$0x480]  }
0xc4: {  	v42 =	vld [tilespmem:s24+$0x490]  }
0xc5: {  	v43 =	vld [tilespmem:s24+$0x4A0]  }
0xc6: {  	v44 =	vld [tilespmem:s24+$0x4B0]  }
0xc7: {  	v45 =	vld [tilespmem:s24+$0x4C0]  }
0xc8: {  	v46 =	vld [tilespmem:s24+$0x4D0]  }
0xc9: {  	v47 =	vld [tilespmem:s24+$0x4E0]  }
0xca: {  	v48 =	vld [tilespmem:s24+$0x4F0]  }
0xcb: {  	v49 =	vld [tilespmem:s24+$0x880];
	v0 =	vadd.f32 v32, v0  }
0xcc: {  	p1 =	sgt.s32 s22, $0x1;
	s25 =	smov.u32 s22;
	v57 =	vld [tilespmem:s24+$0x890];
	v31 =	vadd.f32 v33, v31;
	v30 =	vadd.f32 v34, v30  }
0xcd: {  	v58 =	vld [tilespmem:s24+$0x8A0];
	s25 =	simm.s32 @!p1 $0x1;
	v29 =	vadd.f32 v35, v29;
	v28 =	vadd.f32 v36, v28  }
0xce: {  	v59 =	vld [tilespmem:s24+$0x8B0];
	s25 =	smin.u32 s25, $0x40;
	v27 =	vadd.f32 v37, v27;
	v26 =	vadd.f32 v38, v26  }
0xcf: {  	v60 =	vld [tilespmem:s24+$0x8C0];
	s25 =	sshll.u32 s25, $0x9;
	v25 =	vadd.f32 v39, v25;
	v24 =	vadd.f32 v40, v24  }
0xd0: {  	v61 =	vld [tilespmem:s24+$0x8D0];
	[dreg:$0x4] =	wrdreg s25;
	v23 =	vadd.f32 v41, v23;
	v22 =	vadd.f32 v42, v22  }
0xd1: {  	v62 =	vld [tilespmem:s24+$0x8E0];
	s25 =	rddreg [dreg:$0x4];
	v21 =	vadd.f32 v43, v21;
	v20 =	vadd.f32 v44, v20  }
0xd2: {  	v63 =	vld [tilespmem:s24+$0x8F0];
	v19 =	vadd.f32 v45, v19;
	v18 =	vadd.f32 v46, v18;
	p1 =	sne.s32 s25, $0x200  }
.Ltmp6:
0xd3: {  	v17 =	vadd.f32 v47, v17;
	v16 =	vadd.f32 v48, v16;
	v32 =	vld [tilespmem:s24+$0xC80];
	(pc) =	sbr.rel @!p1 .LBB2_7-.Ltmp6, $4  }
0xd4: {  	v15 =	vadd.f32 v49, v15;
	v14 =	vadd.f32 v57, v14;
	v34 =	vld [tilespmem:s24+$0xC90]  }
0xd5: {  	v13 =	vadd.f32 v58, v13;
	v12 =	vadd.f32 v59, v12;
	v33 =	vld [tilespmem:s24+$0xCA0]  }
0xd6: {  	v11 =	vadd.f32 v60, v11;
	v10 =	vadd.f32 v61, v10;
	v35 =	vld [tilespmem:s24+$0xCB0]  }
0xd7: {  	s26 =	simm.s32 $0x80;
	s25 =	simm.s32 $0x200;
	v9 =	vadd.f32 v62, v9;
	v8 =	vadd.f32 v63, v8;
	v36 =	vld [tilespmem:s24+$0xCC0]  }
.LBB2_6:
0xd8: {  	s28 =	sand.u32 $0xFFFFF000, s25;
	s29 =	sand.u32 $0x380, s26;
	v62 =	vld [tilespmem:s24+$0xCD0]  }
0xd9: {  	v63 =	vld [tilespmem:s24+$0xCE0];
	s24 =	sor.u32 s29, s28  }
0xda: {  	v37 =	vld [tilespmem:s24+$0xCF0]  }
0xdb: {  	v40 =	vld [tilespmem:s24+$0x80]  }
0xdc: {  	v41 =	vld [tilespmem:s24+$0x90]  }
0xdd: {  	v42 =	vld [tilespmem:s24+$0xA0]  }
0xde: {  	v43 =	vld [tilespmem:s24+$0xB0]  }
0xdf: {  	v44 =	vld [tilespmem:s24+$0xC0]  }
0xe0: {  	v45 =	vld [tilespmem:s24+$0xD0]  }
0xe1: {  	v46 =	vld [tilespmem:s24+$0xE0]  }
0xe2: {  	v47 =	vld [tilespmem:s24+$0xF0]  }
0xe3: {  	v48 =	vld [tilespmem:s24+$0x480]  }
0xe4: {  	v49 =	vld [tilespmem:s24+$0x490]  }
0xe5: {  	v50 =	vld [tilespmem:s24+$0x4A0]  }
0xe6: {  	v51 =	vld [tilespmem:s24+$0x4B0]  }
0xe7: {  	v52 =	vld [tilespmem:s24+$0x4C0]  }
0xe8: {  	v53 =	vld [tilespmem:s24+$0x4D0];
	v7 =	vadd.f32 v32, v7;
	v6 =	vadd.f32 v34, v6  }
0xe9: {  	v54 =	vld [tilespmem:s24+$0x4E0];
	v5 =	vadd.f32 v33, v5;
	v4 =	vadd.f32 v35, v4  }
0xea: {  	v55 =	vld [tilespmem:s24+$0x4F0];
	v3 =	vadd.f32 v36, v3;
	v2 =	vadd.f32 v62, v2  }
0xeb: {  	v56 =	vld [tilespmem:s24+$0x880];
	v1 =	vadd.f32 v63, v1;
	v0 =	vadd.f32 v37, v0  }
0xec: {  	v57 =	vld [tilespmem:s24+$0x890];
	v31 =	vadd.f32 v40, v31;
	v30 =	vadd.f32 v41, v30  }
0xed: {  	v58 =	vld [tilespmem:s24+$0x8A0];
	v29 =	vadd.f32 v42, v29;
	v28 =	vadd.f32 v43, v28  }
0xee: {  	v59 =	vld [tilespmem:s24+$0x8B0];
	v27 =	vadd.f32 v44, v27;
	v26 =	vadd.f32 v45, v26  }
0xef: {  	v60 =	vld [tilespmem:s24+$0x8C0];
	v25 =	vadd.f32 v46, v25;
	v24 =	vadd.f32 v47, v24  }
0xf0: {  	v61 =	vld [tilespmem:s24+$0x8D0];
	v23 =	vadd.f32 v48, v23;
	v22 =	vadd.f32 v49, v22  }
0xf1: {  	s30 =	rddreg [dreg:$0x4];
	s25 =	sadd.s32 $0x200, s25;
	v62 =	vld [tilespmem:s24+$0x8E0];
	v21 =	vadd.f32 v50, v21;
	v20 =	vadd.f32 v51, v20  }
0xf2: {  	p1 =	sne.s32 s30, s25;
	v63 =	vld [tilespmem:s24+$0x8F0];
	v19 =	vadd.f32 v52, v19;
	v18 =	vadd.f32 v53, v18  }
.Ltmp7:
0xf3: {  	v32 =	vld [tilespmem:s24+$0xC80];
	v17 =	vadd.f32 v54, v17;
	v16 =	vadd.f32 v55, v16;
	(pc) =	sbr.rel @p1 .LBB2_6-.Ltmp7, $4  }
0xf4: {  	v34 =	vld [tilespmem:s24+$0xC90];
	v15 =	vadd.f32 v56, v15;
	v14 =	vadd.f32 v57, v14  }
0xf5: {  	v33 =	vld [tilespmem:s24+$0xCA0];
	v13 =	vadd.f32 v58, v13;
	v12 =	vadd.f32 v59, v12  }
0xf6: {  	v35 =	vld [tilespmem:s24+$0xCB0];
	v11 =	vadd.f32 v60, v11;
	v10 =	vadd.f32 v61, v10  }
0xf7: {  	s26 =	sadd.s32 $0x80, s26;
	v36 =	vld [tilespmem:s24+$0xCC0];
	v9 =	vadd.f32 v62, v9;
	v8 =	vadd.f32 v63, v8  }
.LBB2_7:
0xf8: {  	v37 =	vld [tilespmem:s24+$0xCD0]  }
0xf9: {  	v38 =	vld [tilespmem:s24+$0xCE0];
	_ =	sdelay $0x1  }
0xfa: {  	v7 =	vadd.f32 v32, v7  }
0xfb: {  	v6 =	vadd.f32 v34, v6;
	v5 =	vadd.f32 v33, v5  }
0xfc: {  	v4 =	vadd.f32 v35, v4;
	v3 =	vadd.f32 v36, v3  }
0xfd: {  	v2 =	vadd.f32 v37, v2;
	v1 =	vadd.f32 v38, v1  }
.LBB2_8:
0xfe: {  	s24 =	sshll.u32 s23, $0x1  }
0xff: {  	s25 =	sadd.s32 $0x2, s24  }
0x100: {  	p1 =	sge.s32 s25, s17  }
0x101: {  	s25 =	sshll.u32 @!p1 s25, $0x10  }
0x102: {  	s25 =	sadd.s32 @!p1 s25, s19  }
0x103: {  	s31 =	sor.u32 $0x1, s24;
	s26 =	simm.s32 @!p1 $0x1000;
	s25 =	sshrl.u32 @!p1 s25, $0x3  }
0x104: {  	s28 =	simm.s32 @!p1 $0x2000;
	s29 =	simm.s32 @!p1 $0x80;
	s25 =	sadd.s32 @!p1 s25, s5  }
0x105: {  	[tilespmem:s29], [sflag:$0x1] =	stream.strided.gather @!p1 [hbm4b:s25+s26], $0x8000, s28, s26, $0x38;
	[tilespmem:$0x10280] =	vst v63  }
0x106: {  	s25 =	sshll.u32 s31, $0x6  }
0x107: {  	s25 =	ssub.s32 s16, s25  }
0x108: {  	p2 =	slt.s32 s25, $0x1  }
.Ltmp8:
0x109: {  	p1 =	sge.s32 s31, s17;
	(pc) =	sbr.rel @p2 .LBB2_12-.Ltmp8, $4  }
0x10a: {  	s26 =	simm.s32 @!p1 $0x2  }
0x10b: {  	_ =	swait.ge @!p1 [sflag:s26], $0x8000  }
0x10c: {  	[sflag:s26] =	ssyncset.done @!p1 $0x0  }
0x10d: {  	[sflag:s26] =	ssyncadd.s32 @!p1 $0xFFFF8000  }
0x10e: {  	s25 =	simm.s32 $0x0  }
0x10f: {  	s26 =	sand.u32 $0xFFFFF000, s25;
	s25 =	sand.u32 $0x380, s25  }
0x110: {  	s25 =	sor.u32 s25, s26  }
0x111: {  	v32 =	vld [tilespmem:s25+$0x8CF0]  }
0x112: {  	v33 =	vld [tilespmem:s25+$0x8080]  }
0x113: {  	v34 =	vld [tilespmem:s25+$0x8090]  }
0x114: {  	v35 =	vld [tilespmem:s25+$0x80A0]  }
0x115: {  	v36 =	vld [tilespmem:s25+$0x80B0]  }
0x116: {  	v37 =	vld [tilespmem:s25+$0x80C0]  }
0x117: {  	v38 =	vld [tilespmem:s25+$0x80D0]  }
0x118: {  	v39 =	vld [tilespmem:s25+$0x80E0]  }
0x119: {  	v40 =	vld [tilespmem:s25+$0x80F0]  }
0x11a: {  	v41 =	vld [tilespmem:s25+$0x8480]  }
0x11b: {  	v42 =	vld [tilespmem:s25+$0x8490]  }
0x11c: {  	v43 =	vld [tilespmem:s25+$0x84A0]  }
0x11d: {  	v44 =	vld [tilespmem:s25+$0x84B0]  }
0x11e: {  	v45 =	vld [tilespmem:s25+$0x84C0]  }
0x11f: {  	v46 =	vld [tilespmem:s25+$0x84D0]  }
0x120: {  	v47 =	vld [tilespmem:s25+$0x84E0]  }
0x121: {  	v48 =	vld [tilespmem:s25+$0x84F0]  }
0x122: {  	v49 =	vld [tilespmem:s25+$0x8880];
	v0 =	vadd.f32 v32, v0  }
0x123: {  	p1 =	sgt.s32 s20, $0x1;
	s26 =	smov.u32 s20;
	v57 =	vld [tilespmem:s25+$0x8890];
	v31 =	vadd.f32 v33, v31;
	v30 =	vadd.f32 v34, v30  }
0x124: {  	v58 =	vld [tilespmem:s25+$0x88A0];
	s26 =	simm.s32 @!p1 $0x1;
	v29 =	vadd.f32 v35, v29;
	v28 =	vadd.f32 v36, v28  }
0x125: {  	v59 =	vld [tilespmem:s25+$0x88B0];
	s26 =	smin.u32 s26, $0x40;
	v27 =	vadd.f32 v37, v27;
	v26 =	vadd.f32 v38, v26  }
0x126: {  	v60 =	vld [tilespmem:s25+$0x88C0];
	s26 =	sshll.u32 s26, $0x9;
	v25 =	vadd.f32 v39, v25;
	v24 =	vadd.f32 v40, v24  }
0x127: {  	v61 =	vld [tilespmem:s25+$0x88D0];
	[dreg:$0x5] =	wrdreg s26;
	v23 =	vadd.f32 v41, v23;
	v22 =	vadd.f32 v42, v22  }
0x128: {  	v62 =	vld [tilespmem:s25+$0x88E0];
	s26 =	rddreg [dreg:$0x5];
	v21 =	vadd.f32 v43, v21;
	v20 =	vadd.f32 v44, v20  }
0x129: {  	v63 =	vld [tilespmem:s25+$0x88F0];
	v19 =	vadd.f32 v45, v19;
	v18 =	vadd.f32 v46, v18;
	p1 =	sne.s32 s26, $0x200  }
.Ltmp9:
0x12a: {  	v17 =	vadd.f32 v47, v17;
	v16 =	vadd.f32 v48, v16;
	v32 =	vld [tilespmem:s25+$0x8C80];
	(pc) =	sbr.rel @!p1 .LBB2_11-.Ltmp9, $4  }
0x12b: {  	v15 =	vadd.f32 v49, v15;
	v14 =	vadd.f32 v57, v14;
	v34 =	vld [tilespmem:s25+$0x8C90]  }
0x12c: {  	v13 =	vadd.f32 v58, v13;
	v12 =	vadd.f32 v59, v12;
	v33 =	vld [tilespmem:s25+$0x8CA0]  }
0x12d: {  	v11 =	vadd.f32 v60, v11;
	v10 =	vadd.f32 v61, v10;
	v35 =	vld [tilespmem:s25+$0x8CB0]  }
0x12e: {  	s28 =	simm.s32 $0x80;
	s26 =	simm.s32 $0x200;
	v9 =	vadd.f32 v62, v9;
	v8 =	vadd.f32 v63, v8;
	v36 =	vld [tilespmem:s25+$0x8CC0]  }
.LBB2_10:
0x12f: {  	s29 =	sand.u32 $0xFFFFF000, s26;
	s30 =	sand.u32 $0x380, s28;
	v62 =	vld [tilespmem:s25+$0x8CD0]  }
0x130: {  	v63 =	vld [tilespmem:s25+$0x8CE0];
	s25 =	sor.u32 s30, s29  }
0x131: {  	v37 =	vld [tilespmem:s25+$0x8CF0]  }
0x132: {  	v40 =	vld [tilespmem:s25+$0x8080]  }
0x133: {  	v41 =	vld [tilespmem:s25+$0x8090]  }
0x134: {  	v42 =	vld [tilespmem:s25+$0x80A0]  }
0x135: {  	v43 =	vld [tilespmem:s25+$0x80B0]  }
0x136: {  	v44 =	vld [tilespmem:s25+$0x80C0]  }
0x137: {  	v45 =	vld [tilespmem:s25+$0x80D0]  }
0x138: {  	v46 =	vld [tilespmem:s25+$0x80E0]  }
0x139: {  	v47 =	vld [tilespmem:s25+$0x80F0]  }
0x13a: {  	v48 =	vld [tilespmem:s25+$0x8480]  }
0x13b: {  	v49 =	vld [tilespmem:s25+$0x8490]  }
0x13c: {  	v50 =	vld [tilespmem:s25+$0x84A0]  }
0x13d: {  	v51 =	vld [tilespmem:s25+$0x84B0]  }
0x13e: {  	v52 =	vld [tilespmem:s25+$0x84C0]  }
0x13f: {  	v7 =	vadd.f32 v32, v7;
	v6 =	vadd.f32 v34, v6;
	v53 =	vld [tilespmem:s25+$0x84D0]  }
0x140: {  	v5 =	vadd.f32 v33, v5;
	v4 =	vadd.f32 v35, v4;
	v54 =	vld [tilespmem:s25+$0x84E0]  }
0x141: {  	v3 =	vadd.f32 v36, v3;
	v55 =	vld [tilespmem:s25+$0x84F0];
	v2 =	vadd.f32 v62, v2  }
0x142: {  	v56 =	vld [tilespmem:s25+$0x8880];
	v1 =	vadd.f32 v63, v1;
	v0 =	vadd.f32 v37, v0  }
0x143: {  	v57 =	vld [tilespmem:s25+$0x8890];
	v31 =	vadd.f32 v40, v31;
	v30 =	vadd.f32 v41, v30  }
0x144: {  	v58 =	vld [tilespmem:s25+$0x88A0];
	v29 =	vadd.f32 v42, v29;
	v28 =	vadd.f32 v43, v28  }
0x145: {  	v59 =	vld [tilespmem:s25+$0x88B0];
	v27 =	vadd.f32 v44, v27;
	v26 =	vadd.f32 v45, v26  }
0x146: {  	v60 =	vld [tilespmem:s25+$0x88C0];
	v25 =	vadd.f32 v46, v25;
	v24 =	vadd.f32 v47, v24  }
0x147: {  	v61 =	vld [tilespmem:s25+$0x88D0];
	v23 =	vadd.f32 v48, v23;
	v22 =	vadd.f32 v49, v22  }
0x148: {  	s31 =	rddreg [dreg:$0x5];
	s26 =	sadd.s32 $0x200, s26;
	v62 =	vld [tilespmem:s25+$0x88E0];
	v21 =	vadd.f32 v50, v21;
	v20 =	vadd.f32 v51, v20  }
0x149: {  	p1 =	sne.s32 s31, s26;
	v63 =	vld [tilespmem:s25+$0x88F0];
	v19 =	vadd.f32 v52, v19;
	v18 =	vadd.f32 v53, v18  }
.Ltmp10:
0x14a: {  	v32 =	vld [tilespmem:s25+$0x8C80];
	v17 =	vadd.f32 v54, v17;
	v16 =	vadd.f32 v55, v16;
	(pc) =	sbr.rel @p1 .LBB2_10-.Ltmp10, $4  }
0x14b: {  	v34 =	vld [tilespmem:s25+$0x8C90];
	v15 =	vadd.f32 v56, v15;
	v14 =	vadd.f32 v57, v14  }
0x14c: {  	v33 =	vld [tilespmem:s25+$0x8CA0];
	v13 =	vadd.f32 v58, v13;
	v12 =	vadd.f32 v59, v12  }
0x14d: {  	v35 =	vld [tilespmem:s25+$0x8CB0];
	v11 =	vadd.f32 v60, v11;
	v10 =	vadd.f32 v61, v10  }
0x14e: {  	s28 =	sadd.s32 $0x80, s28;
	v36 =	vld [tilespmem:s25+$0x8CC0];
	v9 =	vadd.f32 v62, v9;
	v8 =	vadd.f32 v63, v8  }
.Ltmp11:
0x14f: {  	_ = 	snop;
	(pc) =	sbr.rel .LBB2_11-.Ltmp11, $1  }
0x150: {  	_ =	sdelay $0x3  }
.LBB2_14:
0x151: {  	_ =	sfence.sel $0x180000  }
0x152: {  	[bflag:$0x0] =	sbarrier.arrive $0xFFFF  }
0x153: {  	p0 =	sne.s32 s2, $0x0;
	_ =	strace $0x90000047  }
0x154: {  	s0 =	sadd.s32 @!p0 $0x100000, s0;
	[bflag:$0x2] =	sbarrier.arrive $0xFFFF  }
0x155: {  	[sflag:s0] =	ssyncadd.tile.s32 @!p0 $0x1;
	_ =	shalt  }
.Lfunc_end2:
_tile_overlayer_lowered:
.L_overlay_start_2:
0x156: {  	(tag) =	ssettag $0x2  }
0x157: {  	s0 =	rddreg [dreg:$0x0];
	s2 =	stileid.u32  }
0x158: {  	s1 =	rddreg [dreg:$0x1];
	p0 =	sne.s32 s2, $0x0  }
0x159: {  	s3 =	rddreg [dreg:$0x2];
	[bflag:$0x3] =	sbarrier.arrive $0xFFFF;
	s2 =	simm.s32 @!p0 $0x1C03  }
0x15a: {  	[timem:s3], [sflag:s2] =	dma.local @!p0 [hbm:s0], s1  }
0x15b: {  	s0 =	simm.s32 @!p0 $0x3  }
0x15c: {  	_ =	swait.ge @!p0 [sflag:s0], s1  }
0x15d: {  	s1 =	ssub.s32 @!p0 $0x0, s1;
	[sflag:s0] =	ssyncset.done @!p0 $0x0  }
0x15e: {  	[sflag:s0] =	ssyncadd.s32 @!p0 s1  }
0x15f: {  	[bflag:$0x3] =	sbarrier.arrive $0xFFFF  }
0x160: {  	_ =	shalt  }

</sc_bundles>
